<compile_context>
chip_gen: v7x
topology: tpu7x:2x2x1
jax: 0.10.2.dev20260603
libtpu: 0.0.44.dev20260713+nightly
codegen_flags: <defaults>
</compile_context>

<pallas_src>
import functools

import jax
import jax.numpy as jnp
from jax import lax
from jax.experimental import pallas as pl
from jax.experimental.pallas import tpu as pltpu
from jax.experimental.pallas import tpu_sc as plsc

N_RNA = 5000
N_PROT = 5000
NUM_NODES = N_RNA + N_PROT
D = 128
HID = 128
N_ALL_EDGES = 320000
E_POS = N_ALL_EDGES // 2
E = 2 * E_POS

NC = 2
NS = 16
NW = NC * NS
EW = E // NW
CH = 80
NCHUNK = EW // CH
NPAIR = (NCHUNK - 1) // 2

DUMP_TILES = 10
ROWS_PER_TILE = NUM_NODES // DUMP_TILES
ZR = 40
NZCHUNK = ROWS_PER_TILE // ZR
CW = 128

_vec_mesh = plsc.VectorSubcoreMesh(core_axis_name="c", subcore_axis_name="s")


@functools.partial(
    pl.kernel,
    out_type=jax.ShapeDtypeStruct((E, D), jnp.float32),
    mesh=_vec_mesh,
    scratch_types=[
        pltpu.VMEM((EW,), jnp.int32),
        pltpu.VMEM((EW,), jnp.int32),
        pltpu.VMEM((CH, D), jnp.float32),
        pltpu.VMEM((CH, D), jnp.float32),
        pltpu.VMEM((CH, D), jnp.float32),
        pltpu.VMEM((CH, D), jnp.float32),
        pltpu.VMEM((CH, D), jnp.float32),
        pltpu.VMEM((CH, D), jnp.float32),
        pltpu.SemaphoreType.DMA,
        pltpu.SemaphoreType.DMA,
        pltpu.SemaphoreType.DMA,
        pltpu.SemaphoreType.DMA,
    ],
)
def _edge_features(nfea, src, dst, h_out, src_v, dst_v,
                   bufa0, bufb0, bufh0, bufa1, bufb1, bufh1,
                   sa0, sb0, sa1, sb1):
    wid = lax.axis_index("s") * NC + lax.axis_index("c")
    base = wid * EW
    pltpu.sync_copy(src.at[pl.ds(base, EW)], src_v)
    pltpu.sync_copy(dst.at[pl.ds(base, EW)], dst_v)

    def start(c, ba, bb, s_a, s_b):
        off = c * CH
        pltpu.async_copy(nfea.at[src_v.at[pl.ds(off, CH)]], ba, s_a)
        pltpu.async_copy(nfea.at[dst_v.at[pl.ds(off, CH)]], bb, s_b)

    def wait(ba, bb, s_a, s_b):
        pltpu.make_async_copy(nfea.at[src_v.at[pl.ds(0, CH)]], ba, s_a).wait()
        pltpu.make_async_copy(nfea.at[dst_v.at[pl.ds(0, CH)]], bb, s_b).wait()

    def compute(c, ba, bb, bh):
        def row(r, carry2):
            for k in range(D // 16):
                sl = pl.ds(k * 16, 16)
                bh[r, sl] = ba[r, sl] * bb[r, sl]
            return carry2

        lax.fori_loop(0, CH, row, 0, unroll=False)
        pltpu.sync_copy(bh, h_out.at[pl.ds(base + c * CH, CH)])

    start(0, bufa0, bufb0, sa0, sb0)

    def pair(i, carry):
        c0 = 2 * i
        start(c0 + 1, bufa1, bufb1, sa1, sb1)
        wait(bufa0, bufb0, sa0, sb0)
        compute(c0, bufa0, bufb0, bufh0)
        start(c0 + 2, bufa0, bufb0, sa0, sb0)
        wait(bufa1, bufb1, sa1, sb1)
        compute(c0 + 1, bufa1, bufb1, bufh1)
        return carry

    lax.fori_loop(0, NPAIR, pair, 0, unroll=False)
    wait(bufa0, bufb0, sa0, sb0)
    compute(NCHUNK - 1, bufa0, bufb0, bufh0)


@functools.partial(
    pl.kernel,
    out_type=jax.ShapeDtypeStruct((NC, NUM_NODES, D), jnp.float32),
    mesh=_vec_mesh,
    scratch_types=[
        pltpu.VMEM((CH,), jnp.int32),
        pltpu.VMEM((CH,), jnp.int32),
        pltpu.VMEM((NCHUNK, CH), jnp.int32),
        pltpu.VMEM((CH, D), jnp.float32),
        pltpu.VMEM((CH, D), jnp.float32),
        pltpu.VMEM((ZR, D), jnp.float32),
        pltpu.VMEM_SHARED((NUM_NODES, D), jnp.float32),
        pltpu.SemaphoreType.DMA,
        pltpu.SemaphoreType.DMA,
        pltpu.SemaphoreType.DMA,
    ],
)
def _aggregate_sum(h, src, dst3, aggr_out, sidx0, sidx1, dst_m, bufm0, bufm1,
                   zbuf, aggr_sh, sm0, sm1, ssc):
    cid = lax.axis_index("c")
    sid = lax.axis_index("s")
    wid = sid * NC + cid
    base = wid * EW
    pltpu.sync_copy(dst3.at[wid], dst_m)

    def zrow(r, carry):
        for k in range(D // 16):
            zbuf[r, pl.ds(k * 16, 16)] = jnp.zeros((16,), jnp.float32)
        return carry

    lax.fori_loop(0, ZR, zrow, 0, unroll=False)

    @pl.when(sid < DUMP_TILES)
    def _zero_shared():
        row0 = sid * ROWS_PER_TILE

        def zchunk(j, carry):
            pltpu.sync_copy(zbuf, aggr_sh.at[pl.ds(row0 + j * ZR, ZR)])
            return carry

        lax.fori_loop(0, NZCHUNK, zchunk, 0, unroll=False)

    plsc.subcore_barrier()

    def start(c, sidx, bm, s_m):
        pltpu.sync_copy(src.at[pl.ds(base + c * CH, CH)], sidx)
        pltpu.async_copy(h.at[sidx], bm, s_m)

    def wait(sidx, bm, s_m):
        pltpu.make_async_copy(h.at[sidx], bm, s_m).wait()

    def scatter(c, bm):
        pltpu.sync_copy(bm, aggr_sh.at[dst_m.at[c]], add=True)

    start(0, sidx0, bufm0, sm0)

    def pair(i, carry):
        c0 = 2 * i
        start(c0 + 1, sidx1, bufm1, sm1)
        wait(sidx0, bufm0, sm0)
        pltpu.async_copy(bufm0, aggr_sh.at[dst_m.at[c0]], ssc, add=True)
        wait(sidx1, bufm1, sm1)
        pltpu.make_async_copy(bufm0, aggr_sh.at[dst_m.at[c0]], ssc).wait()
        start(c0 + 2, sidx0, bufm0, sm0)
        scatter(c0 + 1, bufm1)
        return carry

    lax.fori_loop(0, NPAIR, pair, 0, unroll=False)
    wait(sidx0, bufm0, sm0)
    scatter(NCHUNK - 1, bufm0)
    plsc.subcore_barrier()

    @pl.when(sid < DUMP_TILES)
    def _dump():
        row0 = sid * ROWS_PER_TILE

        def dchunk(j, carry):
            off = row0 + j * ZR
            pltpu.sync_copy(aggr_sh.at[pl.ds(off, ZR)], zbuf)
            pltpu.sync_copy(zbuf, aggr_out.at[cid, pl.ds(off, ZR)])
            return carry

        lax.fori_loop(0, NZCHUNK, dchunk, 0, unroll=False)


@functools.partial(
    pl.kernel,
    out_type=jax.ShapeDtypeStruct((NC, NUM_NODES, CW), jnp.float32),
    mesh=_vec_mesh,
    scratch_types=[
        pltpu.VMEM((NCHUNK, CH), jnp.int32),
        pltpu.VMEM((CH, CW), jnp.float32),
        pltpu.VMEM((ZR, CW), jnp.float32),
        pltpu.VMEM_SHARED((NUM_NODES, CW), jnp.float32),
    ],
)
def _aggregate_cnt(dst3, cnt_out, dst_m, ones_v, zbuf2, cnt_sh):
    cid = lax.axis_index("c")
    sid = lax.axis_index("s")
    wid = sid * NC + cid
    pltpu.sync_copy(dst3.at[wid], dst_m)

    def orow(r, carry):
        for k in range(CW // 16):
            ones_v[r, pl.ds(k * 16, 16)] = jnp.ones((16,), jnp.float32)
        return carry

    lax.fori_loop(0, CH, orow, 0, unroll=False)

    def zrow2(r, carry):
        for k in range(CW // 16):
            zbuf2[r, pl.ds(k * 16, 16)] = jnp.zeros((16,), jnp.float32)
        return carry

    lax.fori_loop(0, ZR, zrow2, 0, unroll=False)

    @pl.when(sid < DUMP_TILES)
    def _zero_shared():
        row0 = sid * ROWS_PER_TILE

        def zchunk(j, carry):
            pltpu.sync_copy(zbuf2, cnt_sh.at[pl.ds(row0 + j * ZR, ZR)])
            return carry

        lax.fori_loop(0, NZCHUNK, zchunk, 0, unroll=False)

    plsc.subcore_barrier()

    def chunk(c, carry):
        pltpu.sync_copy(ones_v, cnt_sh.at[dst_m.at[c]], add=True)
        return carry

    lax.fori_loop(0, NCHUNK, chunk, 0, unroll=False)
    plsc.subcore_barrier()

    @pl.when(sid < DUMP_TILES)
    def _dump():
        row0 = sid * ROWS_PER_TILE

        def dchunk(j, carry):
            off = row0 + j * ZR
            pltpu.sync_copy(cnt_sh.at[pl.ds(off, ZR)], zbuf2)
            pltpu.sync_copy(zbuf2, cnt_out.at[cid, pl.ds(off, ZR)])
            return carry

        lax.fori_loop(0, NZCHUNK, dchunk, 0, unroll=False)


def _sage_left_body(ap_ref, cp_ref, wl_ref, a_ref):
    aggr = ap_ref[0] + ap_ref[1]
    cnt = cp_ref[0, :, 0:1] + cp_ref[1, :, 0:1]
    aggr = aggr / jnp.maximum(cnt, 1.0)
    a_ref[...] = jnp.dot(aggr, wl_ref[...], preferred_element_type=jnp.float32)


def _sage_left(aggr_part, cnt_part, W_l):
    return pl.pallas_call(
        _sage_left_body,
        out_shape=jax.ShapeDtypeStruct((NUM_NODES, HID), jnp.float32),
    )(aggr_part, cnt_part, W_l)


BLK = 2000
A_BLKS = NUM_NODES // BLK
NBLK_TAIL = (E - NUM_NODES) // BLK


def _mlp_math(z, w1_ref, b1_ref, w2_ref, b2_ref, w3_ref, b3_ref):
    z = jnp.maximum(z, 0.0)
    z = jnp.maximum(jnp.dot(z, w1_ref[...], preferred_element_type=jnp.float32)
                    + b1_ref[...], 0.0)
    z = jnp.maximum(jnp.dot(z, w2_ref[...], preferred_element_type=jnp.float32)
                    + b2_ref[...], 0.0)
    o = jnp.dot(z, w3_ref[...], preferred_element_type=jnp.float32) + b3_ref[...]
    m = jnp.max(o, axis=1, keepdims=True)
    lse = m + jnp.log(jnp.sum(jnp.exp(o - m), axis=1, keepdims=True))
    return o - lse


def _mlp_head_body(h_ref, a_ref, wr_ref, bs_ref, w1_ref, b1_ref, w2_ref,
                   b2_ref, w3_ref, b3_ref, out_ref):
    z = jnp.dot(h_ref[...], wr_ref[...], preferred_element_type=jnp.float32)
    z = z + bs_ref[...] + a_ref[...]
    out_ref[...] = _mlp_math(z, w1_ref, b1_ref, w2_ref, b2_ref, w3_ref, b3_ref)


def _mlp_tail_body(h_ref, wr_ref, bs_ref, w1_ref, b1_ref, w2_ref, b2_ref,
                   w3_ref, b3_ref, out_ref):
    z = jnp.dot(h_ref[...], wr_ref[...], preferred_element_type=jnp.float32)
    z = z + bs_ref[...]
    out_ref[...] = _mlp_math(z, w1_ref, b1_ref, w2_ref, b2_ref, w3_ref, b3_ref)


def _full(r, c):
    return pl.BlockSpec((r, c), lambda i: (0, 0))


_W_SPECS = [_full(D, HID), _full(1, HID), _full(HID, 64), _full(1, 64),
            _full(64, 32), _full(1, 32), _full(32, 2), _full(1, 2)]


def _mlp_head(h, a_small, W_r, b_s, W1, b1, W2, b2, W3, b3):
    return pl.pallas_call(
        _mlp_head_body,
        grid=(A_BLKS,),
        in_specs=[pl.BlockSpec((BLK, D), lambda i: (i, 0)),
                  pl.BlockSpec((BLK, HID), lambda i: (i, 0))] + _W_SPECS,
        out_specs=pl.BlockSpec((BLK, 2), lambda i: (i, 0)),
        out_shape=jax.ShapeDtypeStruct((NUM_NODES, 2), jnp.float32),
    )(h, a_small, W_r, b_s, W1, b1, W2, b2, W3, b3)


def _mlp_tail(h, W_r, b_s, W1, b1, W2, b2, W3, b3):
    return pl.pallas_call(
        _mlp_tail_body,
        grid=(NBLK_TAIL,),
        in_specs=[pl.BlockSpec((BLK, D), lambda i: (i + A_BLKS, 0))] + _W_SPECS,
        out_specs=pl.BlockSpec((BLK, 2), lambda i: (i, 0)),
        out_shape=jax.ShapeDtypeStruct((E - NUM_NODES, 2), jnp.float32),
    )(h, W_r, b_s, W1, b1, W2, b2, W3, b3)


def kernel(rna_f, protein_f, all_edges, W_sage_l, b_sage, W_sage_r,
           W1, b1, W2, b2, W3, b3):
    n_fea = jnp.concatenate([rna_f, protein_f], axis=0)
    pos = all_edges[::2]
    neg = jax.random.randint(jax.random.key(42), (2, E_POS), 0, NUM_NODES,
                             all_edges.dtype)
    src = jnp.concatenate([pos[:, 0], neg[0]])
    dst = jnp.concatenate([pos[:, 1], neg[1]])
    dst3 = dst.reshape(NW, NCHUNK, CH)

    h = _edge_features(n_fea, src, dst)
    aggr_part = _aggregate_sum(h, src, dst3)
    cnt_part = _aggregate_cnt(dst3)
    a_small = _sage_left(aggr_part, cnt_part, W_sage_l)
    ws = (W_sage_r, b_sage.reshape(1, HID), W1, b1.reshape(1, 64),
          W2, b2.reshape(1, 32), W3, b3.reshape(1, 2))
    prob_tail = _mlp_tail(h, *ws)
    prob_head = _mlp_head(h, a_small, *ws)
    prob = jnp.concatenate([prob_head, prob_tail], axis=0)
    label = jnp.concatenate([jnp.ones((E_POS,), jnp.int32),
                             jnp.zeros((E_POS,), jnp.int32)])
    return (prob, label)

# --- scband reference (transcript-rebuilt; emitter-appended) ---
"""Pipeline reference for scband-ho-gn-23811298689149 (READ-ONLY COPY).

The authoritative reference and input builder live on the scoring server;
editing this copy changes nothing except your own understanding.
"""

import jax, jax.numpy as jnp
import numpy as np

N_RNA = 5000
N_PROT = 5000
D = 128
N_ALL_EDGES = 320000
NUM_NODES = N_RNA + N_PROT
HID = 128


def setup_inputs(seed: int = 0) -> dict:
    key = jax.random.key(seed)
    ks = jax.random.split(key, 13)
    s = 0.05
    return {
        "rna_f": jax.random.normal(ks[0], (N_RNA, D), jnp.float32),
        "protein_f": jax.random.normal(ks[1], (N_PROT, D), jnp.float32),
        "all_edges": jax.random.randint(ks[2], (N_ALL_EDGES, 2), 0, NUM_NODES, jnp.int32),
        "W_sage_l": jax.random.normal(ks[3], (D, HID), jnp.float32) * s,
        "b_sage": jnp.zeros((HID,), jnp.float32),
        "W_sage_r": jax.random.normal(ks[4], (D, HID), jnp.float32) * s,
        "W1": jax.random.normal(ks[5], (HID, 64), jnp.float32) * s,
        "b1": jnp.zeros((64,), jnp.float32),
        "W2": jax.random.normal(ks[6], (64, 32), jnp.float32) * s,
        "b2": jnp.zeros((32,), jnp.float32),
        "W3": jax.random.normal(ks[7], (32, 2), jnp.float32) * s,
        "b3": jnp.zeros((2,), jnp.float32),
    }


def sage_conv(x, edge_index, W_l, b_l, W_r):
    # PyG SAGEConv(mean aggr): out = lin_l(mean_j x_j) + lin_r(x_i)
    src = edge_index[0]
    dst = edge_index[1]
    n = x.shape[0]
    msgs = jnp.take(x, src, axis=0)
    aggr = jax.ops.segment_sum(msgs, dst, num_segments=n)
    cnt = jax.ops.segment_sum(jnp.ones((msgs.shape[0],), x.dtype), dst, num_segments=n)
    aggr = aggr / jnp.clip(cnt, 1.0)[:, None]
    return aggr @ W_l + b_l + x @ W_r


def reference(rna_f, protein_f, all_edges, W_sage_l, b_sage, W_sage_r, W1, b1, W2, b2, W3, b3):
    n_fea = jnp.concatenate([rna_f, protein_f], axis=0)
    # keep every other edge (i % 2 == 0), then transpose -> [2, E_pos]
    edges = all_edges[::2].T
    e_pos = edges.shape[1]
    # negative_sampling stand-in: deterministic random node pairs
    neg_edges = jax.random.randint(jax.random.key(42), (2, e_pos), 0, NUM_NODES, edges.dtype)
    edge_index = jnp.concatenate([edges, neg_edges], axis=1)
    h = jnp.take(n_fea, edge_index[0], axis=0) * jnp.take(n_fea, edge_index[1], axis=0)
    h = sage_conv(h, edge_index, W_sage_l, b_sage, W_sage_r)
    h = jax.nn.relu(h)
    h = jax.nn.relu(h @ W1 + b1)
    h = jax.nn.relu(h @ W2 + b2)
    h = h @ W3 + b3
    prob = jax.nn.log_softmax(h, axis=-1)
    label = jnp.concatenate([jnp.ones((e_pos,), jnp.int32), jnp.zeros((e_pos,), jnp.int32)])
    return (prob, label)

if __name__ == "__main__":
    import jax
    _d = setup_inputs()
    print(jax.jit(kernel)(*tuple(_d.values())))

</pallas_src>

<mosaic_0001>
#map = affine_map<(d0, d1) -> (0, 0)>
#map1 = affine_map<(d0, d1) -> (0)>
#map2 = affine_map<(d0, d1) -> (0, 0, 0)>
module attributes {stable_mosaic.version = 14 : i64} {
  func.func @_aggregate_sum(%arg0: i32, %arg1: i32, %arg2: memref<320000x128xf32, #tpu.memory_space<hbm>>, %arg3: memref<320000xi32, #tpu.memory_space<hbm>>, %arg4: memref<32x125x80xi32, #tpu.memory_space<hbm>>, %arg5: memref<2x10000x128xf32, #tpu.memory_space<hbm>>, %arg6: memref<80xi32, #tpu.memory_space<vmem>>, %arg7: memref<80xi32, #tpu.memory_space<vmem>>, %arg8: memref<125x80xi32, #tpu.memory_space<vmem>>, %arg9: memref<80x128xf32, #tpu.memory_space<vmem>>, %arg10: memref<80x128xf32, #tpu.memory_space<vmem>>, %arg11: memref<40x128xf32, #tpu.memory_space<vmem>>, %arg12: memref<10000x128xf32, #tpu.memory_space<vmem_shared>>, %arg13: memref<!tpu.dma_semaphore, #tpu.memory_space<semaphore_mem>>, %arg14: memref<!tpu.dma_semaphore, #tpu.memory_space<semaphore_mem>>, %arg15: memref<!tpu.dma_semaphore, #tpu.memory_space<semaphore_mem>>) attributes {dimension_semantics = [#tpu.dimension_semantics<core_parallel>, #tpu.dimension_semantics<subcore_parallel>], iteration_bounds = array<i64: 2, 16>, scalar_prefetch = 0 : i64, scratch_operands = 10 : i64, tpu.core_type = #tpu.core_type<sc_vector_subcore>, window_params = [{transform_indices = #map}, {transform_indices = #map1}, {transform_indices = #map2}, {transform_indices = #map2}]} {
    %mul3A = arith.constant 2 : i32
    %mul3A_0 = arith.muli %arg1, %mul3A : i32
    %add3A = arith.addi %mul3A_0, %arg0 : i32
    %mul3A_1 = arith.constant 10000 : i32
    %mul3A_2 = arith.muli %add3A, %mul3A_1 : i32
    "tpu.region"() ({
      %run_scoped3A_28 = tpu.sem_alloc : memref<!tpu.dma_semaphore, #tpu.memory_space<semaphore_mem>>
      %dma_start3A_29 = arith.constant 0 : i32
      %dma_start3A_30 = arith.constant 0 : i32
      %dma_start3A_31 = tpu.memref_slice %arg4[%add3A, %dma_start3A_29, %dma_start3A_30] : memref<32x125x80xi32, #tpu.memory_space<hbm>> -> memref<1x125x80xi32, #tpu.memory_space<hbm>>
      %dma_start3A_32 = tpu.memref_squeeze %dma_start3A_31 : memref<1x125x80xi32, #tpu.memory_space<hbm>> -> memref<125x80xi32, #tpu.memory_space<hbm>>
      %dma_start3A_33 = arith.constant 0 : i32
      %dma_start3A_34 = arith.constant 0 : i32
      %dma_start3A_35 = tpu.memref_slice %arg4[%add3A, %dma_start3A_33, %dma_start3A_34] : memref<32x125x80xi32, #tpu.memory_space<hbm>> -> memref<1x125x80xi32, #tpu.memory_space<hbm>>
      %dma_start3A_36 = tpu.memref_squeeze %dma_start3A_35 : memref<1x125x80xi32, #tpu.memory_space<hbm>> -> memref<125x80xi32, #tpu.memory_space<hbm>>
      tpu.enqueue_dma source(%dma_start3A_36 : memref<125x80xi32, #tpu.memory_space<hbm>>) target(%arg8 : memref<125x80xi32, #tpu.memory_space<vmem>>) target_semaphore(%run_scoped3A_28 : memref<!tpu.dma_semaphore, #tpu.memory_space<semaphore_mem>>)
      %dma_wait3A_37 = arith.constant 0 : i32
      %dma_wait3A_38 = arith.constant 0 : i32
      %dma_wait3A_39 = tpu.memref_slice %arg4[%add3A, %dma_wait3A_37, %dma_wait3A_38] : memref<32x125x80xi32, #tpu.memory_space<hbm>> -> memref<1x125x80xi32, #tpu.memory_space<hbm>>
      %dma_wait3A_40 = tpu.memref_squeeze %dma_wait3A_39 : memref<1x125x80xi32, #tpu.memory_space<hbm>> -> memref<125x80xi32, #tpu.memory_space<hbm>>
      %dma_wait3A_41 = arith.constant 0 : i32
      %dma_wait3A_42 = arith.constant 0 : i32
      %dma_wait3A_43 = tpu.memref_slice %arg4[%add3A, %dma_wait3A_41, %dma_wait3A_42] : memref<32x125x80xi32, #tpu.memory_space<hbm>> -> memref<1x125x80xi32, #tpu.memory_space<hbm>>
      %dma_wait3A_44 = tpu.memref_squeeze %dma_wait3A_43 : memref<1x125x80xi32, #tpu.memory_space<hbm>> -> memref<125x80xi32, #tpu.memory_space<hbm>>
      tpu.wait_dma2 semaphore(%run_scoped3A_28 : memref<!tpu.dma_semaphore, #tpu.memory_space<semaphore_mem>>) src(%dma_wait3A_44 : memref<125x80xi32, #tpu.memory_space<hbm>>) dst(%arg8 : memref<125x80xi32, #tpu.memory_space<vmem>>)
      tpu.yield
    }) : () -> ()
    %scan3A = arith.constant 0 : i32
    %scan3A_3 = arith.constant 0 : i32
    %scan3A_4 = arith.constant 40 : i32
    %scan3A_5 = arith.addi %scan3A_3, %scan3A_4 : i32
    %scan3A_6 = arith.constant 1 : i32
    scf.for %scan3A_28 = %scan3A_3 to %scan3A_5 step %scan3A_6  : i32 {
      %broadcast_in_dim3A = arith.constant 0.000000e+00 : f32
      %broadcast_in_dim3A_29 = vector.broadcast %broadcast_in_dim3A : f32 to vector<16xf32>
      %swap3A = arith.index_cast %scan3A_28 : i32 to index
      %swap3A_30 = arith.constant 0 : index
      %swap3A_31 = tpu.vector_load %arg11[%swap3A, %swap3A_30] {strides = array<i32>} : memref<40x128xf32, #tpu.memory_space<vmem>>, vector<1x16xf32>,
      %swap3A_32 = vector.shape_cast %swap3A_31 : vector<1x16xf32> to vector<16xf32>
      %swap3A_33 = vector.shape_cast %broadcast_in_dim3A_29 : vector<16xf32> to vector<1x16xf32>
      tpu.vector_store %arg11[%swap3A, %swap3A_30], %swap3A_33 {strides = array<i32>} : memref<40x128xf32, #tpu.memory_space<vmem>>, vector<1x16xf32>,
      %broadcast_in_dim3A_34 = arith.constant 0.000000e+00 : f32
      %broadcast_in_dim3A_35 = vector.broadcast %broadcast_in_dim3A_34 : f32 to vector<16xf32>
      %swap3A_36 = arith.index_cast %scan3A_28 : i32 to index
      %swap3A_37 = arith.constant 16 : index
      %swap3A_38 = tpu.vector_load %arg11[%swap3A_36, %swap3A_37] {strides = array<i32>} : memref<40x128xf32, #tpu.memory_space<vmem>>, vector<1x16xf32>,
      %swap3A_39 = vector.shape_cast %swap3A_38 : vector<1x16xf32> to vector<16xf32>
      %swap3A_40 = vector.shape_cast %broadcast_in_dim3A_35 : vector<16xf32> to vector<1x16xf32>
      tpu.vector_store %arg11[%swap3A_36, %swap3A_37], %swap3A_40 {strides = array<i32>} : memref<40x128xf32, #tpu.memory_space<vmem>>, vector<1x16xf32>,
      %broadcast_in_dim3A_41 = arith.constant 0.000000e+00 : f32
      %broadcast_in_dim3A_42 = vector.broadcast %broadcast_in_dim3A_41 : f32 to vector<16xf32>
      %swap3A_43 = arith.index_cast %scan3A_28 : i32 to index
      %swap3A_44 = arith.constant 32 : index
      %swap3A_45 = tpu.vector_load %arg11[%swap3A_43, %swap3A_44] {strides = array<i32>} : memref<40x128xf32, #tpu.memory_space<vmem>>, vector<1x16xf32>,
      %swap3A_46 = vector.shape_cast %swap3A_45 : vector<1x16xf32> to vector<16xf32>
      %swap3A_47 = vector.shape_cast %broadcast_in_dim3A_42 : vector<16xf32> to vector<1x16xf32>
      tpu.vector_store %arg11[%swap3A_43, %swap3A_44], %swap3A_47 {strides = array<i32>} : memref<40x128xf32, #tpu.memory_space<vmem>>, vector<1x16xf32>,
      %broadcast_in_dim3A_48 = arith.constant 0.000000e+00 : f32
      %broadcast_in_dim3A_49 = vector.broadcast %broadcast_in_dim3A_48 : f32 to vector<16xf32>
      %swap3A_50 = arith.index_cast %scan3A_28 : i32 to index
      %swap3A_51 = arith.constant 48 : index
      %swap3A_52 = tpu.vector_load %arg11[%swap3A_50, %swap3A_51] {strides = array<i32>} : memref<40x128xf32, #tpu.memory_space<vmem>>, vector<1x16xf32>,
      %swap3A_53 = vector.shape_cast %swap3A_52 : vector<1x16xf32> to vector<16xf32>
      %swap3A_54 = vector.shape_cast %broadcast_in_dim3A_49 : vector<16xf32> to vector<1x16xf32>
      tpu.vector_store %arg11[%swap3A_50, %swap3A_51], %swap3A_54 {strides = array<i32>} : memref<40x128xf32, #tpu.memory_space<vmem>>, vector<1x16xf32>,
      %broadcast_in_dim3A_55 = arith.constant 0.000000e+00 : f32
      %broadcast_in_dim3A_56 = vector.broadcast %broadcast_in_dim3A_55 : f32 to vector<16xf32>
      %swap3A_57 = arith.index_cast %scan3A_28 : i32 to index
      %swap3A_58 = arith.constant 64 : index
      %swap3A_59 = tpu.vector_load %arg11[%swap3A_57, %swap3A_58] {strides = array<i32>} : memref<40x128xf32, #tpu.memory_space<vmem>>, vector<1x16xf32>,
      %swap3A_60 = vector.shape_cast %swap3A_59 : vector<1x16xf32> to vector<16xf32>
      %swap3A_61 = vector.shape_cast %broadcast_in_dim3A_56 : vector<16xf32> to vector<1x16xf32>
      tpu.vector_store %arg11[%swap3A_57, %swap3A_58], %swap3A_61 {strides = array<i32>} : memref<40x128xf32, #tpu.memory_space<vmem>>, vector<1x16xf32>,
      %broadcast_in_dim3A_62 = arith.constant 0.000000e+00 : f32
      %broadcast_in_dim3A_63 = vector.broadcast %broadcast_in_dim3A_62 : f32 to vector<16xf32>
      %swap3A_64 = arith.index_cast %scan3A_28 : i32 to index
      %swap3A_65 = arith.constant 80 : index
      %swap3A_66 = tpu.vector_load %arg11[%swap3A_64, %swap3A_65] {strides = array<i32>} : memref<40x128xf32, #tpu.memory_space<vmem>>, vector<1x16xf32>,
      %swap3A_67 = vector.shape_cast %swap3A_66 : vector<1x16xf32> to vector<16xf32>
      %swap3A_68 = vector.shape_cast %broadcast_in_dim3A_63 : vector<16xf32> to vector<1x16xf32>
      tpu.vector_store %arg11[%swap3A_64, %swap3A_65], %swap3A_68 {strides = array<i32>} : memref<40x128xf32, #tpu.memory_space<vmem>>, vector<1x16xf32>,
      %broadcast_in_dim3A_69 = arith.constant 0.000000e+00 : f32
      %broadcast_in_dim3A_70 = vector.broadcast %broadcast_in_dim3A_69 : f32 to vector<16xf32>
      %swap3A_71 = arith.index_cast %scan3A_28 : i32 to index
      %swap3A_72 = arith.constant 96 : index
      %swap3A_73 = tpu.vector_load %arg11[%swap3A_71, %swap3A_72] {strides = array<i32>} : memref<40x128xf32, #tpu.memory_space<vmem>>, vector<1x16xf32>,
      %swap3A_74 = vector.shape_cast %swap3A_73 : vector<1x16xf32> to vector<16xf32>
      %swap3A_75 = vector.shape_cast %broadcast_in_dim3A_70 : vector<16xf32> to vector<1x16xf32>
      tpu.vector_store %arg11[%swap3A_71, %swap3A_72], %swap3A_75 {strides = array<i32>} : memref<40x128xf32, #tpu.memory_space<vmem>>, vector<1x16xf32>,
      %broadcast_in_dim3A_76 = arith.constant 0.000000e+00 : f32
      %broadcast_in_dim3A_77 = vector.broadcast %broadcast_in_dim3A_76 : f32 to vector<16xf32>
      %swap3A_78 = arith.index_cast %scan3A_28 : i32 to index
      %swap3A_79 = arith.constant 112 : index
      %swap3A_80 = tpu.vector_load %arg11[%swap3A_78, %swap3A_79] {strides = array<i32>} : memref<40x128xf32, #tpu.memory_space<vmem>>, vector<1x16xf32>,
      %swap3A_81 = vector.shape_cast %swap3A_80 : vector<1x16xf32> to vector<16xf32>
      %swap3A_82 = vector.shape_cast %broadcast_in_dim3A_77 : vector<16xf32> to vector<1x16xf32>
      tpu.vector_store %arg11[%swap3A_78, %swap3A_79], %swap3A_82 {strides = array<i32>} : memref<40x128xf32, #tpu.memory_space<vmem>>, vector<1x16xf32>,
    }
    %scan3A_7 = arith.constant 40 : i32
    %lt3A = arith.constant 10 : i32
    %lt3A_8 = arith.cmpi slt, %arg1, %lt3A : i32
    %convert_element_type3A = arith.extui %lt3A_8 : i1 to i32
    %cond3A = arith.constant 0 : i32
    %cond3A_9 = arith.cmpi ne, %convert_element_type3A, %cond3A : i32
    scf.if %cond3A_9 {
      %mul3A_28 = arith.constant 1000 : i32
      %mul3A_29 = arith.muli %arg1, %mul3A_28 : i32
      %scan3A_30 = arith.constant 0 : i32
      %scan3A_31 = arith.constant 0 : i32
      %scan3A_32 = arith.constant 25 : i32
      %scan3A_33 = arith.addi %scan3A_31, %scan3A_32 : i32
      %scan3A_34 = arith.constant 1 : i32
      scf.for %scan3A_36 = %scan3A_31 to %scan3A_33 step %scan3A_34  : i32 {
        %mul3A_37 = arith.constant 40 : i32
        %mul3A_38 = arith.muli %scan3A_36, %mul3A_37 : i32
        %add3A_39 = arith.addi %mul3A_29, %mul3A_38 : i32
        "tpu.region"() ({
          %run_scoped3A_40 = tpu.sem_alloc : memref<!tpu.dma_semaphore, #tpu.memory_space<semaphore_mem>>
          %dma_start3A_41 = arith.constant 0 : i32
          %dma_start3A_42 = tpu.memref_slice %arg12[%add3A_39, %dma_start3A_41] : memref<10000x128xf32, #tpu.memory_space<vmem_shared>> -> memref<40x128xf32, #tpu.memory_space<vmem_shared>>
          %dma_start3A_43 = arith.constant 0 : i32
          %dma_start3A_44 = tpu.memref_slice %arg12[%add3A_39, %dma_start3A_43] : memref<10000x128xf32, #tpu.memory_space<vmem_shared>> -> memref<40x128xf32, #tpu.memory_space<vmem_shared>>
          tpu.enqueue_dma source(%arg11 : memref<40x128xf32, #tpu.memory_space<vmem>>) target(%dma_start3A_44 : memref<40x128xf32, #tpu.memory_space<vmem_shared>>) target_semaphore(%run_scoped3A_40 : memref<!tpu.dma_semaphore, #tpu.memory_space<semaphore_mem>>)
          %dma_wait3A_45 = arith.constant 0 : i32
          %dma_wait3A_46 = tpu.memref_slice %arg12[%add3A_39, %dma_wait3A_45] : memref<10000x128xf32, #tpu.memory_space<vmem_shared>> -> memref<40x128xf32, #tpu.memory_space<vmem_shared>>
          %dma_wait3A_47 = arith.constant 0 : i32
          %dma_wait3A_48 = tpu.memref_slice %arg12[%add3A_39, %dma_wait3A_47] : memref<10000x128xf32, #tpu.memory_space<vmem_shared>> -> memref<40x128xf32, #tpu.memory_space<vmem_shared>>
          tpu.wait_dma2 semaphore(%run_scoped3A_40 : memref<!tpu.dma_semaphore, #tpu.memory_space<semaphore_mem>>) src(%arg11 : memref<40x128xf32, #tpu.memory_space<vmem>>) dst(%dma_wait3A_48 : memref<40x128xf32, #tpu.memory_space<vmem_shared>>)
          tpu.yield
        }) : () -> ()
      }
      %scan3A_35 = arith.constant 25 : i32
    } else {
    }
    %barrier3A = arith.constant 0 : index
    tpu.barrier barrier_id(%barrier3A)
    %add3A_10 = arith.constant 0 : i32
    %add3A_11 = arith.addi %mul3A_2, %add3A_10 : i32
    "tpu.region"() ({
      %run_scoped3A_28 = tpu.sem_alloc : memref<!tpu.dma_semaphore, #tpu.memory_space<semaphore_mem>>
      %dma_start3A_29 = tpu.memref_slice %arg3[%add3A_11] : memref<320000xi32, #tpu.memory_space<hbm>> -> memref<80xi32, #tpu.memory_space<hbm>>
      %dma_start3A_30 = tpu.memref_slice %arg3[%add3A_11] : memref<320000xi32, #tpu.memory_space<hbm>> -> memref<80xi32, #tpu.memory_space<hbm>>
      tpu.enqueue_dma source(%dma_start3A_30 : memref<80xi32, #tpu.memory_space<hbm>>) target(%arg6 : memref<80xi32, #tpu.memory_space<vmem>>) target_semaphore(%run_scoped3A_28 : memref<!tpu.dma_semaphore, #tpu.memory_space<semaphore_mem>>)
      %dma_wait3A_31 = tpu.memref_slice %arg3[%add3A_11] : memref<320000xi32, #tpu.memory_space<hbm>> -> memref<80xi32, #tpu.memory_space<hbm>>
      %dma_wait3A_32 = tpu.memref_slice %arg3[%add3A_11] : memref<320000xi32, #tpu.memory_space<hbm>> -> memref<80xi32, #tpu.memory_space<hbm>>
      tpu.wait_dma2 semaphore(%run_scoped3A_28 : memref<!tpu.dma_semaphore, #tpu.memory_space<semaphore_mem>>) src(%dma_wait3A_32 : memref<80xi32, #tpu.memory_space<hbm>>) dst(%arg6 : memref<80xi32, #tpu.memory_space<vmem>>)
      tpu.yield
    }) : () -> ()
    %dma_start3A = arith.constant 0 : i32
    %dma_start3A_12 = arith.constant 0 : i32
    %dma_start3A_13 = tpu.memref_slice %arg2[%dma_start3A, %dma_start3A_12] : memref<320000x128xf32, #tpu.memory_space<hbm>> -> memref<320000x128xf32, #tpu.memory_space<hbm>>
    tpu.enqueue_indirect_dma source(%dma_start3A_13 : memref<320000x128xf32, #tpu.memory_space<hbm>>) target(%arg9 : memref<80x128xf32, #tpu.memory_space<vmem>>) offsets(%arg6 : memref<80xi32, #tpu.memory_space<vmem>>) semaphore(%arg13 : memref<!tpu.dma_semaphore, #tpu.memory_space<semaphore_mem>>)
    %scan3A_14 = arith.constant 0 : i32
    %scan3A_15 = arith.constant 0 : i32
    %scan3A_16 = arith.constant 62 : i32
    %scan3A_17 = arith.addi %scan3A_15, %scan3A_16 : i32
    %scan3A_18 = arith.constant 1 : i32
    scf.for %scan3A_28 = %scan3A_15 to %scan3A_17 step %scan3A_18  : i32 {
      %mul3A_29 = arith.constant 2 : i32
      %mul3A_30 = arith.muli %mul3A_29, %scan3A_28 : i32
      %add3A_31 = arith.constant 1 : i32
      %add3A_32 = arith.addi %mul3A_30, %add3A_31 : i32
      %mul3A_33 = arith.constant 80 : i32
      %mul3A_34 = arith.muli %add3A_32, %mul3A_33 : i32
      %add3A_35 = arith.addi %mul3A_2, %mul3A_34 : i32
      "tpu.region"() ({
        %run_scoped3A_67 = tpu.sem_alloc : memref<!tpu.dma_semaphore, #tpu.memory_space<semaphore_mem>>
        %dma_start3A_68 = tpu.memref_slice %arg3[%add3A_35] : memref<320000xi32, #tpu.memory_space<hbm>> -> memref<80xi32, #tpu.memory_space<hbm>>
        %dma_start3A_69 = tpu.memref_slice %arg3[%add3A_35] : memref<320000xi32, #tpu.memory_space<hbm>> -> memref<80xi32, #tpu.memory_space<hbm>>
        tpu.enqueue_dma source(%dma_start3A_69 : memref<80xi32, #tpu.memory_space<hbm>>) target(%arg7 : memref<80xi32, #tpu.memory_space<vmem>>) target_semaphore(%run_scoped3A_67 : memref<!tpu.dma_semaphore, #tpu.memory_space<semaphore_mem>>)
        %dma_wait3A_70 = tpu.memref_slice %arg3[%add3A_35] : memref<320000xi32, #tpu.memory_space<hbm>> -> memref<80xi32, #tpu.memory_space<hbm>>
        %dma_wait3A_71 = tpu.memref_slice %arg3[%add3A_35] : memref<320000xi32, #tpu.memory_space<hbm>> -> memref<80xi32, #tpu.memory_space<hbm>>
        tpu.wait_dma2 semaphore(%run_scoped3A_67 : memref<!tpu.dma_semaphore, #tpu.memory_space<semaphore_mem>>) src(%dma_wait3A_71 : memref<80xi32, #tpu.memory_space<hbm>>) dst(%arg7 : memref<80xi32, #tpu.memory_space<vmem>>)
        tpu.yield
      }) : () -> ()
      %dma_start3A_36 = arith.constant 0 : i32
      %dma_start3A_37 = arith.constant 0 : i32
      %dma_start3A_38 = tpu.memref_slice %arg2[%dma_start3A_36, %dma_start3A_37] : memref<320000x128xf32, #tpu.memory_space<hbm>> -> memref<320000x128xf32, #tpu.memory_space<hbm>>
      tpu.enqueue_indirect_dma source(%dma_start3A_38 : memref<320000x128xf32, #tpu.memory_space<hbm>>) target(%arg10 : memref<80x128xf32, #tpu.memory_space<vmem>>) offsets(%arg7 : memref<80xi32, #tpu.memory_space<vmem>>) semaphore(%arg14 : memref<!tpu.dma_semaphore, #tpu.memory_space<semaphore_mem>>)
      %dma_wait3A_39 = arith.constant 0 : i32
      %dma_wait3A_40 = arith.constant 0 : i32
      %dma_wait3A_41 = tpu.memref_slice %arg2[%dma_wait3A_39, %dma_wait3A_40] : memref<320000x128xf32, #tpu.memory_space<hbm>> -> memref<320000x128xf32, #tpu.memory_space<hbm>>
      tpu.wait_indirect_dma semaphore(%arg13 : memref<!tpu.dma_semaphore, #tpu.memory_space<semaphore_mem>>) src(%dma_wait3A_41 : memref<320000x128xf32, #tpu.memory_space<hbm>>) dst(%arg9 : memref<80x128xf32, #tpu.memory_space<vmem>>)
      %dma_start3A_42 = arith.constant 0 : i32
      %dma_start3A_43 = tpu.memref_slice %arg8[%mul3A_30, %dma_start3A_42] : memref<125x80xi32, #tpu.memory_space<vmem>> -> memref<1x80xi32, #tpu.memory_space<vmem>>
      %dma_start3A_44 = tpu.memref_squeeze %dma_start3A_43 : memref<1x80xi32, #tpu.memory_space<vmem>> -> memref<80xi32, #tpu.memory_space<vmem>>
      %dma_start3A_45 = arith.constant 0 : i32
      %dma_start3A_46 = arith.constant 0 : i32
      %dma_start3A_47 = tpu.memref_slice %arg12[%dma_start3A_45, %dma_start3A_46] : memref<10000x128xf32, #tpu.memory_space<vmem_shared>> -> memref<10000x128xf32, #tpu.memory_space<vmem_shared>>
      tpu.enqueue_indirect_dma source(%arg9 : memref<80x128xf32, #tpu.memory_space<vmem>>) target(%dma_start3A_47 : memref<10000x128xf32, #tpu.memory_space<vmem_shared>>) offsets(%dma_start3A_44 : memref<80xi32, #tpu.memory_space<vmem>>) semaphore(%arg15 : memref<!tpu.dma_semaphore, #tpu.memory_space<semaphore_mem>>) {add = true}
      %dma_wait3A_48 = arith.constant 0 : i32
      %dma_wait3A_49 = arith.constant 0 : i32
      %dma_wait3A_50 = tpu.memref_slice %arg2[%dma_wait3A_48, %dma_wait3A_49] : memref<320000x128xf32, #tpu.memory_space<hbm>> -> memref<320000x128xf32, #tpu.memory_space<hbm>>
      tpu.wait_indirect_dma semaphore(%arg14 : memref<!tpu.dma_semaphore, #tpu.memory_space<semaphore_mem>>) src(%dma_wait3A_50 : memref<320000x128xf32, #tpu.memory_space<hbm>>) dst(%arg10 : memref<80x128xf32, #tpu.memory_space<vmem>>)
      %dma_wait3A_51 = arith.constant 0 : i32
      %dma_wait3A_52 = tpu.memref_slice %arg8[%mul3A_30, %dma_wait3A_51] : memref<125x80xi32, #tpu.memory_space<vmem>> -> memref<1x80xi32, #tpu.memory_space<vmem>>
      %dma_wait3A_53 = tpu.memref_squeeze %dma_wait3A_52 : memref<1x80xi32, #tpu.memory_space<vmem>> -> memref<80xi32, #tpu.memory_space<vmem>>
      %dma_wait3A_54 = arith.constant 0 : i32
      %dma_wait3A_55 = arith.constant 0 : i32
      %dma_wait3A_56 = tpu.memref_slice %arg12[%dma_wait3A_54, %dma_wait3A_55] : memref<10000x128xf32, #tpu.memory_space<vmem_shared>> -> memref<10000x128xf32, #tpu.memory_space<vmem_shared>>
      tpu.wait_indirect_dma semaphore(%arg15 : memref<!tpu.dma_semaphore, #tpu.memory_space<semaphore_mem>>) src(%arg9 : memref<80x128xf32, #tpu.memory_space<vmem>>) dst(%dma_wait3A_56 : memref<10000x128xf32, #tpu.memory_space<vmem_shared>>)
      %add3A_57 = arith.constant 2 : i32
      %add3A_58 = arith.addi %mul3A_30, %add3A_57 : i32
      %mul3A_59 = arith.constant 80 : i32
      %mul3A_60 = arith.muli %add3A_58, %mul3A_59 : i32
      %add3A_61 = arith.addi %mul3A_2, %mul3A_60 : i32
      "tpu.region"() ({
        %run_scoped3A_67 = tpu.sem_alloc : memref<!tpu.dma_semaphore, #tpu.memory_space<semaphore_mem>>
        %dma_start3A_68 = tpu.memref_slice %arg3[%add3A_61] : memref<320000xi32, #tpu.memory_space<hbm>> -> memref<80xi32, #tpu.memory_space<hbm>>
        %dma_start3A_69 = tpu.memref_slice %arg3[%add3A_61] : memref<320000xi32, #tpu.memory_space<hbm>> -> memref<80xi32, #tpu.memory_space<hbm>>
        tpu.enqueue_dma source(%dma_start3A_69 : memref<80xi32, #tpu.memory_space<hbm>>) target(%arg6 : memref<80xi32, #tpu.memory_space<vmem>>) target_semaphore(%run_scoped3A_67 : memref<!tpu.dma_semaphore, #tpu.memory_space<semaphore_mem>>)
        %dma_wait3A_70 = tpu.memref_slice %arg3[%add3A_61] : memref<320000xi32, #tpu.memory_space<hbm>> -> memref<80xi32, #tpu.memory_space<hbm>>
        %dma_wait3A_71 = tpu.memref_slice %arg3[%add3A_61] : memref<320000xi32, #tpu.memory_space<hbm>> -> memref<80xi32, #tpu.memory_space<hbm>>
        tpu.wait_dma2 semaphore(%run_scoped3A_67 : memref<!tpu.dma_semaphore, #tpu.memory_space<semaphore_mem>>) src(%dma_wait3A_71 : memref<80xi32, #tpu.memory_space<hbm>>) dst(%arg6 : memref<80xi32, #tpu.memory_space<vmem>>)
        tpu.yield
      }) : () -> ()
      %dma_start3A_62 = arith.constant 0 : i32
      %dma_start3A_63 = arith.constant 0 : i32
      %dma_start3A_64 = tpu.memref_slice %arg2[%dma_start3A_62, %dma_start3A_63] : memref<320000x128xf32, #tpu.memory_space<hbm>> -> memref<320000x128xf32, #tpu.memory_space<hbm>>
      tpu.enqueue_indirect_dma source(%dma_start3A_64 : memref<320000x128xf32, #tpu.memory_space<hbm>>) target(%arg9 : memref<80x128xf32, #tpu.memory_space<vmem>>) offsets(%arg6 : memref<80xi32, #tpu.memory_space<vmem>>) semaphore(%arg13 : memref<!tpu.dma_semaphore, #tpu.memory_space<semaphore_mem>>)
      %add3A_65 = arith.constant 1 : i32
      %add3A_66 = arith.addi %mul3A_30, %add3A_65 : i32
      "tpu.region"() ({
        %run_scoped3A_67 = tpu.sem_alloc : memref<!tpu.dma_semaphore, #tpu.memory_space<semaphore_mem>>
        %dma_start3A_68 = arith.constant 0 : i32
        %dma_start3A_69 = tpu.memref_slice %arg8[%add3A_66, %dma_start3A_68] : memref<125x80xi32, #tpu.memory_space<vmem>> -> memref<1x80xi32, #tpu.memory_space<vmem>>
        %dma_start3A_70 = tpu.memref_squeeze %dma_start3A_69 : memref<1x80xi32, #tpu.memory_space<vmem>> -> memref<80xi32, #tpu.memory_space<vmem>>
        %dma_start3A_71 = arith.constant 0 : i32
        %dma_start3A_72 = arith.constant 0 : i32
        %dma_start3A_73 = tpu.memref_slice %arg12[%dma_start3A_71, %dma_start3A_72] : memref<10000x128xf32, #tpu.memory_space<vmem_shared>> -> memref<10000x128xf32, #tpu.memory_space<vmem_shared>>
        tpu.enqueue_indirect_dma source(%arg10 : memref<80x128xf32, #tpu.memory_space<vmem>>) target(%dma_start3A_73 : memref<10000x128xf32, #tpu.memory_space<vmem_shared>>) offsets(%dma_start3A_70 : memref<80xi32, #tpu.memory_space<vmem>>) semaphore(%run_scoped3A_67 : memref<!tpu.dma_semaphore, #tpu.memory_space<semaphore_mem>>) {add = true}
        %dma_wait3A_74 = arith.constant 0 : i32
        %dma_wait3A_75 = tpu.memref_slice %arg8[%add3A_66, %dma_wait3A_74] : memref<125x80xi32, #tpu.memory_space<vmem>> -> memref<1x80xi32, #tpu.memory_space<vmem>>
        %dma_wait3A_76 = tpu.memref_squeeze %dma_wait3A_75 : memref<1x80xi32, #tpu.memory_space<vmem>> -> memref<80xi32, #tpu.memory_space<vmem>>
        %dma_wait3A_77 = arith.constant 0 : i32
        %dma_wait3A_78 = arith.constant 0 : i32
        %dma_wait3A_79 = tpu.memref_slice %arg12[%dma_wait3A_77, %dma_wait3A_78] : memref<10000x128xf32, #tpu.memory_space<vmem_shared>> -> memref<10000x128xf32, #tpu.memory_space<vmem_shared>>
        tpu.wait_indirect_dma semaphore(%run_scoped3A_67 : memref<!tpu.dma_semaphore, #tpu.memory_space<semaphore_mem>>) src(%arg10 : memref<80x128xf32, #tpu.memory_space<vmem>>) dst(%dma_wait3A_79 : memref<10000x128xf32, #tpu.memory_space<vmem_shared>>)
        tpu.yield
      }) : () -> ()
    }
    %scan3A_19 = arith.constant 62 : i32
    %dma_wait3A = arith.constant 0 : i32
    %dma_wait3A_20 = arith.constant 0 : i32
    %dma_wait3A_21 = tpu.memref_slice %arg2[%dma_wait3A, %dma_wait3A_20] : memref<320000x128xf32, #tpu.memory_space<hbm>> -> memref<320000x128xf32, #tpu.memory_space<hbm>>
    tpu.wait_indirect_dma semaphore(%arg13 : memref<!tpu.dma_semaphore, #tpu.memory_space<semaphore_mem>>) src(%dma_wait3A_21 : memref<320000x128xf32, #tpu.memory_space<hbm>>) dst(%arg9 : memref<80x128xf32, #tpu.memory_space<vmem>>)
    %run_scoped3A = arith.constant 124 : i32
    "tpu.region"() ({
      %run_scoped3A_28 = tpu.sem_alloc : memref<!tpu.dma_semaphore, #tpu.memory_space<semaphore_mem>>
      %dma_start3A_29 = arith.constant 0 : i32
      %dma_start3A_30 = tpu.memref_slice %arg8[%run_scoped3A, %dma_start3A_29] : memref<125x80xi32, #tpu.memory_space<vmem>> -> memref<1x80xi32, #tpu.memory_space<vmem>>
      %dma_start3A_31 = tpu.memref_squeeze %dma_start3A_30 : memref<1x80xi32, #tpu.memory_space<vmem>> -> memref<80xi32, #tpu.memory_space<vmem>>
      %dma_start3A_32 = arith.constant 0 : i32
      %dma_start3A_33 = arith.constant 0 : i32
      %dma_start3A_34 = tpu.memref_slice %arg12[%dma_start3A_32, %dma_start3A_33] : memref<10000x128xf32, #tpu.memory_space<vmem_shared>> -> memref<10000x128xf32, #tpu.memory_space<vmem_shared>>
      tpu.enqueue_indirect_dma source(%arg9 : memref<80x128xf32, #tpu.memory_space<vmem>>) target(%dma_start3A_34 : memref<10000x128xf32, #tpu.memory_space<vmem_shared>>) offsets(%dma_start3A_31 : memref<80xi32, #tpu.memory_space<vmem>>) semaphore(%run_scoped3A_28 : memref<!tpu.dma_semaphore, #tpu.memory_space<semaphore_mem>>) {add = true}
      %dma_wait3A_35 = arith.constant 0 : i32
      %dma_wait3A_36 = tpu.memref_slice %arg8[%run_scoped3A, %dma_wait3A_35] : memref<125x80xi32, #tpu.memory_space<vmem>> -> memref<1x80xi32, #tpu.memory_space<vmem>>
      %dma_wait3A_37 = tpu.memref_squeeze %dma_wait3A_36 : memref<1x80xi32, #tpu.memory_space<vmem>> -> memref<80xi32, #tpu.memory_space<vmem>>
      %dma_wait3A_38 = arith.constant 0 : i32
      %dma_wait3A_39 = arith.constant 0 : i32
      %dma_wait3A_40 = tpu.memref_slice %arg12[%dma_wait3A_38, %dma_wait3A_39] : memref<10000x128xf32, #tpu.memory_space<vmem_shared>> -> memref<10000x128xf32, #tpu.memory_space<vmem_shared>>
      tpu.wait_indirect_dma semaphore(%run_scoped3A_28 : memref<!tpu.dma_semaphore, #tpu.memory_space<semaphore_mem>>) src(%arg9 : memref<80x128xf32, #tpu.memory_space<vmem>>) dst(%dma_wait3A_40 : memref<10000x128xf32, #tpu.memory_space<vmem_shared>>)
      tpu.yield
    }) : () -> ()
    %barrier3A_22 = arith.constant 0 : index
    tpu.barrier barrier_id(%barrier3A_22)
    %lt3A_23 = arith.constant 10 : i32
    %lt3A_24 = arith.cmpi slt, %arg1, %lt3A_23 : i32
    %convert_element_type3A_25 = arith.extui %lt3A_24 : i1 to i32
    %cond3A_26 = arith.constant 0 : i32
    %cond3A_27 = arith.cmpi ne, %convert_element_type3A_25, %cond3A_26 : i32
    scf.if %cond3A_27 {
      %mul3A_28 = arith.constant 1000 : i32
      %mul3A_29 = arith.muli %arg1, %mul3A_28 : i32
      %scan3A_30 = arith.constant 0 : i32
      %scan3A_31 = arith.constant 0 : i32
      %scan3A_32 = arith.constant 25 : i32
      %scan3A_33 = arith.addi %scan3A_31, %scan3A_32 : i32
      %scan3A_34 = arith.constant 1 : i32
      scf.for %scan3A_36 = %scan3A_31 to %scan3A_33 step %scan3A_34  : i32 {
        %mul3A_37 = arith.constant 40 : i32
        %mul3A_38 = arith.muli %scan3A_36, %mul3A_37 : i32
        %add3A_39 = arith.addi %mul3A_29, %mul3A_38 : i32
        "tpu.region"() ({
          %run_scoped3A_40 = tpu.sem_alloc : memref<!tpu.dma_semaphore, #tpu.memory_space<semaphore_mem>>
          %dma_start3A_41 = arith.constant 0 : i32
          %dma_start3A_42 = tpu.memref_slice %arg12[%add3A_39, %dma_start3A_41] : memref<10000x128xf32, #tpu.memory_space<vmem_shared>> -> memref<40x128xf32, #tpu.memory_space<vmem_shared>>
          %dma_start3A_43 = arith.constant 0 : i32
          %dma_start3A_44 = tpu.memref_slice %arg12[%add3A_39, %dma_start3A_43] : memref<10000x128xf32, #tpu.memory_space<vmem_shared>> -> memref<40x128xf32, #tpu.memory_space<vmem_shared>>
          tpu.enqueue_dma source(%dma_start3A_44 : memref<40x128xf32, #tpu.memory_space<vmem_shared>>) target(%arg11 : memref<40x128xf32, #tpu.memory_space<vmem>>) target_semaphore(%run_scoped3A_40 : memref<!tpu.dma_semaphore, #tpu.memory_space<semaphore_mem>>)
          %dma_wait3A_45 = arith.constant 0 : i32
          %dma_wait3A_46 = tpu.memref_slice %arg12[%add3A_39, %dma_wait3A_45] : memref<10000x128xf32, #tpu.memory_space<vmem_shared>> -> memref<40x128xf32, #tpu.memory_space<vmem_shared>>
          %dma_wait3A_47 = arith.constant 0 : i32
          %dma_wait3A_48 = tpu.memref_slice %arg12[%add3A_39, %dma_wait3A_47] : memref<10000x128xf32, #tpu.memory_space<vmem_shared>> -> memref<40x128xf32, #tpu.memory_space<vmem_shared>>
          tpu.wait_dma2 semaphore(%run_scoped3A_40 : memref<!tpu.dma_semaphore, #tpu.memory_space<semaphore_mem>>) src(%dma_wait3A_48 : memref<40x128xf32, #tpu.memory_space<vmem_shared>>) dst(%arg11 : memref<40x128xf32, #tpu.memory_space<vmem>>)
          tpu.yield
        }) : () -> ()
        "tpu.region"() ({
          %run_scoped3A_40 = tpu.sem_alloc : memref<!tpu.dma_semaphore, #tpu.memory_space<semaphore_mem>>
          %dma_start3A_41 = arith.constant 0 : i32
          %dma_start3A_42 = tpu.memref_slice %arg5[%arg0, %add3A_39, %dma_start3A_41] : memref<2x10000x128xf32, #tpu.memory_space<hbm>> -> memref<1x40x128xf32, #tpu.memory_space<hbm>>
          %dma_start3A_43 = tpu.memref_squeeze %dma_start3A_42 : memref<1x40x128xf32, #tpu.memory_space<hbm>> -> memref<40x128xf32, #tpu.memory_space<hbm>>
          %dma_start3A_44 = arith.constant 0 : i32
          %dma_start3A_45 = tpu.memref_slice %arg5[%arg0, %add3A_39, %dma_start3A_44] : memref<2x10000x128xf32, #tpu.memory_space<hbm>> -> memref<1x40x128xf32, #tpu.memory_space<hbm>>
          %dma_start3A_46 = tpu.memref_squeeze %dma_start3A_45 : memref<1x40x128xf32, #tpu.memory_space<hbm>> -> memref<40x128xf32, #tpu.memory_space<hbm>>
          tpu.enqueue_dma source(%arg11 : memref<40x128xf32, #tpu.memory_space<vmem>>) target(%dma_start3A_46 : memref<40x128xf32, #tpu.memory_space<hbm>>) target_semaphore(%run_scoped3A_40 : memref<!tpu.dma_semaphore, #tpu.memory_space<semaphore_mem>>)
          %dma_wait3A_47 = arith.constant 0 : i32
          %dma_wait3A_48 = tpu.memref_slice %arg5[%arg0, %add3A_39, %dma_wait3A_47] : memref<2x10000x128xf32, #tpu.memory_space<hbm>> -> memref<1x40x128xf32, #tpu.memory_space<hbm>>
          %dma_wait3A_49 = tpu.memref_squeeze %dma_wait3A_48 : memref<1x40x128xf32, #tpu.memory_space<hbm>> -> memref<40x128xf32, #tpu.memory_space<hbm>>
          %dma_wait3A_50 = arith.constant 0 : i32
          %dma_wait3A_51 = tpu.memref_slice %arg5[%arg0, %add3A_39, %dma_wait3A_50] : memref<2x10000x128xf32, #tpu.memory_space<hbm>> -> memref<1x40x128xf32, #tpu.memory_space<hbm>>
          %dma_wait3A_52 = tpu.memref_squeeze %dma_wait3A_51 : memref<1x40x128xf32, #tpu.memory_space<hbm>> -> memref<40x128xf32, #tpu.memory_space<hbm>>
          tpu.wait_dma2 semaphore(%run_scoped3A_40 : memref<!tpu.dma_semaphore, #tpu.memory_space<semaphore_mem>>) src(%arg11 : memref<40x128xf32, #tpu.memory_space<vmem>>) dst(%dma_wait3A_52 : memref<40x128xf32, #tpu.memory_space<hbm>>)
          tpu.yield
        }) : () -> ()
      }
      %scan3A_35 = arith.constant 25 : i32
    } else {
    }
    return
  }
}

#map = affine_map<(d0, d1) -> (0, 0)>
#map1 = affine_map<(d0, d1) -> (0)>
module attributes {stable_mosaic.version = 14 : i64} {
  func.func @_edge_features(%arg0: i32, %arg1: i32, %arg2: memref<10000x128xf32, #tpu.memory_space<hbm>>, %arg3: memref<320000xi32, #tpu.memory_space<hbm>>, %arg4: memref<320000xi32, #tpu.memory_space<hbm>>, %arg5: memref<320000x128xf32, #tpu.memory_space<hbm>>, %arg6: memref<10000xi32, #tpu.memory_space<vmem>>, %arg7: memref<10000xi32, #tpu.memory_space<vmem>>, %arg8: memref<80x128xf32, #tpu.memory_space<vmem>>, %arg9: memref<80x128xf32, #tpu.memory_space<vmem>>, %arg10: memref<80x128xf32, #tpu.memory_space<vmem>>, %arg11: memref<80x128xf32, #tpu.memory_space<vmem>>, %arg12: memref<80x128xf32, #tpu.memory_space<vmem>>, %arg13: memref<80x128xf32, #tpu.memory_space<vmem>>, %arg14: memref<!tpu.dma_semaphore, #tpu.memory_space<semaphore_mem>>, %arg15: memref<!tpu.dma_semaphore, #tpu.memory_space<semaphore_mem>>, %arg16: memref<!tpu.dma_semaphore, #tpu.memory_space<semaphore_mem>>, %arg17: memref<!tpu.dma_semaphore, #tpu.memory_space<semaphore_mem>>) attributes {dimension_semantics = [#tpu.dimension_semantics<core_parallel>, #tpu.dimension_semantics<subcore_parallel>], iteration_bounds = array<i64: 2, 16>, scalar_prefetch = 0 : i64, scratch_operands = 12 : i64, tpu.core_type = #tpu.core_type<sc_vector_subcore>, window_params = [{transform_indices = #map}, {transform_indices = #map1}, {transform_indices = #map1}, {transform_indices = #map}]} {
    %mul3A = arith.constant 2 : i32
    %mul3A_0 = arith.muli %arg1, %mul3A : i32
    %add3A = arith.addi %mul3A_0, %arg0 : i32
    %mul3A_1 = arith.constant 10000 : i32
    %mul3A_2 = arith.muli %add3A, %mul3A_1 : i32
    "tpu.region"() ({
      %run_scoped3A = tpu.sem_alloc : memref<!tpu.dma_semaphore, #tpu.memory_space<semaphore_mem>>
      %dma_start3A_34 = tpu.memref_slice %arg3[%mul3A_2] : memref<320000xi32, #tpu.memory_space<hbm>> -> memref<10000xi32, #tpu.memory_space<hbm>>
      %dma_start3A_35 = tpu.memref_slice %arg3[%mul3A_2] : memref<320000xi32, #tpu.memory_space<hbm>> -> memref<10000xi32, #tpu.memory_space<hbm>>
      tpu.enqueue_dma source(%dma_start3A_35 : memref<10000xi32, #tpu.memory_space<hbm>>) target(%arg6 : memref<10000xi32, #tpu.memory_space<vmem>>) target_semaphore(%run_scoped3A : memref<!tpu.dma_semaphore, #tpu.memory_space<semaphore_mem>>)
      %dma_wait3A_36 = tpu.memref_slice %arg3[%mul3A_2] : memref<320000xi32, #tpu.memory_space<hbm>> -> memref<10000xi32, #tpu.memory_space<hbm>>
      %dma_wait3A_37 = tpu.memref_slice %arg3[%mul3A_2] : memref<320000xi32, #tpu.memory_space<hbm>> -> memref<10000xi32, #tpu.memory_space<hbm>>
      tpu.wait_dma2 semaphore(%run_scoped3A : memref<!tpu.dma_semaphore, #tpu.memory_space<semaphore_mem>>) src(%dma_wait3A_37 : memref<10000xi32, #tpu.memory_space<hbm>>) dst(%arg6 : memref<10000xi32, #tpu.memory_space<vmem>>)
      tpu.yield
    }) : () -> ()
    "tpu.region"() ({
      %run_scoped3A = tpu.sem_alloc : memref<!tpu.dma_semaphore, #tpu.memory_space<semaphore_mem>>
      %dma_start3A_34 = tpu.memref_slice %arg4[%mul3A_2] : memref<320000xi32, #tpu.memory_space<hbm>> -> memref<10000xi32, #tpu.memory_space<hbm>>
      %dma_start3A_35 = tpu.memref_slice %arg4[%mul3A_2] : memref<320000xi32, #tpu.memory_space<hbm>> -> memref<10000xi32, #tpu.memory_space<hbm>>
      tpu.enqueue_dma source(%dma_start3A_35 : memref<10000xi32, #tpu.memory_space<hbm>>) target(%arg7 : memref<10000xi32, #tpu.memory_space<vmem>>) target_semaphore(%run_scoped3A : memref<!tpu.dma_semaphore, #tpu.memory_space<semaphore_mem>>)
      %dma_wait3A_36 = tpu.memref_slice %arg4[%mul3A_2] : memref<320000xi32, #tpu.memory_space<hbm>> -> memref<10000xi32, #tpu.memory_space<hbm>>
      %dma_wait3A_37 = tpu.memref_slice %arg4[%mul3A_2] : memref<320000xi32, #tpu.memory_space<hbm>> -> memref<10000xi32, #tpu.memory_space<hbm>>
      tpu.wait_dma2 semaphore(%run_scoped3A : memref<!tpu.dma_semaphore, #tpu.memory_space<semaphore_mem>>) src(%dma_wait3A_37 : memref<10000xi32, #tpu.memory_space<hbm>>) dst(%arg7 : memref<10000xi32, #tpu.memory_space<vmem>>)
      tpu.yield
    }) : () -> ()
    %dma_start3A = arith.constant 0 : i32
    %dma_start3A_3 = tpu.memref_slice %arg6[%dma_start3A] : memref<10000xi32, #tpu.memory_space<vmem>> -> memref<80xi32, #tpu.memory_space<vmem>>
    %dma_start3A_4 = arith.constant 0 : i32
    %dma_start3A_5 = arith.constant 0 : i32
    %dma_start3A_6 = tpu.memref_slice %arg2[%dma_start3A_4, %dma_start3A_5] : memref<10000x128xf32, #tpu.memory_space<hbm>> -> memref<10000x128xf32, #tpu.memory_space<hbm>>
    tpu.enqueue_indirect_dma source(%dma_start3A_6 : memref<10000x128xf32, #tpu.memory_space<hbm>>) target(%arg8 : memref<80x128xf32, #tpu.memory_space<vmem>>) offsets(%dma_start3A_3 : memref<80xi32, #tpu.memory_space<vmem>>) semaphore(%arg14 : memref<!tpu.dma_semaphore, #tpu.memory_space<semaphore_mem>>)
    %dma_start3A_7 = arith.constant 0 : i32
    %dma_start3A_8 = tpu.memref_slice %arg7[%dma_start3A_7] : memref<10000xi32, #tpu.memory_space<vmem>> -> memref<80xi32, #tpu.memory_space<vmem>>
    %dma_start3A_9 = arith.constant 0 : i32
    %dma_start3A_10 = arith.constant 0 : i32
    %dma_start3A_11 = tpu.memref_slice %arg2[%dma_start3A_9, %dma_start3A_10] : memref<10000x128xf32, #tpu.memory_space<hbm>> -> memref<10000x128xf32, #tpu.memory_space<hbm>>
    tpu.enqueue_indirect_dma source(%dma_start3A_11 : memref<10000x128xf32, #tpu.memory_space<hbm>>) target(%arg9 : memref<80x128xf32, #tpu.memory_space<vmem>>) offsets(%dma_start3A_8 : memref<80xi32, #tpu.memory_space<vmem>>) semaphore(%arg15 : memref<!tpu.dma_semaphore, #tpu.memory_space<semaphore_mem>>)
    %scan3A = arith.constant 0 : i32
    %scan3A_12 = arith.constant 0 : i32
    %scan3A_13 = arith.constant 62 : i32
    %scan3A_14 = arith.addi %scan3A_12, %scan3A_13 : i32
    %scan3A_15 = arith.constant 1 : i32
    scf.for %scan3A_34 = %scan3A_12 to %scan3A_14 step %scan3A_15  : i32 {
      %mul3A_35 = arith.constant 2 : i32
      %mul3A_36 = arith.muli %mul3A_35, %scan3A_34 : i32
      %add3A_37 = arith.constant 1 : i32
      %add3A_38 = arith.addi %mul3A_36, %add3A_37 : i32
      %mul3A_39 = arith.constant 80 : i32
      %mul3A_40 = arith.muli %add3A_38, %mul3A_39 : i32
      %dma_start3A_41 = tpu.memref_slice %arg6[%mul3A_40] : memref<10000xi32, #tpu.memory_space<vmem>> -> memref<80xi32, #tpu.memory_space<vmem>>
      %dma_start3A_42 = arith.constant 0 : i32
      %dma_start3A_43 = arith.constant 0 : i32
      %dma_start3A_44 = tpu.memref_slice %arg2[%dma_start3A_42, %dma_start3A_43] : memref<10000x128xf32, #tpu.memory_space<hbm>> -> memref<10000x128xf32, #tpu.memory_space<hbm>>
      tpu.enqueue_indirect_dma source(%dma_start3A_44 : memref<10000x128xf32, #tpu.memory_space<hbm>>) target(%arg11 : memref<80x128xf32, #tpu.memory_space<vmem>>) offsets(%dma_start3A_41 : memref<80xi32, #tpu.memory_space<vmem>>) semaphore(%arg16 : memref<!tpu.dma_semaphore, #tpu.memory_space<semaphore_mem>>)
      %dma_start3A_45 = tpu.memref_slice %arg7[%mul3A_40] : memref<10000xi32, #tpu.memory_space<vmem>> -> memref<80xi32, #tpu.memory_space<vmem>>
      %dma_start3A_46 = arith.constant 0 : i32
      %dma_start3A_47 = arith.constant 0 : i32
      %dma_start3A_48 = tpu.memref_slice %arg2[%dma_start3A_46, %dma_start3A_47] : memref<10000x128xf32, #tpu.memory_space<hbm>> -> memref<10000x128xf32, #tpu.memory_space<hbm>>
      tpu.enqueue_indirect_dma source(%dma_start3A_48 : memref<10000x128xf32, #tpu.memory_space<hbm>>) target(%arg12 : memref<80x128xf32, #tpu.memory_space<vmem>>) offsets(%dma_start3A_45 : memref<80xi32, #tpu.memory_space<vmem>>) semaphore(%arg17 : memref<!tpu.dma_semaphore, #tpu.memory_space<semaphore_mem>>)
      %dma_wait3A_49 = arith.constant 0 : i32
      %dma_wait3A_50 = tpu.memref_slice %arg6[%dma_wait3A_49] : memref<10000xi32, #tpu.memory_space<vmem>> -> memref<80xi32, #tpu.memory_space<vmem>>
      %dma_wait3A_51 = arith.constant 0 : i32
      %dma_wait3A_52 = arith.constant 0 : i32
      %dma_wait3A_53 = tpu.memref_slice %arg2[%dma_wait3A_51, %dma_wait3A_52] : memref<10000x128xf32, #tpu.memory_space<hbm>> -> memref<10000x128xf32, #tpu.memory_space<hbm>>
      tpu.wait_indirect_dma semaphore(%arg14 : memref<!tpu.dma_semaphore, #tpu.memory_space<semaphore_mem>>) src(%dma_wait3A_53 : memref<10000x128xf32, #tpu.memory_space<hbm>>) dst(%arg8 : memref<80x128xf32, #tpu.memory_space<vmem>>)
      %dma_wait3A_54 = arith.constant 0 : i32
      %dma_wait3A_55 = tpu.memref_slice %arg7[%dma_wait3A_54] : memref<10000xi32, #tpu.memory_space<vmem>> -> memref<80xi32, #tpu.memory_space<vmem>>
      %dma_wait3A_56 = arith.constant 0 : i32
      %dma_wait3A_57 = arith.constant 0 : i32
      %dma_wait3A_58 = tpu.memref_slice %arg2[%dma_wait3A_56, %dma_wait3A_57] : memref<10000x128xf32, #tpu.memory_space<hbm>> -> memref<10000x128xf32, #tpu.memory_space<hbm>>
      tpu.wait_indirect_dma semaphore(%arg15 : memref<!tpu.dma_semaphore, #tpu.memory_space<semaphore_mem>>) src(%dma_wait3A_58 : memref<10000x128xf32, #tpu.memory_space<hbm>>) dst(%arg9 : memref<80x128xf32, #tpu.memory_space<vmem>>)
      %scan3A_59 = arith.constant 0 : i32
      %scan3A_60 = arith.constant 0 : i32
      %scan3A_61 = arith.constant 80 : i32
      %scan3A_62 = arith.addi %scan3A_60, %scan3A_61 : i32
      %scan3A_63 = arith.constant 1 : i32
      scf.for %scan3A_101 = %scan3A_60 to %scan3A_62 step %scan3A_63  : i32 {
        %get3A = arith.index_cast %scan3A_101 : i32 to index
        %get3A_102 = arith.constant 0 : index
        %get3A_103 = tpu.vector_load %arg8[%get3A, %get3A_102] {strides = array<i32>} : memref<80x128xf32, #tpu.memory_space<vmem>>, vector<1x16xf32>,
        %get3A_104 = vector.shape_cast %get3A_103 : vector<1x16xf32> to vector<16xf32>
        %get3A_105 = arith.index_cast %scan3A_101 : i32 to index
        %get3A_106 = arith.constant 0 : index
        %get3A_107 = tpu.vector_load %arg9[%get3A_105, %get3A_106] {strides = array<i32>} : memref<80x128xf32, #tpu.memory_space<vmem>>, vector<1x16xf32>,
        %get3A_108 = vector.shape_cast %get3A_107 : vector<1x16xf32> to vector<16xf32>
        %mul3A_109 = arith.mulf %get3A_104, %get3A_108 : vector<16xf32>
        %swap3A = arith.index_cast %scan3A_101 : i32 to index
        %swap3A_110 = arith.constant 0 : index
        %swap3A_111 = tpu.vector_load %arg10[%swap3A, %swap3A_110] {strides = array<i32>} : memref<80x128xf32, #tpu.memory_space<vmem>>, vector<1x16xf32>,
        %swap3A_112 = vector.shape_cast %swap3A_111 : vector<1x16xf32> to vector<16xf32>
        %swap3A_113 = vector.shape_cast %mul3A_109 : vector<16xf32> to vector<1x16xf32>
        tpu.vector_store %arg10[%swap3A, %swap3A_110], %swap3A_113 {strides = array<i32>} : memref<80x128xf32, #tpu.memory_space<vmem>>, vector<1x16xf32>,
        %get3A_114 = arith.index_cast %scan3A_101 : i32 to index
        %get3A_115 = arith.constant 16 : index
        %get3A_116 = tpu.vector_load %arg8[%get3A_114, %get3A_115] {strides = array<i32>} : memref<80x128xf32, #tpu.memory_space<vmem>>, vector<1x16xf32>,
        %get3A_117 = vector.shape_cast %get3A_116 : vector<1x16xf32> to vector<16xf32>
        %get3A_118 = arith.index_cast %scan3A_101 : i32 to index
        %get3A_119 = arith.constant 16 : index
        %get3A_120 = tpu.vector_load %arg9[%get3A_118, %get3A_119] {strides = array<i32>} : memref<80x128xf32, #tpu.memory_space<vmem>>, vector<1x16xf32>,
        %get3A_121 = vector.shape_cast %get3A_120 : vector<1x16xf32> to vector<16xf32>
        %mul3A_122 = arith.mulf %get3A_117, %get3A_121 : vector<16xf32>
        %swap3A_123 = arith.index_cast %scan3A_101 : i32 to index
        %swap3A_124 = arith.constant 16 : index
        %swap3A_125 = tpu.vector_load %arg10[%swap3A_123, %swap3A_124] {strides = array<i32>} : memref<80x128xf32, #tpu.memory_space<vmem>>, vector<1x16xf32>,
        %swap3A_126 = vector.shape_cast %swap3A_125 : vector<1x16xf32> to vector<16xf32>
        %swap3A_127 = vector.shape_cast %mul3A_122 : vector<16xf32> to vector<1x16xf32>
        tpu.vector_store %arg10[%swap3A_123, %swap3A_124], %swap3A_127 {strides = array<i32>} : memref<80x128xf32, #tpu.memory_space<vmem>>, vector<1x16xf32>,
        %get3A_128 = arith.index_cast %scan3A_101 : i32 to index
        %get3A_129 = arith.constant 32 : index
        %get3A_130 = tpu.vector_load %arg8[%get3A_128, %get3A_129] {strides = array<i32>} : memref<80x128xf32, #tpu.memory_space<vmem>>, vector<1x16xf32>,
        %get3A_131 = vector.shape_cast %get3A_130 : vector<1x16xf32> to vector<16xf32>
        %get3A_132 = arith.index_cast %scan3A_101 : i32 to index
        %get3A_133 = arith.constant 32 : index
        %get3A_134 = tpu.vector_load %arg9[%get3A_132, %get3A_133] {strides = array<i32>} : memref<80x128xf32, #tpu.memory_space<vmem>>, vector<1x16xf32>,
        %get3A_135 = vector.shape_cast %get3A_134 : vector<1x16xf32> to vector<16xf32>
        %mul3A_136 = arith.mulf %get3A_131, %get3A_135 : vector<16xf32>
        %swap3A_137 = arith.index_cast %scan3A_101 : i32 to index
        %swap3A_138 = arith.constant 32 : index
        %swap3A_139 = tpu.vector_load %arg10[%swap3A_137, %swap3A_138] {strides = array<i32>} : memref<80x128xf32, #tpu.memory_space<vmem>>, vector<1x16xf32>,
        %swap3A_140 = vector.shape_cast %swap3A_139 : vector<1x16xf32> to vector<16xf32>
        %swap3A_141 = vector.shape_cast %mul3A_136 : vector<16xf32> to vector<1x16xf32>
        tpu.vector_store %arg10[%swap3A_137, %swap3A_138], %swap3A_141 {strides = array<i32>} : memref<80x128xf32, #tpu.memory_space<vmem>>, vector<1x16xf32>,
        %get3A_142 = arith.index_cast %scan3A_101 : i32 to index
        %get3A_143 = arith.constant 48 : index
        %get3A_144 = tpu.vector_load %arg8[%get3A_142, %get3A_143] {strides = array<i32>} : memref<80x128xf32, #tpu.memory_space<vmem>>, vector<1x16xf32>,
        %get3A_145 = vector.shape_cast %get3A_144 : vector<1x16xf32> to vector<16xf32>
        %get3A_146 = arith.index_cast %scan3A_101 : i32 to index
        %get3A_147 = arith.constant 48 : index
        %get3A_148 = tpu.vector_load %arg9[%get3A_146, %get3A_147] {strides = array<i32>} : memref<80x128xf32, #tpu.memory_space<vmem>>, vector<1x16xf32>,
        %get3A_149 = vector.shape_cast %get3A_148 : vector<1x16xf32> to vector<16xf32>
        %mul3A_150 = arith.mulf %get3A_145, %get3A_149 : vector<16xf32>
        %swap3A_151 = arith.index_cast %scan3A_101 : i32 to index
        %swap3A_152 = arith.constant 48 : index
        %swap3A_153 = tpu.vector_load %arg10[%swap3A_151, %swap3A_152] {strides = array<i32>} : memref<80x128xf32, #tpu.memory_space<vmem>>, vector<1x16xf32>,
        %swap3A_154 = vector.shape_cast %swap3A_153 : vector<1x16xf32> to vector<16xf32>
        %swap3A_155 = vector.shape_cast %mul3A_150 : vector<16xf32> to vector<1x16xf32>
        tpu.vector_store %arg10[%swap3A_151, %swap3A_152], %swap3A_155 {strides = array<i32>} : memref<80x128xf32, #tpu.memory_space<vmem>>, vector<1x16xf32>,
        %get3A_156 = arith.index_cast %scan3A_101 : i32 to index
        %get3A_157 = arith.constant 64 : index
        %get3A_158 = tpu.vector_load %arg8[%get3A_156, %get3A_157] {strides = array<i32>} : memref<80x128xf32, #tpu.memory_space<vmem>>, vector<1x16xf32>,
        %get3A_159 = vector.shape_cast %get3A_158 : vector<1x16xf32> to vector<16xf32>
        %get3A_160 = arith.index_cast %scan3A_101 : i32 to index
        %get3A_161 = arith.constant 64 : index
        %get3A_162 = tpu.vector_load %arg9[%get3A_160, %get3A_161] {strides = array<i32>} : memref<80x128xf32, #tpu.memory_space<vmem>>, vector<1x16xf32>,
        %get3A_163 = vector.shape_cast %get3A_162 : vector<1x16xf32> to vector<16xf32>
        %mul3A_164 = arith.mulf %get3A_159, %get3A_163 : vector<16xf32>
        %swap3A_165 = arith.index_cast %scan3A_101 : i32 to index
        %swap3A_166 = arith.constant 64 : index
        %swap3A_167 = tpu.vector_load %arg10[%swap3A_165, %swap3A_166] {strides = array<i32>} : memref<80x128xf32, #tpu.memory_space<vmem>>, vector<1x16xf32>,
        %swap3A_168 = vector.shape_cast %swap3A_167 : vector<1x16xf32> to vector<16xf32>
        %swap3A_169 = vector.shape_cast %mul3A_164 : vector<16xf32> to vector<1x16xf32>
        tpu.vector_store %arg10[%swap3A_165, %swap3A_166], %swap3A_169 {strides = array<i32>} : memref<80x128xf32, #tpu.memory_space<vmem>>, vector<1x16xf32>,
        %get3A_170 = arith.index_cast %scan3A_101 : i32 to index
        %get3A_171 = arith.constant 80 : index
        %get3A_172 = tpu.vector_load %arg8[%get3A_170, %get3A_171] {strides = array<i32>} : memref<80x128xf32, #tpu.memory_space<vmem>>, vector<1x16xf32>,
        %get3A_173 = vector.shape_cast %get3A_172 : vector<1x16xf32> to vector<16xf32>
        %get3A_174 = arith.index_cast %scan3A_101 : i32 to index
        %get3A_175 = arith.constant 80 : index
        %get3A_176 = tpu.vector_load %arg9[%get3A_174, %get3A_175] {strides = array<i32>} : memref<80x128xf32, #tpu.memory_space<vmem>>, vector<1x16xf32>,
        %get3A_177 = vector.shape_cast %get3A_176 : vector<1x16xf32> to vector<16xf32>
        %mul3A_178 = arith.mulf %get3A_173, %get3A_177 : vector<16xf32>
        %swap3A_179 = arith.index_cast %scan3A_101 : i32 to index
        %swap3A_180 = arith.constant 80 : index
        %swap3A_181 = tpu.vector_load %arg10[%swap3A_179, %swap3A_180] {strides = array<i32>} : memref<80x128xf32, #tpu.memory_space<vmem>>, vector<1x16xf32>,
        %swap3A_182 = vector.shape_cast %swap3A_181 : vector<1x16xf32> to vector<16xf32>
        %swap3A_183 = vector.shape_cast %mul3A_178 : vector<16xf32> to vector<1x16xf32>
        tpu.vector_store %arg10[%swap3A_179, %swap3A_180], %swap3A_183 {strides = array<i32>} : memref<80x128xf32, #tpu.memory_space<vmem>>, vector<1x16xf32>,
        %get3A_184 = arith.index_cast %scan3A_101 : i32 to index
        %get3A_185 = arith.constant 96 : index
        %get3A_186 = tpu.vector_load %arg8[%get3A_184, %get3A_185] {strides = array<i32>} : memref<80x128xf32, #tpu.memory_space<vmem>>, vector<1x16xf32>,
        %get3A_187 = vector.shape_cast %get3A_186 : vector<1x16xf32> to vector<16xf32>
        %get3A_188 = arith.index_cast %scan3A_101 : i32 to index
        %get3A_189 = arith.constant 96 : index
        %get3A_190 = tpu.vector_load %arg9[%get3A_188, %get3A_189] {strides = array<i32>} : memref<80x128xf32, #tpu.memory_space<vmem>>, vector<1x16xf32>,
        %get3A_191 = vector.shape_cast %get3A_190 : vector<1x16xf32> to vector<16xf32>
        %mul3A_192 = arith.mulf %get3A_187, %get3A_191 : vector<16xf32>
        %swap3A_193 = arith.index_cast %scan3A_101 : i32 to index
        %swap3A_194 = arith.constant 96 : index
        %swap3A_195 = tpu.vector_load %arg10[%swap3A_193, %swap3A_194] {strides = array<i32>} : memref<80x128xf32, #tpu.memory_space<vmem>>, vector<1x16xf32>,
        %swap3A_196 = vector.shape_cast %swap3A_195 : vector<1x16xf32> to vector<16xf32>
        %swap3A_197 = vector.shape_cast %mul3A_192 : vector<16xf32> to vector<1x16xf32>
        tpu.vector_store %arg10[%swap3A_193, %swap3A_194], %swap3A_197 {strides = array<i32>} : memref<80x128xf32, #tpu.memory_space<vmem>>, vector<1x16xf32>,
        %get3A_198 = arith.index_cast %scan3A_101 : i32 to index
        %get3A_199 = arith.constant 112 : index
        %get3A_200 = tpu.vector_load %arg8[%get3A_198, %get3A_199] {strides = array<i32>} : memref<80x128xf32, #tpu.memory_space<vmem>>, vector<1x16xf32>,
        %get3A_201 = vector.shape_cast %get3A_200 : vector<1x16xf32> to vector<16xf32>
        %get3A_202 = arith.index_cast %scan3A_101 : i32 to index
        %get3A_203 = arith.constant 112 : index
        %get3A_204 = tpu.vector_load %arg9[%get3A_202, %get3A_203] {strides = array<i32>} : memref<80x128xf32, #tpu.memory_space<vmem>>, vector<1x16xf32>,
        %get3A_205 = vector.shape_cast %get3A_204 : vector<1x16xf32> to vector<16xf32>
        %mul3A_206 = arith.mulf %get3A_201, %get3A_205 : vector<16xf32>
        %swap3A_207 = arith.index_cast %scan3A_101 : i32 to index
        %swap3A_208 = arith.constant 112 : index
        %swap3A_209 = tpu.vector_load %arg10[%swap3A_207, %swap3A_208] {strides = array<i32>} : memref<80x128xf32, #tpu.memory_space<vmem>>, vector<1x16xf32>,
        %swap3A_210 = vector.shape_cast %swap3A_209 : vector<1x16xf32> to vector<16xf32>
        %swap3A_211 = vector.shape_cast %mul3A_206 : vector<16xf32> to vector<1x16xf32>
        tpu.vector_store %arg10[%swap3A_207, %swap3A_208], %swap3A_211 {strides = array<i32>} : memref<80x128xf32, #tpu.memory_space<vmem>>, vector<1x16xf32>,
      }
      %scan3A_64 = arith.constant 80 : i32
      %mul3A_65 = arith.constant 80 : i32
      %mul3A_66 = arith.muli %mul3A_36, %mul3A_65 : i32
      %add3A_67 = arith.addi %mul3A_2, %mul3A_66 : i32
      "tpu.region"() ({
        %run_scoped3A = tpu.sem_alloc : memref<!tpu.dma_semaphore, #tpu.memory_space<semaphore_mem>>
        %dma_start3A_101 = arith.constant 0 : i32
        %dma_start3A_102 = tpu.memref_slice %arg5[%add3A_67, %dma_start3A_101] : memref<320000x128xf32, #tpu.memory_space<hbm>> -> memref<80x128xf32, #tpu.memory_space<hbm>>
        %dma_start3A_103 = arith.constant 0 : i32
        %dma_start3A_104 = tpu.memref_slice %arg5[%add3A_67, %dma_start3A_103] : memref<320000x128xf32, #tpu.memory_space<hbm>> -> memref<80x128xf32, #tpu.memory_space<hbm>>
        tpu.enqueue_dma source(%arg10 : memref<80x128xf32, #tpu.memory_space<vmem>>) target(%dma_start3A_104 : memref<80x128xf32, #tpu.memory_space<hbm>>) target_semaphore(%run_scoped3A : memref<!tpu.dma_semaphore, #tpu.memory_space<semaphore_mem>>)
        %dma_wait3A_105 = arith.constant 0 : i32
        %dma_wait3A_106 = tpu.memref_slice %arg5[%add3A_67, %dma_wait3A_105] : memref<320000x128xf32, #tpu.memory_space<hbm>> -> memref<80x128xf32, #tpu.memory_space<hbm>>
        %dma_wait3A_107 = arith.constant 0 : i32
        %dma_wait3A_108 = tpu.memref_slice %arg5[%add3A_67, %dma_wait3A_107] : memref<320000x128xf32, #tpu.memory_space<hbm>> -> memref<80x128xf32, #tpu.memory_space<hbm>>
        tpu.wait_dma2 semaphore(%run_scoped3A : memref<!tpu.dma_semaphore, #tpu.memory_space<semaphore_mem>>) src(%arg10 : memref<80x128xf32, #tpu.memory_space<vmem>>) dst(%dma_wait3A_108 : memref<80x128xf32, #tpu.memory_space<hbm>>)
        tpu.yield
      }) : () -> ()
      %add3A_68 = arith.constant 2 : i32
      %add3A_69 = arith.addi %mul3A_36, %add3A_68 : i32
      %mul3A_70 = arith.constant 80 : i32
      %mul3A_71 = arith.muli %add3A_69, %mul3A_70 : i32
      %dma_start3A_72 = tpu.memref_slice %arg6[%mul3A_71] : memref<10000xi32, #tpu.memory_space<vmem>> -> memref<80xi32, #tpu.memory_space<vmem>>
      %dma_start3A_73 = arith.constant 0 : i32
      %dma_start3A_74 = arith.constant 0 : i32
      %dma_start3A_75 = tpu.memref_slice %arg2[%dma_start3A_73, %dma_start3A_74] : memref<10000x128xf32, #tpu.memory_space<hbm>> -> memref<10000x128xf32, #tpu.memory_space<hbm>>
      tpu.enqueue_indirect_dma source(%dma_start3A_75 : memref<10000x128xf32, #tpu.memory_space<hbm>>) target(%arg8 : memref<80x128xf32, #tpu.memory_space<vmem>>) offsets(%dma_start3A_72 : memref<80xi32, #tpu.memory_space<vmem>>) semaphore(%arg14 : memref<!tpu.dma_semaphore, #tpu.memory_space<semaphore_mem>>)
      %dma_start3A_76 = tpu.memref_slice %arg7[%mul3A_71] : memref<10000xi32, #tpu.memory_space<vmem>> -> memref<80xi32, #tpu.memory_space<vmem>>
      %dma_start3A_77 = arith.constant 0 : i32
      %dma_start3A_78 = arith.constant 0 : i32
      %dma_start3A_79 = tpu.memref_slice %arg2[%dma_start3A_77, %dma_start3A_78] : memref<10000x128xf32, #tpu.memory_space<hbm>> -> memref<10000x128xf32, #tpu.memory_space<hbm>>
      tpu.enqueue_indirect_dma source(%dma_start3A_79 : memref<10000x128xf32, #tpu.memory_space<hbm>>) target(%arg9 : memref<80x128xf32, #tpu.memory_space<vmem>>) offsets(%dma_start3A_76 : memref<80xi32, #tpu.memory_space<vmem>>) semaphore(%arg15 : memref<!tpu.dma_semaphore, #tpu.memory_space<semaphore_mem>>)
      %dma_wait3A_80 = arith.constant 0 : i32
      %dma_wait3A_81 = tpu.memref_slice %arg6[%dma_wait3A_80] : memref<10000xi32, #tpu.memory_space<vmem>> -> memref<80xi32, #tpu.memory_space<vmem>>
      %dma_wait3A_82 = arith.constant 0 : i32
      %dma_wait3A_83 = arith.constant 0 : i32
      %dma_wait3A_84 = tpu.memref_slice %arg2[%dma_wait3A_82, %dma_wait3A_83] : memref<10000x128xf32, #tpu.memory_space<hbm>> -> memref<10000x128xf32, #tpu.memory_space<hbm>>
      tpu.wait_indirect_dma semaphore(%arg16 : memref<!tpu.dma_semaphore, #tpu.memory_space<semaphore_mem>>) src(%dma_wait3A_84 : memref<10000x128xf32, #tpu.memory_space<hbm>>) dst(%arg11 : memref<80x128xf32, #tpu.memory_space<vmem>>)
      %dma_wait3A_85 = arith.constant 0 : i32
      %dma_wait3A_86 = tpu.memref_slice %arg7[%dma_wait3A_85] : memref<10000xi32, #tpu.memory_space<vmem>> -> memref<80xi32, #tpu.memory_space<vmem>>
      %dma_wait3A_87 = arith.constant 0 : i32
      %dma_wait3A_88 = arith.constant 0 : i32
      %dma_wait3A_89 = tpu.memref_slice %arg2[%dma_wait3A_87, %dma_wait3A_88] : memref<10000x128xf32, #tpu.memory_space<hbm>> -> memref<10000x128xf32, #tpu.memory_space<hbm>>
      tpu.wait_indirect_dma semaphore(%arg17 : memref<!tpu.dma_semaphore, #tpu.memory_space<semaphore_mem>>) src(%dma_wait3A_89 : memref<10000x128xf32, #tpu.memory_space<hbm>>) dst(%arg12 : memref<80x128xf32, #tpu.memory_space<vmem>>)
      %add3A_90 = arith.constant 1 : i32
      %add3A_91 = arith.addi %mul3A_36, %add3A_90 : i32
      %scan3A_92 = arith.constant 0 : i32
      %scan3A_93 = arith.constant 0 : i32
      %scan3A_94 = arith.constant 80 : i32
      %scan3A_95 = arith.addi %scan3A_93, %scan3A_94 : i32
      %scan3A_96 = arith.constant 1 : i32
      scf.for %scan3A_101 = %scan3A_93 to %scan3A_95 step %scan3A_96  : i32 {
        %get3A = arith.index_cast %scan3A_101 : i32 to index
        %get3A_102 = arith.constant 0 : index
        %get3A_103 = tpu.vector_load %arg11[%get3A, %get3A_102] {strides = array<i32>} : memref<80x128xf32, #tpu.memory_space<vmem>>, vector<1x16xf32>,
        %get3A_104 = vector.shape_cast %get3A_103 : vector<1x16xf32> to vector<16xf32>
        %get3A_105 = arith.index_cast %scan3A_101 : i32 to index
        %get3A_106 = arith.constant 0 : index
        %get3A_107 = tpu.vector_load %arg12[%get3A_105, %get3A_106] {strides = array<i32>} : memref<80x128xf32, #tpu.memory_space<vmem>>, vector<1x16xf32>,
        %get3A_108 = vector.shape_cast %get3A_107 : vector<1x16xf32> to vector<16xf32>
        %mul3A_109 = arith.mulf %get3A_104, %get3A_108 : vector<16xf32>
        %swap3A = arith.index_cast %scan3A_101 : i32 to index
        %swap3A_110 = arith.constant 0 : index
        %swap3A_111 = tpu.vector_load %arg13[%swap3A, %swap3A_110] {strides = array<i32>} : memref<80x128xf32, #tpu.memory_space<vmem>>, vector<1x16xf32>,
        %swap3A_112 = vector.shape_cast %swap3A_111 : vector<1x16xf32> to vector<16xf32>
        %swap3A_113 = vector.shape_cast %mul3A_109 : vector<16xf32> to vector<1x16xf32>
        tpu.vector_store %arg13[%swap3A, %swap3A_110], %swap3A_113 {strides = array<i32>} : memref<80x128xf32, #tpu.memory_space<vmem>>, vector<1x16xf32>,
        %get3A_114 = arith.index_cast %scan3A_101 : i32 to index
        %get3A_115 = arith.constant 16 : index
        %get3A_116 = tpu.vector_load %arg11[%get3A_114, %get3A_115] {strides = array<i32>} : memref<80x128xf32, #tpu.memory_space<vmem>>, vector<1x16xf32>,
        %get3A_117 = vector.shape_cast %get3A_116 : vector<1x16xf32> to vector<16xf32>
        %get3A_118 = arith.index_cast %scan3A_101 : i32 to index
        %get3A_119 = arith.constant 16 : index
        %get3A_120 = tpu.vector_load %arg12[%get3A_118, %get3A_119] {strides = array<i32>} : memref<80x128xf32, #tpu.memory_space<vmem>>, vector<1x16xf32>,
        %get3A_121 = vector.shape_cast %get3A_120 : vector<1x16xf32> to vector<16xf32>
        %mul3A_122 = arith.mulf %get3A_117, %get3A_121 : vector<16xf32>
        %swap3A_123 = arith.index_cast %scan3A_101 : i32 to index
        %swap3A_124 = arith.constant 16 : index
        %swap3A_125 = tpu.vector_load %arg13[%swap3A_123, %swap3A_124] {strides = array<i32>} : memref<80x128xf32, #tpu.memory_space<vmem>>, vector<1x16xf32>,
        %swap3A_126 = vector.shape_cast %swap3A_125 : vector<1x16xf32> to vector<16xf32>
        %swap3A_127 = vector.shape_cast %mul3A_122 : vector<16xf32> to vector<1x16xf32>
        tpu.vector_store %arg13[%swap3A_123, %swap3A_124], %swap3A_127 {strides = array<i32>} : memref<80x128xf32, #tpu.memory_space<vmem>>, vector<1x16xf32>,
        %get3A_128 = arith.index_cast %scan3A_101 : i32 to index
        %get3A_129 = arith.constant 32 : index
        %get3A_130 = tpu.vector_load %arg11[%get3A_128, %get3A_129] {strides = array<i32>} : memref<80x128xf32, #tpu.memory_space<vmem>>, vector<1x16xf32>,
        %get3A_131 = vector.shape_cast %get3A_130 : vector<1x16xf32> to vector<16xf32>
        %get3A_132 = arith.index_cast %scan3A_101 : i32 to index
        %get3A_133 = arith.constant 32 : index
        %get3A_134 = tpu.vector_load %arg12[%get3A_132, %get3A_133] {strides = array<i32>} : memref<80x128xf32, #tpu.memory_space<vmem>>, vector<1x16xf32>,
        %get3A_135 = vector.shape_cast %get3A_134 : vector<1x16xf32> to vector<16xf32>
        %mul3A_136 = arith.mulf %get3A_131, %get3A_135 : vector<16xf32>
        %swap3A_137 = arith.index_cast %scan3A_101 : i32 to index
        %swap3A_138 = arith.constant 32 : index
        %swap3A_139 = tpu.vector_load %arg13[%swap3A_137, %swap3A_138] {strides = array<i32>} : memref<80x128xf32, #tpu.memory_space<vmem>>, vector<1x16xf32>,
        %swap3A_140 = vector.shape_cast %swap3A_139 : vector<1x16xf32> to vector<16xf32>
        %swap3A_141 = vector.shape_cast %mul3A_136 : vector<16xf32> to vector<1x16xf32>
        tpu.vector_store %arg13[%swap3A_137, %swap3A_138], %swap3A_141 {strides = array<i32>} : memref<80x128xf32, #tpu.memory_space<vmem>>, vector<1x16xf32>,
        %get3A_142 = arith.index_cast %scan3A_101 : i32 to index
        %get3A_143 = arith.constant 48 : index
        %get3A_144 = tpu.vector_load %arg11[%get3A_142, %get3A_143] {strides = array<i32>} : memref<80x128xf32, #tpu.memory_space<vmem>>, vector<1x16xf32>,
        %get3A_145 = vector.shape_cast %get3A_144 : vector<1x16xf32> to vector<16xf32>
        %get3A_146 = arith.index_cast %scan3A_101 : i32 to index
        %get3A_147 = arith.constant 48 : index
        %get3A_148 = tpu.vector_load %arg12[%get3A_146, %get3A_147] {strides = array<i32>} : memref<80x128xf32, #tpu.memory_space<vmem>>, vector<1x16xf32>,
        %get3A_149 = vector.shape_cast %get3A_148 : vector<1x16xf32> to vector<16xf32>
        %mul3A_150 = arith.mulf %get3A_145, %get3A_149 : vector<16xf32>
        %swap3A_151 = arith.index_cast %scan3A_101 : i32 to index
        %swap3A_152 = arith.constant 48 : index
        %swap3A_153 = tpu.vector_load %arg13[%swap3A_151, %swap3A_152] {strides = array<i32>} : memref<80x128xf32, #tpu.memory_space<vmem>>, vector<1x16xf32>,
        %swap3A_154 = vector.shape_cast %swap3A_153 : vector<1x16xf32> to vector<16xf32>
        %swap3A_155 = vector.shape_cast %mul3A_150 : vector<16xf32> to vector<1x16xf32>
        tpu.vector_store %arg13[%swap3A_151, %swap3A_152], %swap3A_155 {strides = array<i32>} : memref<80x128xf32, #tpu.memory_space<vmem>>, vector<1x16xf32>,
        %get3A_156 = arith.index_cast %scan3A_101 : i32 to index
        %get3A_157 = arith.constant 64 : index
        %get3A_158 = tpu.vector_load %arg11[%get3A_156, %get3A_157] {strides = array<i32>} : memref<80x128xf32, #tpu.memory_space<vmem>>, vector<1x16xf32>,
        %get3A_159 = vector.shape_cast %get3A_158 : vector<1x16xf32> to vector<16xf32>
        %get3A_160 = arith.index_cast %scan3A_101 : i32 to index
        %get3A_161 = arith.constant 64 : index
        %get3A_162 = tpu.vector_load %arg12[%get3A_160, %get3A_161] {strides = array<i32>} : memref<80x128xf32, #tpu.memory_space<vmem>>, vector<1x16xf32>,
        %get3A_163 = vector.shape_cast %get3A_162 : vector<1x16xf32> to vector<16xf32>
        %mul3A_164 = arith.mulf %get3A_159, %get3A_163 : vector<16xf32>
        %swap3A_165 = arith.index_cast %scan3A_101 : i32 to index
        %swap3A_166 = arith.constant 64 : index
        %swap3A_167 = tpu.vector_load %arg13[%swap3A_165, %swap3A_166] {strides = array<i32>} : memref<80x128xf32, #tpu.memory_space<vmem>>, vector<1x16xf32>,
        %swap3A_168 = vector.shape_cast %swap3A_167 : vector<1x16xf32> to vector<16xf32>
        %swap3A_169 = vector.shape_cast %mul3A_164 : vector<16xf32> to vector<1x16xf32>
        tpu.vector_store %arg13[%swap3A_165, %swap3A_166], %swap3A_169 {strides = array<i32>} : memref<80x128xf32, #tpu.memory_space<vmem>>, vector<1x16xf32>,
        %get3A_170 = arith.index_cast %scan3A_101 : i32 to index
        %get3A_171 = arith.constant 80 : index
        %get3A_172 = tpu.vector_load %arg11[%get3A_170, %get3A_171] {strides = array<i32>} : memref<80x128xf32, #tpu.memory_space<vmem>>, vector<1x16xf32>,
        %get3A_173 = vector.shape_cast %get3A_172 : vector<1x16xf32> to vector<16xf32>
        %get3A_174 = arith.index_cast %scan3A_101 : i32 to index
        %get3A_175 = arith.constant 80 : index
        %get3A_176 = tpu.vector_load %arg12[%get3A_174, %get3A_175] {strides = array<i32>} : memref<80x128xf32, #tpu.memory_space<vmem>>, vector<1x16xf32>,
        %get3A_177 = vector.shape_cast %get3A_176 : vector<1x16xf32> to vector<16xf32>
        %mul3A_178 = arith.mulf %get3A_173, %get3A_177 : vector<16xf32>
        %swap3A_179 = arith.index_cast %scan3A_101 : i32 to index
        %swap3A_180 = arith.constant 80 : index
        %swap3A_181 = tpu.vector_load %arg13[%swap3A_179, %swap3A_180] {strides = array<i32>} : memref<80x128xf32, #tpu.memory_space<vmem>>, vector<1x16xf32>,
        %swap3A_182 = vector.shape_cast %swap3A_181 : vector<1x16xf32> to vector<16xf32>
        %swap3A_183 = vector.shape_cast %mul3A_178 : vector<16xf32> to vector<1x16xf32>
        tpu.vector_store %arg13[%swap3A_179, %swap3A_180], %swap3A_183 {strides = array<i32>} : memref<80x128xf32, #tpu.memory_space<vmem>>, vector<1x16xf32>,
        %get3A_184 = arith.index_cast %scan3A_101 : i32 to index
        %get3A_185 = arith.constant 96 : index
        %get3A_186 = tpu.vector_load %arg11[%get3A_184, %get3A_185] {strides = array<i32>} : memref<80x128xf32, #tpu.memory_space<vmem>>, vector<1x16xf32>,
        %get3A_187 = vector.shape_cast %get3A_186 : vector<1x16xf32> to vector<16xf32>
        %get3A_188 = arith.index_cast %scan3A_101 : i32 to index
        %get3A_189 = arith.constant 96 : index
        %get3A_190 = tpu.vector_load %arg12[%get3A_188, %get3A_189] {strides = array<i32>} : memref<80x128xf32, #tpu.memory_space<vmem>>, vector<1x16xf32>,
        %get3A_191 = vector.shape_cast %get3A_190 : vector<1x16xf32> to vector<16xf32>
        %mul3A_192 = arith.mulf %get3A_187, %get3A_191 : vector<16xf32>
        %swap3A_193 = arith.index_cast %scan3A_101 : i32 to index
        %swap3A_194 = arith.constant 96 : index
        %swap3A_195 = tpu.vector_load %arg13[%swap3A_193, %swap3A_194] {strides = array<i32>} : memref<80x128xf32, #tpu.memory_space<vmem>>, vector<1x16xf32>,
        %swap3A_196 = vector.shape_cast %swap3A_195 : vector<1x16xf32> to vector<16xf32>
        %swap3A_197 = vector.shape_cast %mul3A_192 : vector<16xf32> to vector<1x16xf32>
        tpu.vector_store %arg13[%swap3A_193, %swap3A_194], %swap3A_197 {strides = array<i32>} : memref<80x128xf32, #tpu.memory_space<vmem>>, vector<1x16xf32>,
        %get3A_198 = arith.index_cast %scan3A_101 : i32 to index
        %get3A_199 = arith.constant 112 : index
        %get3A_200 = tpu.vector_load %arg11[%get3A_198, %get3A_199] {strides = array<i32>} : memref<80x128xf32, #tpu.memory_space<vmem>>, vector<1x16xf32>,
        %get3A_201 = vector.shape_cast %get3A_200 : vector<1x16xf32> to vector<16xf32>
        %get3A_202 = arith.index_cast %scan3A_101 : i32 to index
        %get3A_203 = arith.constant 112 : index
        %get3A_204 = tpu.vector_load %arg12[%get3A_202, %get3A_203] {strides = array<i32>} : memref<80x128xf32, #tpu.memory_space<vmem>>, vector<1x16xf32>,
        %get3A_205 = vector.shape_cast %get3A_204 : vector<1x16xf32> to vector<16xf32>
        %mul3A_206 = arith.mulf %get3A_201, %get3A_205 : vector<16xf32>
        %swap3A_207 = arith.index_cast %scan3A_101 : i32 to index
        %swap3A_208 = arith.constant 112 : index
        %swap3A_209 = tpu.vector_load %arg13[%swap3A_207, %swap3A_208] {strides = array<i32>} : memref<80x128xf32, #tpu.memory_space<vmem>>, vector<1x16xf32>,
        %swap3A_210 = vector.shape_cast %swap3A_209 : vector<1x16xf32> to vector<16xf32>
        %swap3A_211 = vector.shape_cast %mul3A_206 : vector<16xf32> to vector<1x16xf32>
        tpu.vector_store %arg13[%swap3A_207, %swap3A_208], %swap3A_211 {strides = array<i32>} : memref<80x128xf32, #tpu.memory_space<vmem>>, vector<1x16xf32>,
      }
      %scan3A_97 = arith.constant 80 : i32
      %mul3A_98 = arith.constant 80 : i32
      %mul3A_99 = arith.muli %add3A_91, %mul3A_98 : i32
      %add3A_100 = arith.addi %mul3A_2, %mul3A_99 : i32
      "tpu.region"() ({
        %run_scoped3A = tpu.sem_alloc : memref<!tpu.dma_semaphore, #tpu.memory_space<semaphore_mem>>
        %dma_start3A_101 = arith.constant 0 : i32
        %dma_start3A_102 = tpu.memref_slice %arg5[%add3A_100, %dma_start3A_101] : memref<320000x128xf32, #tpu.memory_space<hbm>> -> memref<80x128xf32, #tpu.memory_space<hbm>>
        %dma_start3A_103 = arith.constant 0 : i32
        %dma_start3A_104 = tpu.memref_slice %arg5[%add3A_100, %dma_start3A_103] : memref<320000x128xf32, #tpu.memory_space<hbm>> -> memref<80x128xf32, #tpu.memory_space<hbm>>
        tpu.enqueue_dma source(%arg13 : memref<80x128xf32, #tpu.memory_space<vmem>>) target(%dma_start3A_104 : memref<80x128xf32, #tpu.memory_space<hbm>>) target_semaphore(%run_scoped3A : memref<!tpu.dma_semaphore, #tpu.memory_space<semaphore_mem>>)
        %dma_wait3A_105 = arith.constant 0 : i32
        %dma_wait3A_106 = tpu.memref_slice %arg5[%add3A_100, %dma_wait3A_105] : memref<320000x128xf32, #tpu.memory_space<hbm>> -> memref<80x128xf32, #tpu.memory_space<hbm>>
        %dma_wait3A_107 = arith.constant 0 : i32
        %dma_wait3A_108 = tpu.memref_slice %arg5[%add3A_100, %dma_wait3A_107] : memref<320000x128xf32, #tpu.memory_space<hbm>> -> memref<80x128xf32, #tpu.memory_space<hbm>>
        tpu.wait_dma2 semaphore(%run_scoped3A : memref<!tpu.dma_semaphore, #tpu.memory_space<semaphore_mem>>) src(%arg13 : memref<80x128xf32, #tpu.memory_space<vmem>>) dst(%dma_wait3A_108 : memref<80x128xf32, #tpu.memory_space<hbm>>)
        tpu.yield
      }) : () -> ()
    }
    %scan3A_16 = arith.constant 62 : i32
    %dma_wait3A = arith.constant 0 : i32
    %dma_wait3A_17 = tpu.memref_slice %arg6[%dma_wait3A] : memref<10000xi32, #tpu.memory_space<vmem>> -> memref<80xi32, #tpu.memory_space<vmem>>
    %dma_wait3A_18 = arith.constant 0 : i32
    %dma_wait3A_19 = arith.constant 0 : i32
    %dma_wait3A_20 = tpu.memref_slice %arg2[%dma_wait3A_18, %dma_wait3A_19] : memref<10000x128xf32, #tpu.memory_space<hbm>> -> memref<10000x128xf32, #tpu.memory_space<hbm>>
    tpu.wait_indirect_dma semaphore(%arg14 : memref<!tpu.dma_semaphore, #tpu.memory_space<semaphore_mem>>) src(%dma_wait3A_20 : memref<10000x128xf32, #tpu.memory_space<hbm>>) dst(%arg8 : memref<80x128xf32, #tpu.memory_space<vmem>>)
    %dma_wait3A_21 = arith.constant 0 : i32
    %dma_wait3A_22 = tpu.memref_slice %arg7[%dma_wait3A_21] : memref<10000xi32, #tpu.memory_space<vmem>> -> memref<80xi32, #tpu.memory_space<vmem>>
    %dma_wait3A_23 = arith.constant 0 : i32
    %dma_wait3A_24 = arith.constant 0 : i32
    %dma_wait3A_25 = tpu.memref_slice %arg2[%dma_wait3A_23, %dma_wait3A_24] : memref<10000x128xf32, #tpu.memory_space<hbm>> -> memref<10000x128xf32, #tpu.memory_space<hbm>>
    tpu.wait_indirect_dma semaphore(%arg15 : memref<!tpu.dma_semaphore, #tpu.memory_space<semaphore_mem>>) src(%dma_wait3A_25 : memref<10000x128xf32, #tpu.memory_space<hbm>>) dst(%arg9 : memref<80x128xf32, #tpu.memory_space<vmem>>)
    %scan3A_26 = arith.constant 0 : i32
    %scan3A_27 = arith.constant 0 : i32
    %scan3A_28 = arith.constant 80 : i32
    %scan3A_29 = arith.addi %scan3A_27, %scan3A_28 : i32
    %scan3A_30 = arith.constant 1 : i32
    scf.for %scan3A_34 = %scan3A_27 to %scan3A_29 step %scan3A_30  : i32 {
      %get3A = arith.index_cast %scan3A_34 : i32 to index
      %get3A_35 = arith.constant 0 : index
      %get3A_36 = tpu.vector_load %arg8[%get3A, %get3A_35] {strides = array<i32>} : memref<80x128xf32, #tpu.memory_space<vmem>>, vector<1x16xf32>,
      %get3A_37 = vector.shape_cast %get3A_36 : vector<1x16xf32> to vector<16xf32>
      %get3A_38 = arith.index_cast %scan3A_34 : i32 to index
      %get3A_39 = arith.constant 0 : index
      %get3A_40 = tpu.vector_load %arg9[%get3A_38, %get3A_39] {strides = array<i32>} : memref<80x128xf32, #tpu.memory_space<vmem>>, vector<1x16xf32>,
      %get3A_41 = vector.shape_cast %get3A_40 : vector<1x16xf32> to vector<16xf32>
      %mul3A_42 = arith.mulf %get3A_37, %get3A_41 : vector<16xf32>
      %swap3A = arith.index_cast %scan3A_34 : i32 to index
      %swap3A_43 = arith.constant 0 : index
      %swap3A_44 = tpu.vector_load %arg10[%swap3A, %swap3A_43] {strides = array<i32>} : memref<80x128xf32, #tpu.memory_space<vmem>>, vector<1x16xf32>,
      %swap3A_45 = vector.shape_cast %swap3A_44 : vector<1x16xf32> to vector<16xf32>
      %swap3A_46 = vector.shape_cast %mul3A_42 : vector<16xf32> to vector<1x16xf32>
      tpu.vector_store %arg10[%swap3A, %swap3A_43], %swap3A_46 {strides = array<i32>} : memref<80x128xf32, #tpu.memory_space<vmem>>, vector<1x16xf32>,
      %get3A_47 = arith.index_cast %scan3A_34 : i32 to index
      %get3A_48 = arith.constant 16 : index
      %get3A_49 = tpu.vector_load %arg8[%get3A_47, %get3A_48] {strides = array<i32>} : memref<80x128xf32, #tpu.memory_space<vmem>>, vector<1x16xf32>,
      %get3A_50 = vector.shape_cast %get3A_49 : vector<1x16xf32> to vector<16xf32>
      %get3A_51 = arith.index_cast %scan3A_34 : i32 to index
      %get3A_52 = arith.constant 16 : index
      %get3A_53 = tpu.vector_load %arg9[%get3A_51, %get3A_52] {strides = array<i32>} : memref<80x128xf32, #tpu.memory_space<vmem>>, vector<1x16xf32>,
      %get3A_54 = vector.shape_cast %get3A_53 : vector<1x16xf32> to vector<16xf32>
      %mul3A_55 = arith.mulf %get3A_50, %get3A_54 : vector<16xf32>
      %swap3A_56 = arith.index_cast %scan3A_34 : i32 to index
      %swap3A_57 = arith.constant 16 : index
      %swap3A_58 = tpu.vector_load %arg10[%swap3A_56, %swap3A_57] {strides = array<i32>} : memref<80x128xf32, #tpu.memory_space<vmem>>, vector<1x16xf32>,
      %swap3A_59 = vector.shape_cast %swap3A_58 : vector<1x16xf32> to vector<16xf32>
      %swap3A_60 = vector.shape_cast %mul3A_55 : vector<16xf32> to vector<1x16xf32>
      tpu.vector_store %arg10[%swap3A_56, %swap3A_57], %swap3A_60 {strides = array<i32>} : memref<80x128xf32, #tpu.memory_space<vmem>>, vector<1x16xf32>,
      %get3A_61 = arith.index_cast %scan3A_34 : i32 to index
      %get3A_62 = arith.constant 32 : index
      %get3A_63 = tpu.vector_load %arg8[%get3A_61, %get3A_62] {strides = array<i32>} : memref<80x128xf32, #tpu.memory_space<vmem>>, vector<1x16xf32>,
      %get3A_64 = vector.shape_cast %get3A_63 : vector<1x16xf32> to vector<16xf32>
      %get3A_65 = arith.index_cast %scan3A_34 : i32 to index
      %get3A_66 = arith.constant 32 : index
      %get3A_67 = tpu.vector_load %arg9[%get3A_65, %get3A_66] {strides = array<i32>} : memref<80x128xf32, #tpu.memory_space<vmem>>, vector<1x16xf32>,
      %get3A_68 = vector.shape_cast %get3A_67 : vector<1x16xf32> to vector<16xf32>
      %mul3A_69 = arith.mulf %get3A_64, %get3A_68 : vector<16xf32>
      %swap3A_70 = arith.index_cast %scan3A_34 : i32 to index
      %swap3A_71 = arith.constant 32 : index
      %swap3A_72 = tpu.vector_load %arg10[%swap3A_70, %swap3A_71] {strides = array<i32>} : memref<80x128xf32, #tpu.memory_space<vmem>>, vector<1x16xf32>,
      %swap3A_73 = vector.shape_cast %swap3A_72 : vector<1x16xf32> to vector<16xf32>
      %swap3A_74 = vector.shape_cast %mul3A_69 : vector<16xf32> to vector<1x16xf32>
      tpu.vector_store %arg10[%swap3A_70, %swap3A_71], %swap3A_74 {strides = array<i32>} : memref<80x128xf32, #tpu.memory_space<vmem>>, vector<1x16xf32>,
      %get3A_75 = arith.index_cast %scan3A_34 : i32 to index
      %get3A_76 = arith.constant 48 : index
      %get3A_77 = tpu.vector_load %arg8[%get3A_75, %get3A_76] {strides = array<i32>} : memref<80x128xf32, #tpu.memory_space<vmem>>, vector<1x16xf32>,
      %get3A_78 = vector.shape_cast %get3A_77 : vector<1x16xf32> to vector<16xf32>
      %get3A_79 = arith.index_cast %scan3A_34 : i32 to index
      %get3A_80 = arith.constant 48 : index
      %get3A_81 = tpu.vector_load %arg9[%get3A_79, %get3A_80] {strides = array<i32>} : memref<80x128xf32, #tpu.memory_space<vmem>>, vector<1x16xf32>,
      %get3A_82 = vector.shape_cast %get3A_81 : vector<1x16xf32> to vector<16xf32>
      %mul3A_83 = arith.mulf %get3A_78, %get3A_82 : vector<16xf32>
      %swap3A_84 = arith.index_cast %scan3A_34 : i32 to index
      %swap3A_85 = arith.constant 48 : index
      %swap3A_86 = tpu.vector_load %arg10[%swap3A_84, %swap3A_85] {strides = array<i32>} : memref<80x128xf32, #tpu.memory_space<vmem>>, vector<1x16xf32>,
      %swap3A_87 = vector.shape_cast %swap3A_86 : vector<1x16xf32> to vector<16xf32>
      %swap3A_88 = vector.shape_cast %mul3A_83 : vector<16xf32> to vector<1x16xf32>
      tpu.vector_store %arg10[%swap3A_84, %swap3A_85], %swap3A_88 {strides = array<i32>} : memref<80x128xf32, #tpu.memory_space<vmem>>, vector<1x16xf32>,
      %get3A_89 = arith.index_cast %scan3A_34 : i32 to index
      %get3A_90 = arith.constant 64 : index
      %get3A_91 = tpu.vector_load %arg8[%get3A_89, %get3A_90] {strides = array<i32>} : memref<80x128xf32, #tpu.memory_space<vmem>>, vector<1x16xf32>,
      %get3A_92 = vector.shape_cast %get3A_91 : vector<1x16xf32> to vector<16xf32>
      %get3A_93 = arith.index_cast %scan3A_34 : i32 to index
      %get3A_94 = arith.constant 64 : index
      %get3A_95 = tpu.vector_load %arg9[%get3A_93, %get3A_94] {strides = array<i32>} : memref<80x128xf32, #tpu.memory_space<vmem>>, vector<1x16xf32>,
      %get3A_96 = vector.shape_cast %get3A_95 : vector<1x16xf32> to vector<16xf32>
      %mul3A_97 = arith.mulf %get3A_92, %get3A_96 : vector<16xf32>
      %swap3A_98 = arith.index_cast %scan3A_34 : i32 to index
      %swap3A_99 = arith.constant 64 : index
      %swap3A_100 = tpu.vector_load %arg10[%swap3A_98, %swap3A_99] {strides = array<i32>} : memref<80x128xf32, #tpu.memory_space<vmem>>, vector<1x16xf32>,
      %swap3A_101 = vector.shape_cast %swap3A_100 : vector<1x16xf32> to vector<16xf32>
      %swap3A_102 = vector.shape_cast %mul3A_97 : vector<16xf32> to vector<1x16xf32>
      tpu.vector_store %arg10[%swap3A_98, %swap3A_99], %swap3A_102 {strides = array<i32>} : memref<80x128xf32, #tpu.memory_space<vmem>>, vector<1x16xf32>,
      %get3A_103 = arith.index_cast %scan3A_34 : i32 to index
      %get3A_104 = arith.constant 80 : index
      %get3A_105 = tpu.vector_load %arg8[%get3A_103, %get3A_104] {strides = array<i32>} : memref<80x128xf32, #tpu.memory_space<vmem>>, vector<1x16xf32>,
      %get3A_106 = vector.shape_cast %get3A_105 : vector<1x16xf32> to vector<16xf32>
      %get3A_107 = arith.index_cast %scan3A_34 : i32 to index
      %get3A_108 = arith.constant 80 : index
      %get3A_109 = tpu.vector_load %arg9[%get3A_107, %get3A_108] {strides = array<i32>} : memref<80x128xf32, #tpu.memory_space<vmem>>, vector<1x16xf32>,
      %get3A_110 = vector.shape_cast %get3A_109 : vector<1x16xf32> to vector<16xf32>
      %mul3A_111 = arith.mulf %get3A_106, %get3A_110 : vector<16xf32>
      %swap3A_112 = arith.index_cast %scan3A_34 : i32 to index
      %swap3A_113 = arith.constant 80 : index
      %swap3A_114 = tpu.vector_load %arg10[%swap3A_112, %swap3A_113] {strides = array<i32>} : memref<80x128xf32, #tpu.memory_space<vmem>>, vector<1x16xf32>,
      %swap3A_115 = vector.shape_cast %swap3A_114 : vector<1x16xf32> to vector<16xf32>
      %swap3A_116 = vector.shape_cast %mul3A_111 : vector<16xf32> to vector<1x16xf32>
      tpu.vector_store %arg10[%swap3A_112, %swap3A_113], %swap3A_116 {strides = array<i32>} : memref<80x128xf32, #tpu.memory_space<vmem>>, vector<1x16xf32>,
      %get3A_117 = arith.index_cast %scan3A_34 : i32 to index
      %get3A_118 = arith.constant 96 : index
      %get3A_119 = tpu.vector_load %arg8[%get3A_117, %get3A_118] {strides = array<i32>} : memref<80x128xf32, #tpu.memory_space<vmem>>, vector<1x16xf32>,
      %get3A_120 = vector.shape_cast %get3A_119 : vector<1x16xf32> to vector<16xf32>
      %get3A_121 = arith.index_cast %scan3A_34 : i32 to index
      %get3A_122 = arith.constant 96 : index
      %get3A_123 = tpu.vector_load %arg9[%get3A_121, %get3A_122] {strides = array<i32>} : memref<80x128xf32, #tpu.memory_space<vmem>>, vector<1x16xf32>,
      %get3A_124 = vector.shape_cast %get3A_123 : vector<1x16xf32> to vector<16xf32>
      %mul3A_125 = arith.mulf %get3A_120, %get3A_124 : vector<16xf32>
      %swap3A_126 = arith.index_cast %scan3A_34 : i32 to index
      %swap3A_127 = arith.constant 96 : index
      %swap3A_128 = tpu.vector_load %arg10[%swap3A_126, %swap3A_127] {strides = array<i32>} : memref<80x128xf32, #tpu.memory_space<vmem>>, vector<1x16xf32>,
      %swap3A_129 = vector.shape_cast %swap3A_128 : vector<1x16xf32> to vector<16xf32>
      %swap3A_130 = vector.shape_cast %mul3A_125 : vector<16xf32> to vector<1x16xf32>
      tpu.vector_store %arg10[%swap3A_126, %swap3A_127], %swap3A_130 {strides = array<i32>} : memref<80x128xf32, #tpu.memory_space<vmem>>, vector<1x16xf32>,
      %get3A_131 = arith.index_cast %scan3A_34 : i32 to index
      %get3A_132 = arith.constant 112 : index
      %get3A_133 = tpu.vector_load %arg8[%get3A_131, %get3A_132] {strides = array<i32>} : memref<80x128xf32, #tpu.memory_space<vmem>>, vector<1x16xf32>,
      %get3A_134 = vector.shape_cast %get3A_133 : vector<1x16xf32> to vector<16xf32>
      %get3A_135 = arith.index_cast %scan3A_34 : i32 to index
      %get3A_136 = arith.constant 112 : index
      %get3A_137 = tpu.vector_load %arg9[%get3A_135, %get3A_136] {strides = array<i32>} : memref<80x128xf32, #tpu.memory_space<vmem>>, vector<1x16xf32>,
      %get3A_138 = vector.shape_cast %get3A_137 : vector<1x16xf32> to vector<16xf32>
      %mul3A_139 = arith.mulf %get3A_134, %get3A_138 : vector<16xf32>
      %swap3A_140 = arith.index_cast %scan3A_34 : i32 to index
      %swap3A_141 = arith.constant 112 : index
      %swap3A_142 = tpu.vector_load %arg10[%swap3A_140, %swap3A_141] {strides = array<i32>} : memref<80x128xf32, #tpu.memory_space<vmem>>, vector<1x16xf32>,
      %swap3A_143 = vector.shape_cast %swap3A_142 : vector<1x16xf32> to vector<16xf32>
      %swap3A_144 = vector.shape_cast %mul3A_139 : vector<16xf32> to vector<1x16xf32>
      tpu.vector_store %arg10[%swap3A_140, %swap3A_141], %swap3A_144 {strides = array<i32>} : memref<80x128xf32, #tpu.memory_space<vmem>>, vector<1x16xf32>,
    }
    %scan3A_31 = arith.constant 80 : i32
    %add3A_32 = arith.constant 9920 : i32
    %add3A_33 = arith.addi %mul3A_2, %add3A_32 : i32
    "tpu.region"() ({
      %run_scoped3A = tpu.sem_alloc : memref<!tpu.dma_semaphore, #tpu.memory_space<semaphore_mem>>
      %dma_start3A_34 = arith.constant 0 : i32
      %dma_start3A_35 = tpu.memref_slice %arg5[%add3A_33, %dma_start3A_34] : memref<320000x128xf32, #tpu.memory_space<hbm>> -> memref<80x128xf32, #tpu.memory_space<hbm>>
      %dma_start3A_36 = arith.constant 0 : i32
      %dma_start3A_37 = tpu.memref_slice %arg5[%add3A_33, %dma_start3A_36] : memref<320000x128xf32, #tpu.memory_space<hbm>> -> memref<80x128xf32, #tpu.memory_space<hbm>>
      tpu.enqueue_dma source(%arg10 : memref<80x128xf32, #tpu.memory_space<vmem>>) target(%dma_start3A_37 : memref<80x128xf32, #tpu.memory_space<hbm>>) target_semaphore(%run_scoped3A : memref<!tpu.dma_semaphore, #tpu.memory_space<semaphore_mem>>)
      %dma_wait3A_38 = arith.constant 0 : i32
      %dma_wait3A_39 = tpu.memref_slice %arg5[%add3A_33, %dma_wait3A_38] : memref<320000x128xf32, #tpu.memory_space<hbm>> -> memref<80x128xf32, #tpu.memory_space<hbm>>
      %dma_wait3A_40 = arith.constant 0 : i32
      %dma_wait3A_41 = tpu.memref_slice %arg5[%add3A_33, %dma_wait3A_40] : memref<320000x128xf32, #tpu.memory_space<hbm>> -> memref<80x128xf32, #tpu.memory_space<hbm>>
      tpu.wait_dma2 semaphore(%run_scoped3A : memref<!tpu.dma_semaphore, #tpu.memory_space<semaphore_mem>>) src(%arg10 : memref<80x128xf32, #tpu.memory_space<vmem>>) dst(%dma_wait3A_41 : memref<80x128xf32, #tpu.memory_space<hbm>>)
      tpu.yield
    }) : () -> ()
    return
  }
}

#map = affine_map<(d0, d1) -> (0, 0, 0)>
module attributes {stable_mosaic.version = 14 : i64} {
  func.func @_aggregate_cnt(%arg0: i32, %arg1: i32, %arg2: memref<32x125x80xi32, #tpu.memory_space<hbm>>, %arg3: memref<2x10000x128xf32, #tpu.memory_space<hbm>>, %arg4: memref<125x80xi32, #tpu.memory_space<vmem>>, %arg5: memref<80x128xf32, #tpu.memory_space<vmem>>, %arg6: memref<40x128xf32, #tpu.memory_space<vmem>>, %arg7: memref<10000x128xf32, #tpu.memory_space<vmem_shared>>) attributes {dimension_semantics = [#tpu.dimension_semantics<core_parallel>, #tpu.dimension_semantics<subcore_parallel>], iteration_bounds = array<i64: 2, 16>, scalar_prefetch = 0 : i64, scratch_operands = 4 : i64, tpu.core_type = #tpu.core_type<sc_vector_subcore>, window_params = [{transform_indices = #map}, {transform_indices = #map}]} {
    %mul3A = arith.constant 2 : i32
    %mul3A_0 = arith.muli %arg1, %mul3A : i32
    %add3A = arith.addi %mul3A_0, %arg0 : i32
    "tpu.region"() ({
      %run_scoped3A = tpu.sem_alloc : memref<!tpu.dma_semaphore, #tpu.memory_space<semaphore_mem>>
      %dma_start3A = arith.constant 0 : i32
      %dma_start3A_26 = arith.constant 0 : i32
      %dma_start3A_27 = tpu.memref_slice %arg2[%add3A, %dma_start3A, %dma_start3A_26] : memref<32x125x80xi32, #tpu.memory_space<hbm>> -> memref<1x125x80xi32, #tpu.memory_space<hbm>>
      %dma_start3A_28 = tpu.memref_squeeze %dma_start3A_27 : memref<1x125x80xi32, #tpu.memory_space<hbm>> -> memref<125x80xi32, #tpu.memory_space<hbm>>
      %dma_start3A_29 = arith.constant 0 : i32
      %dma_start3A_30 = arith.constant 0 : i32
      %dma_start3A_31 = tpu.memref_slice %arg2[%add3A, %dma_start3A_29, %dma_start3A_30] : memref<32x125x80xi32, #tpu.memory_space<hbm>> -> memref<1x125x80xi32, #tpu.memory_space<hbm>>
      %dma_start3A_32 = tpu.memref_squeeze %dma_start3A_31 : memref<1x125x80xi32, #tpu.memory_space<hbm>> -> memref<125x80xi32, #tpu.memory_space<hbm>>
      tpu.enqueue_dma source(%dma_start3A_32 : memref<125x80xi32, #tpu.memory_space<hbm>>) target(%arg4 : memref<125x80xi32, #tpu.memory_space<vmem>>) target_semaphore(%run_scoped3A : memref<!tpu.dma_semaphore, #tpu.memory_space<semaphore_mem>>)
      %dma_wait3A = arith.constant 0 : i32
      %dma_wait3A_33 = arith.constant 0 : i32
      %dma_wait3A_34 = tpu.memref_slice %arg2[%add3A, %dma_wait3A, %dma_wait3A_33] : memref<32x125x80xi32, #tpu.memory_space<hbm>> -> memref<1x125x80xi32, #tpu.memory_space<hbm>>
      %dma_wait3A_35 = tpu.memref_squeeze %dma_wait3A_34 : memref<1x125x80xi32, #tpu.memory_space<hbm>> -> memref<125x80xi32, #tpu.memory_space<hbm>>
      %dma_wait3A_36 = arith.constant 0 : i32
      %dma_wait3A_37 = arith.constant 0 : i32
      %dma_wait3A_38 = tpu.memref_slice %arg2[%add3A, %dma_wait3A_36, %dma_wait3A_37] : memref<32x125x80xi32, #tpu.memory_space<hbm>> -> memref<1x125x80xi32, #tpu.memory_space<hbm>>
      %dma_wait3A_39 = tpu.memref_squeeze %dma_wait3A_38 : memref<1x125x80xi32, #tpu.memory_space<hbm>> -> memref<125x80xi32, #tpu.memory_space<hbm>>
      tpu.wait_dma2 semaphore(%run_scoped3A : memref<!tpu.dma_semaphore, #tpu.memory_space<semaphore_mem>>) src(%dma_wait3A_39 : memref<125x80xi32, #tpu.memory_space<hbm>>) dst(%arg4 : memref<125x80xi32, #tpu.memory_space<vmem>>)
      tpu.yield
    }) : () -> ()
    %scan3A = arith.constant 0 : i32
    %scan3A_1 = arith.constant 0 : i32
    %scan3A_2 = arith.constant 80 : i32
    %scan3A_3 = arith.addi %scan3A_1, %scan3A_2 : i32
    %scan3A_4 = arith.constant 1 : i32
    scf.for %scan3A_26 = %scan3A_1 to %scan3A_3 step %scan3A_4  : i32 {
      %broadcast_in_dim3A = arith.constant 1.000000e+00 : f32
      %broadcast_in_dim3A_27 = vector.broadcast %broadcast_in_dim3A : f32 to vector<16xf32>
      %swap3A = arith.index_cast %scan3A_26 : i32 to index
      %swap3A_28 = arith.constant 0 : index
      %swap3A_29 = tpu.vector_load %arg5[%swap3A, %swap3A_28] {strides = array<i32>} : memref<80x128xf32, #tpu.memory_space<vmem>>, vector<1x16xf32>,
      %swap3A_30 = vector.shape_cast %swap3A_29 : vector<1x16xf32> to vector<16xf32>
      %swap3A_31 = vector.shape_cast %broadcast_in_dim3A_27 : vector<16xf32> to vector<1x16xf32>
      tpu.vector_store %arg5[%swap3A, %swap3A_28], %swap3A_31 {strides = array<i32>} : memref<80x128xf32, #tpu.memory_space<vmem>>, vector<1x16xf32>,
      %broadcast_in_dim3A_32 = arith.constant 1.000000e+00 : f32
      %broadcast_in_dim3A_33 = vector.broadcast %broadcast_in_dim3A_32 : f32 to vector<16xf32>
      %swap3A_34 = arith.index_cast %scan3A_26 : i32 to index
      %swap3A_35 = arith.constant 16 : index
      %swap3A_36 = tpu.vector_load %arg5[%swap3A_34, %swap3A_35] {strides = array<i32>} : memref<80x128xf32, #tpu.memory_space<vmem>>, vector<1x16xf32>,
      %swap3A_37 = vector.shape_cast %swap3A_36 : vector<1x16xf32> to vector<16xf32>
      %swap3A_38 = vector.shape_cast %broadcast_in_dim3A_33 : vector<16xf32> to vector<1x16xf32>
      tpu.vector_store %arg5[%swap3A_34, %swap3A_35], %swap3A_38 {strides = array<i32>} : memref<80x128xf32, #tpu.memory_space<vmem>>, vector<1x16xf32>,
      %broadcast_in_dim3A_39 = arith.constant 1.000000e+00 : f32
      %broadcast_in_dim3A_40 = vector.broadcast %broadcast_in_dim3A_39 : f32 to vector<16xf32>
      %swap3A_41 = arith.index_cast %scan3A_26 : i32 to index
      %swap3A_42 = arith.constant 32 : index
      %swap3A_43 = tpu.vector_load %arg5[%swap3A_41, %swap3A_42] {strides = array<i32>} : memref<80x128xf32, #tpu.memory_space<vmem>>, vector<1x16xf32>,
      %swap3A_44 = vector.shape_cast %swap3A_43 : vector<1x16xf32> to vector<16xf32>
      %swap3A_45 = vector.shape_cast %broadcast_in_dim3A_40 : vector<16xf32> to vector<1x16xf32>
      tpu.vector_store %arg5[%swap3A_41, %swap3A_42], %swap3A_45 {strides = array<i32>} : memref<80x128xf32, #tpu.memory_space<vmem>>, vector<1x16xf32>,
      %broadcast_in_dim3A_46 = arith.constant 1.000000e+00 : f32
      %broadcast_in_dim3A_47 = vector.broadcast %broadcast_in_dim3A_46 : f32 to vector<16xf32>
      %swap3A_48 = arith.index_cast %scan3A_26 : i32 to index
      %swap3A_49 = arith.constant 48 : index
      %swap3A_50 = tpu.vector_load %arg5[%swap3A_48, %swap3A_49] {strides = array<i32>} : memref<80x128xf32, #tpu.memory_space<vmem>>, vector<1x16xf32>,
      %swap3A_51 = vector.shape_cast %swap3A_50 : vector<1x16xf32> to vector<16xf32>
      %swap3A_52 = vector.shape_cast %broadcast_in_dim3A_47 : vector<16xf32> to vector<1x16xf32>
      tpu.vector_store %arg5[%swap3A_48, %swap3A_49], %swap3A_52 {strides = array<i32>} : memref<80x128xf32, #tpu.memory_space<vmem>>, vector<1x16xf32>,
      %broadcast_in_dim3A_53 = arith.constant 1.000000e+00 : f32
      %broadcast_in_dim3A_54 = vector.broadcast %broadcast_in_dim3A_53 : f32 to vector<16xf32>
      %swap3A_55 = arith.index_cast %scan3A_26 : i32 to index
      %swap3A_56 = arith.constant 64 : index
      %swap3A_57 = tpu.vector_load %arg5[%swap3A_55, %swap3A_56] {strides = array<i32>} : memref<80x128xf32, #tpu.memory_space<vmem>>, vector<1x16xf32>,
      %swap3A_58 = vector.shape_cast %swap3A_57 : vector<1x16xf32> to vector<16xf32>
      %swap3A_59 = vector.shape_cast %broadcast_in_dim3A_54 : vector<16xf32> to vector<1x16xf32>
      tpu.vector_store %arg5[%swap3A_55, %swap3A_56], %swap3A_59 {strides = array<i32>} : memref<80x128xf32, #tpu.memory_space<vmem>>, vector<1x16xf32>,
      %broadcast_in_dim3A_60 = arith.constant 1.000000e+00 : f32
      %broadcast_in_dim3A_61 = vector.broadcast %broadcast_in_dim3A_60 : f32 to vector<16xf32>
      %swap3A_62 = arith.index_cast %scan3A_26 : i32 to index
      %swap3A_63 = arith.constant 80 : index
      %swap3A_64 = tpu.vector_load %arg5[%swap3A_62, %swap3A_63] {strides = array<i32>} : memref<80x128xf32, #tpu.memory_space<vmem>>, vector<1x16xf32>,
      %swap3A_65 = vector.shape_cast %swap3A_64 : vector<1x16xf32> to vector<16xf32>
      %swap3A_66 = vector.shape_cast %broadcast_in_dim3A_61 : vector<16xf32> to vector<1x16xf32>
      tpu.vector_store %arg5[%swap3A_62, %swap3A_63], %swap3A_66 {strides = array<i32>} : memref<80x128xf32, #tpu.memory_space<vmem>>, vector<1x16xf32>,
      %broadcast_in_dim3A_67 = arith.constant 1.000000e+00 : f32
      %broadcast_in_dim3A_68 = vector.broadcast %broadcast_in_dim3A_67 : f32 to vector<16xf32>
      %swap3A_69 = arith.index_cast %scan3A_26 : i32 to index
      %swap3A_70 = arith.constant 96 : index
      %swap3A_71 = tpu.vector_load %arg5[%swap3A_69, %swap3A_70] {strides = array<i32>} : memref<80x128xf32, #tpu.memory_space<vmem>>, vector<1x16xf32>,
      %swap3A_72 = vector.shape_cast %swap3A_71 : vector<1x16xf32> to vector<16xf32>
      %swap3A_73 = vector.shape_cast %broadcast_in_dim3A_68 : vector<16xf32> to vector<1x16xf32>
      tpu.vector_store %arg5[%swap3A_69, %swap3A_70], %swap3A_73 {strides = array<i32>} : memref<80x128xf32, #tpu.memory_space<vmem>>, vector<1x16xf32>,
      %broadcast_in_dim3A_74 = arith.constant 1.000000e+00 : f32
      %broadcast_in_dim3A_75 = vector.broadcast %broadcast_in_dim3A_74 : f32 to vector<16xf32>
      %swap3A_76 = arith.index_cast %scan3A_26 : i32 to index
      %swap3A_77 = arith.constant 112 : index
      %swap3A_78 = tpu.vector_load %arg5[%swap3A_76, %swap3A_77] {strides = array<i32>} : memref<80x128xf32, #tpu.memory_space<vmem>>, vector<1x16xf32>,
      %swap3A_79 = vector.shape_cast %swap3A_78 : vector<1x16xf32> to vector<16xf32>
      %swap3A_80 = vector.shape_cast %broadcast_in_dim3A_75 : vector<16xf32> to vector<1x16xf32>
      tpu.vector_store %arg5[%swap3A_76, %swap3A_77], %swap3A_80 {strides = array<i32>} : memref<80x128xf32, #tpu.memory_space<vmem>>, vector<1x16xf32>,
    }
    %scan3A_5 = arith.constant 80 : i32
    %scan3A_6 = arith.constant 0 : i32
    %scan3A_7 = arith.constant 0 : i32
    %scan3A_8 = arith.constant 40 : i32
    %scan3A_9 = arith.addi %scan3A_7, %scan3A_8 : i32
    %scan3A_10 = arith.constant 1 : i32
    scf.for %scan3A_26 = %scan3A_7 to %scan3A_9 step %scan3A_10  : i32 {
      %broadcast_in_dim3A = arith.constant 0.000000e+00 : f32
      %broadcast_in_dim3A_27 = vector.broadcast %broadcast_in_dim3A : f32 to vector<16xf32>
      %swap3A = arith.index_cast %scan3A_26 : i32 to index
      %swap3A_28 = arith.constant 0 : index
      %swap3A_29 = tpu.vector_load %arg6[%swap3A, %swap3A_28] {strides = array<i32>} : memref<40x128xf32, #tpu.memory_space<vmem>>, vector<1x16xf32>,
      %swap3A_30 = vector.shape_cast %swap3A_29 : vector<1x16xf32> to vector<16xf32>
      %swap3A_31 = vector.shape_cast %broadcast_in_dim3A_27 : vector<16xf32> to vector<1x16xf32>
      tpu.vector_store %arg6[%swap3A, %swap3A_28], %swap3A_31 {strides = array<i32>} : memref<40x128xf32, #tpu.memory_space<vmem>>, vector<1x16xf32>,
      %broadcast_in_dim3A_32 = arith.constant 0.000000e+00 : f32
      %broadcast_in_dim3A_33 = vector.broadcast %broadcast_in_dim3A_32 : f32 to vector<16xf32>
      %swap3A_34 = arith.index_cast %scan3A_26 : i32 to index
      %swap3A_35 = arith.constant 16 : index
      %swap3A_36 = tpu.vector_load %arg6[%swap3A_34, %swap3A_35] {strides = array<i32>} : memref<40x128xf32, #tpu.memory_space<vmem>>, vector<1x16xf32>,
      %swap3A_37 = vector.shape_cast %swap3A_36 : vector<1x16xf32> to vector<16xf32>
      %swap3A_38 = vector.shape_cast %broadcast_in_dim3A_33 : vector<16xf32> to vector<1x16xf32>
      tpu.vector_store %arg6[%swap3A_34, %swap3A_35], %swap3A_38 {strides = array<i32>} : memref<40x128xf32, #tpu.memory_space<vmem>>, vector<1x16xf32>,
      %broadcast_in_dim3A_39 = arith.constant 0.000000e+00 : f32
      %broadcast_in_dim3A_40 = vector.broadcast %broadcast_in_dim3A_39 : f32 to vector<16xf32>
      %swap3A_41 = arith.index_cast %scan3A_26 : i32 to index
      %swap3A_42 = arith.constant 32 : index
      %swap3A_43 = tpu.vector_load %arg6[%swap3A_41, %swap3A_42] {strides = array<i32>} : memref<40x128xf32, #tpu.memory_space<vmem>>, vector<1x16xf32>,
      %swap3A_44 = vector.shape_cast %swap3A_43 : vector<1x16xf32> to vector<16xf32>
      %swap3A_45 = vector.shape_cast %broadcast_in_dim3A_40 : vector<16xf32> to vector<1x16xf32>
      tpu.vector_store %arg6[%swap3A_41, %swap3A_42], %swap3A_45 {strides = array<i32>} : memref<40x128xf32, #tpu.memory_space<vmem>>, vector<1x16xf32>,
      %broadcast_in_dim3A_46 = arith.constant 0.000000e+00 : f32
      %broadcast_in_dim3A_47 = vector.broadcast %broadcast_in_dim3A_46 : f32 to vector<16xf32>
      %swap3A_48 = arith.index_cast %scan3A_26 : i32 to index
      %swap3A_49 = arith.constant 48 : index
      %swap3A_50 = tpu.vector_load %arg6[%swap3A_48, %swap3A_49] {strides = array<i32>} : memref<40x128xf32, #tpu.memory_space<vmem>>, vector<1x16xf32>,
      %swap3A_51 = vector.shape_cast %swap3A_50 : vector<1x16xf32> to vector<16xf32>
      %swap3A_52 = vector.shape_cast %broadcast_in_dim3A_47 : vector<16xf32> to vector<1x16xf32>
      tpu.vector_store %arg6[%swap3A_48, %swap3A_49], %swap3A_52 {strides = array<i32>} : memref<40x128xf32, #tpu.memory_space<vmem>>, vector<1x16xf32>,
      %broadcast_in_dim3A_53 = arith.constant 0.000000e+00 : f32
      %broadcast_in_dim3A_54 = vector.broadcast %broadcast_in_dim3A_53 : f32 to vector<16xf32>
      %swap3A_55 = arith.index_cast %scan3A_26 : i32 to index
      %swap3A_56 = arith.constant 64 : index
      %swap3A_57 = tpu.vector_load %arg6[%swap3A_55, %swap3A_56] {strides = array<i32>} : memref<40x128xf32, #tpu.memory_space<vmem>>, vector<1x16xf32>,
      %swap3A_58 = vector.shape_cast %swap3A_57 : vector<1x16xf32> to vector<16xf32>
      %swap3A_59 = vector.shape_cast %broadcast_in_dim3A_54 : vector<16xf32> to vector<1x16xf32>
      tpu.vector_store %arg6[%swap3A_55, %swap3A_56], %swap3A_59 {strides = array<i32>} : memref<40x128xf32, #tpu.memory_space<vmem>>, vector<1x16xf32>,
      %broadcast_in_dim3A_60 = arith.constant 0.000000e+00 : f32
      %broadcast_in_dim3A_61 = vector.broadcast %broadcast_in_dim3A_60 : f32 to vector<16xf32>
      %swap3A_62 = arith.index_cast %scan3A_26 : i32 to index
      %swap3A_63 = arith.constant 80 : index
      %swap3A_64 = tpu.vector_load %arg6[%swap3A_62, %swap3A_63] {strides = array<i32>} : memref<40x128xf32, #tpu.memory_space<vmem>>, vector<1x16xf32>,
      %swap3A_65 = vector.shape_cast %swap3A_64 : vector<1x16xf32> to vector<16xf32>
      %swap3A_66 = vector.shape_cast %broadcast_in_dim3A_61 : vector<16xf32> to vector<1x16xf32>
      tpu.vector_store %arg6[%swap3A_62, %swap3A_63], %swap3A_66 {strides = array<i32>} : memref<40x128xf32, #tpu.memory_space<vmem>>, vector<1x16xf32>,
      %broadcast_in_dim3A_67 = arith.constant 0.000000e+00 : f32
      %broadcast_in_dim3A_68 = vector.broadcast %broadcast_in_dim3A_67 : f32 to vector<16xf32>
      %swap3A_69 = arith.index_cast %scan3A_26 : i32 to index
      %swap3A_70 = arith.constant 96 : index
      %swap3A_71 = tpu.vector_load %arg6[%swap3A_69, %swap3A_70] {strides = array<i32>} : memref<40x128xf32, #tpu.memory_space<vmem>>, vector<1x16xf32>,
      %swap3A_72 = vector.shape_cast %swap3A_71 : vector<1x16xf32> to vector<16xf32>
      %swap3A_73 = vector.shape_cast %broadcast_in_dim3A_68 : vector<16xf32> to vector<1x16xf32>
      tpu.vector_store %arg6[%swap3A_69, %swap3A_70], %swap3A_73 {strides = array<i32>} : memref<40x128xf32, #tpu.memory_space<vmem>>, vector<1x16xf32>,
      %broadcast_in_dim3A_74 = arith.constant 0.000000e+00 : f32
      %broadcast_in_dim3A_75 = vector.broadcast %broadcast_in_dim3A_74 : f32 to vector<16xf32>
      %swap3A_76 = arith.index_cast %scan3A_26 : i32 to index
      %swap3A_77 = arith.constant 112 : index
      %swap3A_78 = tpu.vector_load %arg6[%swap3A_76, %swap3A_77] {strides = array<i32>} : memref<40x128xf32, #tpu.memory_space<vmem>>, vector<1x16xf32>,
      %swap3A_79 = vector.shape_cast %swap3A_78 : vector<1x16xf32> to vector<16xf32>
      %swap3A_80 = vector.shape_cast %broadcast_in_dim3A_75 : vector<16xf32> to vector<1x16xf32>
      tpu.vector_store %arg6[%swap3A_76, %swap3A_77], %swap3A_80 {strides = array<i32>} : memref<40x128xf32, #tpu.memory_space<vmem>>, vector<1x16xf32>,
    }
    %scan3A_11 = arith.constant 40 : i32
    %lt3A = arith.constant 10 : i32
    %lt3A_12 = arith.cmpi slt, %arg1, %lt3A : i32
    %convert_element_type3A = arith.extui %lt3A_12 : i1 to i32
    %cond3A = arith.constant 0 : i32
    %cond3A_13 = arith.cmpi ne, %convert_element_type3A, %cond3A : i32
    scf.if %cond3A_13 {
      %mul3A_26 = arith.constant 1000 : i32
      %mul3A_27 = arith.muli %arg1, %mul3A_26 : i32
      %scan3A_28 = arith.constant 0 : i32
      %scan3A_29 = arith.constant 0 : i32
      %scan3A_30 = arith.constant 25 : i32
      %scan3A_31 = arith.addi %scan3A_29, %scan3A_30 : i32
      %scan3A_32 = arith.constant 1 : i32
      scf.for %scan3A_34 = %scan3A_29 to %scan3A_31 step %scan3A_32  : i32 {
        %mul3A_35 = arith.constant 40 : i32
        %mul3A_36 = arith.muli %scan3A_34, %mul3A_35 : i32
        %add3A_37 = arith.addi %mul3A_27, %mul3A_36 : i32
        "tpu.region"() ({
          %run_scoped3A = tpu.sem_alloc : memref<!tpu.dma_semaphore, #tpu.memory_space<semaphore_mem>>
          %dma_start3A = arith.constant 0 : i32
          %dma_start3A_38 = tpu.memref_slice %arg7[%add3A_37, %dma_start3A] : memref<10000x128xf32, #tpu.memory_space<vmem_shared>> -> memref<40x128xf32, #tpu.memory_space<vmem_shared>>
          %dma_start3A_39 = arith.constant 0 : i32
          %dma_start3A_40 = tpu.memref_slice %arg7[%add3A_37, %dma_start3A_39] : memref<10000x128xf32, #tpu.memory_space<vmem_shared>> -> memref<40x128xf32, #tpu.memory_space<vmem_shared>>
          tpu.enqueue_dma source(%arg6 : memref<40x128xf32, #tpu.memory_space<vmem>>) target(%dma_start3A_40 : memref<40x128xf32, #tpu.memory_space<vmem_shared>>) target_semaphore(%run_scoped3A : memref<!tpu.dma_semaphore, #tpu.memory_space<semaphore_mem>>)
          %dma_wait3A = arith.constant 0 : i32
          %dma_wait3A_41 = tpu.memref_slice %arg7[%add3A_37, %dma_wait3A] : memref<10000x128xf32, #tpu.memory_space<vmem_shared>> -> memref<40x128xf32, #tpu.memory_space<vmem_shared>>
          %dma_wait3A_42 = arith.constant 0 : i32
          %dma_wait3A_43 = tpu.memref_slice %arg7[%add3A_37, %dma_wait3A_42] : memref<10000x128xf32, #tpu.memory_space<vmem_shared>> -> memref<40x128xf32, #tpu.memory_space<vmem_shared>>
          tpu.wait_dma2 semaphore(%run_scoped3A : memref<!tpu.dma_semaphore, #tpu.memory_space<semaphore_mem>>) src(%arg6 : memref<40x128xf32, #tpu.memory_space<vmem>>) dst(%dma_wait3A_43 : memref<40x128xf32, #tpu.memory_space<vmem_shared>>)
          tpu.yield
        }) : () -> ()
      }
      %scan3A_33 = arith.constant 25 : i32
    } else {
    }
    %barrier3A = arith.constant 0 : index
    tpu.barrier barrier_id(%barrier3A)
    %scan3A_14 = arith.constant 0 : i32
    %scan3A_15 = arith.constant 0 : i32
    %scan3A_16 = arith.constant 125 : i32
    %scan3A_17 = arith.addi %scan3A_15, %scan3A_16 : i32
    %scan3A_18 = arith.constant 1 : i32
    scf.for %scan3A_26 = %scan3A_15 to %scan3A_17 step %scan3A_18  : i32 {
      "tpu.region"() ({
        %run_scoped3A = tpu.sem_alloc : memref<!tpu.dma_semaphore, #tpu.memory_space<semaphore_mem>>
        %dma_start3A = arith.constant 0 : i32
        %dma_start3A_27 = tpu.memref_slice %arg4[%scan3A_26, %dma_start3A] : memref<125x80xi32, #tpu.memory_space<vmem>> -> memref<1x80xi32, #tpu.memory_space<vmem>>
        %dma_start3A_28 = tpu.memref_squeeze %dma_start3A_27 : memref<1x80xi32, #tpu.memory_space<vmem>> -> memref<80xi32, #tpu.memory_space<vmem>>
        %dma_start3A_29 = arith.constant 0 : i32
        %dma_start3A_30 = arith.constant 0 : i32
        %dma_start3A_31 = tpu.memref_slice %arg7[%dma_start3A_29, %dma_start3A_30] : memref<10000x128xf32, #tpu.memory_space<vmem_shared>> -> memref<10000x128xf32, #tpu.memory_space<vmem_shared>>
        tpu.enqueue_indirect_dma source(%arg5 : memref<80x128xf32, #tpu.memory_space<vmem>>) target(%dma_start3A_31 : memref<10000x128xf32, #tpu.memory_space<vmem_shared>>) offsets(%dma_start3A_28 : memref<80xi32, #tpu.memory_space<vmem>>) semaphore(%run_scoped3A : memref<!tpu.dma_semaphore, #tpu.memory_space<semaphore_mem>>) {add = true}
        %dma_wait3A = arith.constant 0 : i32
        %dma_wait3A_32 = tpu.memref_slice %arg4[%scan3A_26, %dma_wait3A] : memref<125x80xi32, #tpu.memory_space<vmem>> -> memref<1x80xi32, #tpu.memory_space<vmem>>
        %dma_wait3A_33 = tpu.memref_squeeze %dma_wait3A_32 : memref<1x80xi32, #tpu.memory_space<vmem>> -> memref<80xi32, #tpu.memory_space<vmem>>
        %dma_wait3A_34 = arith.constant 0 : i32
        %dma_wait3A_35 = arith.constant 0 : i32
        %dma_wait3A_36 = tpu.memref_slice %arg7[%dma_wait3A_34, %dma_wait3A_35] : memref<10000x128xf32, #tpu.memory_space<vmem_shared>> -> memref<10000x128xf32, #tpu.memory_space<vmem_shared>>
        tpu.wait_indirect_dma semaphore(%run_scoped3A : memref<!tpu.dma_semaphore, #tpu.memory_space<semaphore_mem>>) src(%arg5 : memref<80x128xf32, #tpu.memory_space<vmem>>) dst(%dma_wait3A_36 : memref<10000x128xf32, #tpu.memory_space<vmem_shared>>)
        tpu.yield
      }) : () -> ()
    }
    %scan3A_19 = arith.constant 125 : i32
    %barrier3A_20 = arith.constant 0 : index
    tpu.barrier barrier_id(%barrier3A_20)
    %lt3A_21 = arith.constant 10 : i32
    %lt3A_22 = arith.cmpi slt, %arg1, %lt3A_21 : i32
    %convert_element_type3A_23 = arith.extui %lt3A_22 : i1 to i32
    %cond3A_24 = arith.constant 0 : i32
    %cond3A_25 = arith.cmpi ne, %convert_element_type3A_23, %cond3A_24 : i32
    scf.if %cond3A_25 {
      %mul3A_26 = arith.constant 1000 : i32
      %mul3A_27 = arith.muli %arg1, %mul3A_26 : i32
      %scan3A_28 = arith.constant 0 : i32
      %scan3A_29 = arith.constant 0 : i32
      %scan3A_30 = arith.constant 25 : i32
      %scan3A_31 = arith.addi %scan3A_29, %scan3A_30 : i32
      %scan3A_32 = arith.constant 1 : i32
      scf.for %scan3A_34 = %scan3A_29 to %scan3A_31 step %scan3A_32  : i32 {
        %mul3A_35 = arith.constant 40 : i32
        %mul3A_36 = arith.muli %scan3A_34, %mul3A_35 : i32
        %add3A_37 = arith.addi %mul3A_27, %mul3A_36 : i32
        "tpu.region"() ({
          %run_scoped3A = tpu.sem_alloc : memref<!tpu.dma_semaphore, #tpu.memory_space<semaphore_mem>>
          %dma_start3A = arith.constant 0 : i32
          %dma_start3A_38 = tpu.memref_slice %arg7[%add3A_37, %dma_start3A] : memref<10000x128xf32, #tpu.memory_space<vmem_shared>> -> memref<40x128xf32, #tpu.memory_space<vmem_shared>>
          %dma_start3A_39 = arith.constant 0 : i32
          %dma_start3A_40 = tpu.memref_slice %arg7[%add3A_37, %dma_start3A_39] : memref<10000x128xf32, #tpu.memory_space<vmem_shared>> -> memref<40x128xf32, #tpu.memory_space<vmem_shared>>
          tpu.enqueue_dma source(%dma_start3A_40 : memref<40x128xf32, #tpu.memory_space<vmem_shared>>) target(%arg6 : memref<40x128xf32, #tpu.memory_space<vmem>>) target_semaphore(%run_scoped3A : memref<!tpu.dma_semaphore, #tpu.memory_space<semaphore_mem>>)
          %dma_wait3A = arith.constant 0 : i32
          %dma_wait3A_41 = tpu.memref_slice %arg7[%add3A_37, %dma_wait3A] : memref<10000x128xf32, #tpu.memory_space<vmem_shared>> -> memref<40x128xf32, #tpu.memory_space<vmem_shared>>
          %dma_wait3A_42 = arith.constant 0 : i32
          %dma_wait3A_43 = tpu.memref_slice %arg7[%add3A_37, %dma_wait3A_42] : memref<10000x128xf32, #tpu.memory_space<vmem_shared>> -> memref<40x128xf32, #tpu.memory_space<vmem_shared>>
          tpu.wait_dma2 semaphore(%run_scoped3A : memref<!tpu.dma_semaphore, #tpu.memory_space<semaphore_mem>>) src(%dma_wait3A_43 : memref<40x128xf32, #tpu.memory_space<vmem_shared>>) dst(%arg6 : memref<40x128xf32, #tpu.memory_space<vmem>>)
          tpu.yield
        }) : () -> ()
        "tpu.region"() ({
          %run_scoped3A = tpu.sem_alloc : memref<!tpu.dma_semaphore, #tpu.memory_space<semaphore_mem>>
          %dma_start3A = arith.constant 0 : i32
          %dma_start3A_38 = tpu.memref_slice %arg3[%arg0, %add3A_37, %dma_start3A] : memref<2x10000x128xf32, #tpu.memory_space<hbm>> -> memref<1x40x128xf32, #tpu.memory_space<hbm>>
          %dma_start3A_39 = tpu.memref_squeeze %dma_start3A_38 : memref<1x40x128xf32, #tpu.memory_space<hbm>> -> memref<40x128xf32, #tpu.memory_space<hbm>>
          %dma_start3A_40 = arith.constant 0 : i32
          %dma_start3A_41 = tpu.memref_slice %arg3[%arg0, %add3A_37, %dma_start3A_40] : memref<2x10000x128xf32, #tpu.memory_space<hbm>> -> memref<1x40x128xf32, #tpu.memory_space<hbm>>
          %dma_start3A_42 = tpu.memref_squeeze %dma_start3A_41 : memref<1x40x128xf32, #tpu.memory_space<hbm>> -> memref<40x128xf32, #tpu.memory_space<hbm>>
          tpu.enqueue_dma source(%arg6 : memref<40x128xf32, #tpu.memory_space<vmem>>) target(%dma_start3A_42 : memref<40x128xf32, #tpu.memory_space<hbm>>) target_semaphore(%run_scoped3A : memref<!tpu.dma_semaphore, #tpu.memory_space<semaphore_mem>>)
          %dma_wait3A = arith.constant 0 : i32
          %dma_wait3A_43 = tpu.memref_slice %arg3[%arg0, %add3A_37, %dma_wait3A] : memref<2x10000x128xf32, #tpu.memory_space<hbm>> -> memref<1x40x128xf32, #tpu.memory_space<hbm>>
          %dma_wait3A_44 = tpu.memref_squeeze %dma_wait3A_43 : memref<1x40x128xf32, #tpu.memory_space<hbm>> -> memref<40x128xf32, #tpu.memory_space<hbm>>
          %dma_wait3A_45 = arith.constant 0 : i32
          %dma_wait3A_46 = tpu.memref_slice %arg3[%arg0, %add3A_37, %dma_wait3A_45] : memref<2x10000x128xf32, #tpu.memory_space<hbm>> -> memref<1x40x128xf32, #tpu.memory_space<hbm>>
          %dma_wait3A_47 = tpu.memref_squeeze %dma_wait3A_46 : memref<1x40x128xf32, #tpu.memory_space<hbm>> -> memref<40x128xf32, #tpu.memory_space<hbm>>
          tpu.wait_dma2 semaphore(%run_scoped3A : memref<!tpu.dma_semaphore, #tpu.memory_space<semaphore_mem>>) src(%arg6 : memref<40x128xf32, #tpu.memory_space<vmem>>) dst(%dma_wait3A_47 : memref<40x128xf32, #tpu.memory_space<hbm>>)
          tpu.yield
        }) : () -> ()
      }
      %scan3A_33 = arith.constant 25 : i32
    } else {
    }
    return
  }
}

module attributes {stable_mosaic.version = 14 : i64} {
  func.func @_mlp_tail_body(%arg0: i32, %arg1: memref<2000x128xf32, #tpu.memory_space<vmem>>, %arg2: memref<128x128xf32, #tpu.memory_space<vmem>>, %arg3: memref<1x128xf32, #tpu.memory_space<vmem>>, %arg4: memref<128x64xf32, #tpu.memory_space<vmem>>, %arg5: memref<1x64xf32, #tpu.memory_space<vmem>>, %arg6: memref<64x32xf32, #tpu.memory_space<vmem>>, %arg7: memref<1x32xf32, #tpu.memory_space<vmem>>, %arg8: memref<32x2xf32, #tpu.memory_space<vmem>>, %arg9: memref<1x2xf32, #tpu.memory_space<vmem>>, %arg10: memref<2000x2xf32, #tpu.memory_space<vmem>>) attributes {dimension_semantics = [#tpu.dimension_semantics<arbitrary>], iteration_bounds = array<i64: 155>, scalar_prefetch = 0 : i64, scratch_operands = 0 : i64, tpu.core_type = #tpu.core_type<tc>, window_params = [{transform_indices = @transform_0, window_bounds = array<i64: 2000, 128>}, {pipeline_mode = #tpu.pipeline_mode<synchronous>, transform_indices = @transform_1, window_bounds = array<i64: 128, 128>}, {pipeline_mode = #tpu.pipeline_mode<synchronous>, transform_indices = @transform_2, window_bounds = array<i64: 1, 128>}, {pipeline_mode = #tpu.pipeline_mode<synchronous>, transform_indices = @transform_3, window_bounds = array<i64: 128, 64>}, {pipeline_mode = #tpu.pipeline_mode<synchronous>, transform_indices = @transform_4, window_bounds = array<i64: 1, 64>}, {pipeline_mode = #tpu.pipeline_mode<synchronous>, transform_indices = @transform_5, window_bounds = array<i64: 64, 32>}, {pipeline_mode = #tpu.pipeline_mode<synchronous>, transform_indices = @transform_6, window_bounds = array<i64: 1, 32>}, {pipeline_mode = #tpu.pipeline_mode<synchronous>, transform_indices = @transform_7, window_bounds = array<i64: 32, 2>}, {pipeline_mode = #tpu.pipeline_mode<synchronous>, transform_indices = @transform_8, window_bounds = array<i64: 1, 2>}, {transform_indices = @transform_9, window_bounds = array<i64: 2000, 2>}]} {
    %get3A = arith.constant 0 : index
    %get3A_0 = arith.constant 0 : index
    %get3A_1 = vector.load %arg1[%get3A, %get3A_0] : memref<2000x128xf32, #tpu.memory_space<vmem>>, vector<2000x128xf32>
    %get3A_2 = arith.constant 0 : index
    %get3A_3 = arith.constant 0 : index
    %get3A_4 = vector.load %arg2[%get3A_2, %get3A_3] : memref<128x128xf32, #tpu.memory_space<vmem>>, vector<128x128xf32>
    %dot_general3A = arith.constant dense<0.000000e+00> : vector<2000x128xf32>
    %dot_general3A_5 = tpu.matmul %get3A_1, %get3A_4, %dot_general3A {dimension_numbers = #tpu.dot_dimension_numbers<[1], [0], [0], [1], [0, 0, 1, 1], [], []>, transpose_lhs_hint = false} : vector<2000x128xf32>, vector<128x128xf32>, vector<2000x128xf32> -> vector<2000x128xf32>
    %get3A_6 = arith.constant 0 : index
    %get3A_7 = arith.constant 0 : index
    %get3A_8 = vector.load %arg3[%get3A_6, %get3A_7] : memref<1x128xf32, #tpu.memory_space<vmem>>, vector<1x128xf32>
    %add3A = vector.broadcast %get3A_8 : vector<1x128xf32> to vector<2000x128xf32>
    %add3A_9 = arith.addf %dot_general3A_5, %add3A : vector<2000x128xf32>
    %max3A = arith.constant 0.000000e+00 : f32
    %max3A_10 = vector.broadcast %max3A : f32 to vector<2000x128xf32>
    %max3A_11 = arith.maximumf %add3A_9, %max3A_10 : vector<2000x128xf32>
    %get3A_12 = arith.constant 0 : index
    %get3A_13 = arith.constant 0 : index
    %get3A_14 = vector.load %arg4[%get3A_12, %get3A_13] : memref<128x64xf32, #tpu.memory_space<vmem>>, vector<128x64xf32>
    %dot_general3A_15 = arith.constant dense<0.000000e+00> : vector<2000x64xf32>
    %dot_general3A_16 = tpu.matmul %max3A_11, %get3A_14, %dot_general3A_15 {dimension_numbers = #tpu.dot_dimension_numbers<[1], [0], [0], [1], [0, 0, 1, 1], [], []>, transpose_lhs_hint = false} : vector<2000x128xf32>, vector<128x64xf32>, vector<2000x64xf32> -> vector<2000x64xf32>
    %get3A_17 = arith.constant 0 : index
    %get3A_18 = arith.constant 0 : index
    %get3A_19 = vector.load %arg5[%get3A_17, %get3A_18] : memref<1x64xf32, #tpu.memory_space<vmem>>, vector<1x64xf32>
    %add3A_20 = vector.broadcast %get3A_19 : vector<1x64xf32> to vector<2000x64xf32>
    %add3A_21 = arith.addf %dot_general3A_16, %add3A_20 : vector<2000x64xf32>
    %max3A_22 = arith.constant 0.000000e+00 : f32
    %max3A_23 = vector.broadcast %max3A_22 : f32 to vector<2000x64xf32>
    %max3A_24 = arith.maximumf %add3A_21, %max3A_23 : vector<2000x64xf32>
    %get3A_25 = arith.constant 0 : index
    %get3A_26 = arith.constant 0 : index
    %get3A_27 = vector.load %arg6[%get3A_25, %get3A_26] : memref<64x32xf32, #tpu.memory_space<vmem>>, vector<64x32xf32>
    %dot_general3A_28 = arith.constant dense<0.000000e+00> : vector<2000x32xf32>
    %dot_general3A_29 = tpu.matmul %max3A_24, %get3A_27, %dot_general3A_28 {dimension_numbers = #tpu.dot_dimension_numbers<[1], [0], [0], [1], [0, 0, 1, 1], [], []>, transpose_lhs_hint = false} : vector<2000x64xf32>, vector<64x32xf32>, vector<2000x32xf32> -> vector<2000x32xf32>
    %get3A_30 = arith.constant 0 : index
    %get3A_31 = arith.constant 0 : index
    %get3A_32 = vector.load %arg7[%get3A_30, %get3A_31] : memref<1x32xf32, #tpu.memory_space<vmem>>, vector<1x32xf32>
    %add3A_33 = vector.broadcast %get3A_32 : vector<1x32xf32> to vector<2000x32xf32>
    %add3A_34 = arith.addf %dot_general3A_29, %add3A_33 : vector<2000x32xf32>
    %max3A_35 = arith.constant 0.000000e+00 : f32
    %max3A_36 = vector.broadcast %max3A_35 : f32 to vector<2000x32xf32>
    %max3A_37 = arith.maximumf %add3A_34, %max3A_36 : vector<2000x32xf32>
    %get3A_38 = arith.constant 0 : index
    %get3A_39 = arith.constant 0 : index
    %get3A_40 = vector.load %arg8[%get3A_38, %get3A_39] : memref<32x2xf32, #tpu.memory_space<vmem>>, vector<32x2xf32>
    %dot_general3A_41 = arith.constant dense<0.000000e+00> : vector<2000x2xf32>
    %dot_general3A_42 = tpu.matmul %max3A_37, %get3A_40, %dot_general3A_41 {dimension_numbers = #tpu.dot_dimension_numbers<[1], [0], [0], [1], [0, 0, 1, 1], [], []>, transpose_lhs_hint = false} : vector<2000x32xf32>, vector<32x2xf32>, vector<2000x2xf32> -> vector<2000x2xf32>
    %get3A_43 = arith.constant 0 : index
    %get3A_44 = arith.constant 0 : index
    %get3A_45 = vector.load %arg9[%get3A_43, %get3A_44] : memref<1x2xf32, #tpu.memory_space<vmem>>, vector<1x2xf32>
    %add3A_46 = vector.broadcast %get3A_45 : vector<1x2xf32> to vector<2000x2xf32>
    %add3A_47 = arith.addf %dot_general3A_42, %add3A_46 : vector<2000x2xf32>
    %reduce_max3A = arith.constant dense<0xFF800000> : vector<2000xf32>
    %reduce_max3A_48 = vector.multi_reduction <maximumf>, %add3A_47, %reduce_max3A [1] : vector<2000x2xf32> to vector<2000xf32>
    %broadcast_in_dim3A = vector.shape_cast %reduce_max3A_48 : vector<2000xf32> to vector<2000x1xf32>
    %sub3A = vector.broadcast %broadcast_in_dim3A : vector<2000x1xf32> to vector<2000x2xf32>
    %sub3A_49 = arith.subf %add3A_47, %sub3A : vector<2000x2xf32>
    %exp3A = math.exp %sub3A_49 : vector<2000x2xf32>
    %reduce_sum3A = arith.constant dense<0.000000e+00> : vector<2000xf32>
    %reduce_sum3A_50 = vector.multi_reduction <add>, %exp3A, %reduce_sum3A [1] : vector<2000x2xf32> to vector<2000xf32>
    %broadcast_in_dim3A_51 = vector.shape_cast %reduce_sum3A_50 : vector<2000xf32> to vector<2000x1xf32>
    %log3A = math.log %broadcast_in_dim3A_51 : vector<2000x1xf32>
    %add3A_52 = arith.addf %broadcast_in_dim3A, %log3A : vector<2000x1xf32>
    %sub3A_53 = vector.broadcast %add3A_52 : vector<2000x1xf32> to vector<2000x2xf32>
    %sub3A_54 = arith.subf %add3A_47, %sub3A_53 : vector<2000x2xf32>
    %swap3A = arith.constant 0 : index
    %swap3A_55 = arith.constant 0 : index
    %swap3A_56 = vector.load %arg10[%swap3A, %swap3A_55] : memref<2000x2xf32, #tpu.memory_space<vmem>>, vector<2000x2xf32>
    tpu.vector_store %arg10[%swap3A, %swap3A_55], %sub3A_54 {strides = array<i32>} : memref<2000x2xf32, #tpu.memory_space<vmem>>, vector<2000x2xf32>,
    return
  }
  func.func @transform_0(%arg0: i32) -> (i32, i32) {
    %add3A = arith.constant 5 : i32
    %add3A_0 = arith.addi %arg0, %add3A : i32
    %c0_i32 = arith.constant 0 : i32
    %c0_i32_1 = arith.constant 0 : i32
    return %add3A_0, %c0_i32 : i32, i32
  }
  func.func @transform_1(%arg0: i32) -> (i32, i32) {
    %c0_i32 = arith.constant 0 : i32
    %c0_i32_0 = arith.constant 0 : i32
    %c0_i32_1 = arith.constant 0 : i32
    return %c0_i32, %c0_i32_0 : i32, i32
  }
  func.func @transform_2(%arg0: i32) -> (i32, i32) {
    %c0_i32 = arith.constant 0 : i32
    %c0_i32_0 = arith.constant 0 : i32
    %c0_i32_1 = arith.constant 0 : i32
    return %c0_i32, %c0_i32_0 : i32, i32
  }
  func.func @transform_3(%arg0: i32) -> (i32, i32) {
    %c0_i32 = arith.constant 0 : i32
    %c0_i32_0 = arith.constant 0 : i32
    %c0_i32_1 = arith.constant 0 : i32
    return %c0_i32, %c0_i32_0 : i32, i32
  }
  func.func @transform_4(%arg0: i32) -> (i32, i32) {
    %c0_i32 = arith.constant 0 : i32
    %c0_i32_0 = arith.constant 0 : i32
    %c0_i32_1 = arith.constant 0 : i32
    return %c0_i32, %c0_i32_0 : i32, i32
  }
  func.func @transform_5(%arg0: i32) -> (i32, i32) {
    %c0_i32 = arith.constant 0 : i32
    %c0_i32_0 = arith.constant 0 : i32
    %c0_i32_1 = arith.constant 0 : i32
    return %c0_i32, %c0_i32_0 : i32, i32
  }
  func.func @transform_6(%arg0: i32) -> (i32, i32) {
    %c0_i32 = arith.constant 0 : i32
    %c0_i32_0 = arith.constant 0 : i32
    %c0_i32_1 = arith.constant 0 : i32
    return %c0_i32, %c0_i32_0 : i32, i32
  }
  func.func @transform_7(%arg0: i32) -> (i32, i32) {
    %c0_i32 = arith.constant 0 : i32
    %c0_i32_0 = arith.constant 0 : i32
    %c0_i32_1 = arith.constant 0 : i32
    return %c0_i32, %c0_i32_0 : i32, i32
  }
  func.func @transform_8(%arg0: i32) -> (i32, i32) {
    %c0_i32 = arith.constant 0 : i32
    %c0_i32_0 = arith.constant 0 : i32
    %c0_i32_1 = arith.constant 0 : i32
    return %c0_i32, %c0_i32_0 : i32, i32
  }
  func.func @transform_9(%arg0: i32) -> (i32, i32) {
    %c0_i32 = arith.constant 0 : i32
    %c0_i32_0 = arith.constant 0 : i32
    return %arg0, %c0_i32 : i32, i32
  }
}

module attributes {stable_mosaic.version = 14 : i64} {
  func.func @_sage_left_body(%arg0: memref<2x10000x128xf32, #tpu.memory_space<vmem>>, %arg1: memref<2x10000x128xf32, #tpu.memory_space<vmem>>, %arg2: memref<128x128xf32, #tpu.memory_space<vmem>>, %arg3: memref<10000x128xf32, #tpu.memory_space<vmem>>) attributes {dimension_semantics = [], scalar_prefetch = 0 : i64, scratch_operands = 0 : i64, tpu.core_type = #tpu.core_type<tc>} {
    %get3A = arith.constant 0 : index
    %get3A_0 = arith.constant 0 : index
    %get3A_1 = arith.constant 0 : index
    %get3A_2 = vector.load %arg0[%get3A, %get3A_0, %get3A_1] : memref<2x10000x128xf32, #tpu.memory_space<vmem>>, vector<1x10000x128xf32>
    %get3A_3 = vector.shape_cast %get3A_2 : vector<1x10000x128xf32> to vector<10000x128xf32>
    %get3A_4 = arith.constant 1 : index
    %get3A_5 = arith.constant 0 : index
    %get3A_6 = arith.constant 0 : index
    %get3A_7 = vector.load %arg0[%get3A_4, %get3A_5, %get3A_6] : memref<2x10000x128xf32, #tpu.memory_space<vmem>>, vector<1x10000x128xf32>
    %get3A_8 = vector.shape_cast %get3A_7 : vector<1x10000x128xf32> to vector<10000x128xf32>
    %add3A = arith.addf %get3A_3, %get3A_8 : vector<10000x128xf32>
    %get3A_9 = arith.constant 0 : index
    %get3A_10 = arith.constant 0 : index
    %get3A_11 = arith.constant 0 : index
    %get3A_12 = vector.load %arg1[%get3A_9, %get3A_10, %get3A_11] : memref<2x10000x128xf32, #tpu.memory_space<vmem>>, vector<1x10000x1xf32>
    %get3A_13 = vector.shape_cast %get3A_12 : vector<1x10000x1xf32> to vector<10000x1xf32>
    %get3A_14 = arith.constant 1 : index
    %get3A_15 = arith.constant 0 : index
    %get3A_16 = arith.constant 0 : index
    %get3A_17 = vector.load %arg1[%get3A_14, %get3A_15, %get3A_16] : memref<2x10000x128xf32, #tpu.memory_space<vmem>>, vector<1x10000x1xf32>
    %get3A_18 = vector.shape_cast %get3A_17 : vector<1x10000x1xf32> to vector<10000x1xf32>
    %add3A_19 = arith.addf %get3A_13, %get3A_18 : vector<10000x1xf32>
    %max3A = arith.constant 1.000000e+00 : f32
    %max3A_20 = vector.broadcast %max3A : f32 to vector<10000x1xf32>
    %max3A_21 = arith.maximumf %add3A_19, %max3A_20 : vector<10000x1xf32>
    %div3A = vector.broadcast %max3A_21 : vector<10000x1xf32> to vector<10000x128xf32>
    %div3A_22 = arith.divf %add3A, %div3A : vector<10000x128xf32>
    %get3A_23 = arith.constant 0 : index
    %get3A_24 = arith.constant 0 : index
    %get3A_25 = vector.load %arg2[%get3A_23, %get3A_24] : memref<128x128xf32, #tpu.memory_space<vmem>>, vector<128x128xf32>
    %dot_general3A = arith.constant dense<0.000000e+00> : vector<10000x128xf32>
    %dot_general3A_26 = tpu.matmul %div3A_22, %get3A_25, %dot_general3A {dimension_numbers = #tpu.dot_dimension_numbers<[1], [0], [0], [1], [0, 0, 1, 1], [], []>, transpose_lhs_hint = false} : vector<10000x128xf32>, vector<128x128xf32>, vector<10000x128xf32> -> vector<10000x128xf32>
    %swap3A = arith.constant 0 : index
    %swap3A_27 = arith.constant 0 : index
    %swap3A_28 = vector.load %arg3[%swap3A, %swap3A_27] : memref<10000x128xf32, #tpu.memory_space<vmem>>, vector<10000x128xf32>
    tpu.vector_store %arg3[%swap3A, %swap3A_27], %dot_general3A_26 {strides = array<i32>} : memref<10000x128xf32, #tpu.memory_space<vmem>>, vector<10000x128xf32>,
    return
  }
}

module attributes {stable_mosaic.version = 14 : i64} {
  func.func @_mlp_head_body(%arg0: i32, %arg1: memref<2000x128xf32, #tpu.memory_space<vmem>>, %arg2: memref<2000x128xf32, #tpu.memory_space<vmem>>, %arg3: memref<128x128xf32, #tpu.memory_space<vmem>>, %arg4: memref<1x128xf32, #tpu.memory_space<vmem>>, %arg5: memref<128x64xf32, #tpu.memory_space<vmem>>, %arg6: memref<1x64xf32, #tpu.memory_space<vmem>>, %arg7: memref<64x32xf32, #tpu.memory_space<vmem>>, %arg8: memref<1x32xf32, #tpu.memory_space<vmem>>, %arg9: memref<32x2xf32, #tpu.memory_space<vmem>>, %arg10: memref<1x2xf32, #tpu.memory_space<vmem>>, %arg11: memref<2000x2xf32, #tpu.memory_space<vmem>>) attributes {dimension_semantics = [#tpu.dimension_semantics<arbitrary>], iteration_bounds = array<i64: 5>, scalar_prefetch = 0 : i64, scratch_operands = 0 : i64, tpu.core_type = #tpu.core_type<tc>, window_params = [{transform_indices = @transform_0, window_bounds = array<i64: 2000, 128>}, {transform_indices = @transform_1, window_bounds = array<i64: 2000, 128>}, {pipeline_mode = #tpu.pipeline_mode<synchronous>, transform_indices = @transform_2, window_bounds = array<i64: 128, 128>}, {pipeline_mode = #tpu.pipeline_mode<synchronous>, transform_indices = @transform_3, window_bounds = array<i64: 1, 128>}, {pipeline_mode = #tpu.pipeline_mode<synchronous>, transform_indices = @transform_4, window_bounds = array<i64: 128, 64>}, {pipeline_mode = #tpu.pipeline_mode<synchronous>, transform_indices = @transform_5, window_bounds = array<i64: 1, 64>}, {pipeline_mode = #tpu.pipeline_mode<synchronous>, transform_indices = @transform_6, window_bounds = array<i64: 64, 32>}, {pipeline_mode = #tpu.pipeline_mode<synchronous>, transform_indices = @transform_7, window_bounds = array<i64: 1, 32>}, {pipeline_mode = #tpu.pipeline_mode<synchronous>, transform_indices = @transform_8, window_bounds = array<i64: 32, 2>}, {pipeline_mode = #tpu.pipeline_mode<synchronous>, transform_indices = @transform_9, window_bounds = array<i64: 1, 2>}, {transform_indices = @transform_10, window_bounds = array<i64: 2000, 2>}]} {
    %get3A = arith.constant 0 : index
    %get3A_0 = arith.constant 0 : index
    %get3A_1 = vector.load %arg1[%get3A, %get3A_0] : memref<2000x128xf32, #tpu.memory_space<vmem>>, vector<2000x128xf32>
    %get3A_2 = arith.constant 0 : index
    %get3A_3 = arith.constant 0 : index
    %get3A_4 = vector.load %arg3[%get3A_2, %get3A_3] : memref<128x128xf32, #tpu.memory_space<vmem>>, vector<128x128xf32>
    %dot_general3A = arith.constant dense<0.000000e+00> : vector<2000x128xf32>
    %dot_general3A_5 = tpu.matmul %get3A_1, %get3A_4, %dot_general3A {dimension_numbers = #tpu.dot_dimension_numbers<[1], [0], [0], [1], [0, 0, 1, 1], [], []>, transpose_lhs_hint = false} : vector<2000x128xf32>, vector<128x128xf32>, vector<2000x128xf32> -> vector<2000x128xf32>
    %get3A_6 = arith.constant 0 : index
    %get3A_7 = arith.constant 0 : index
    %get3A_8 = vector.load %arg4[%get3A_6, %get3A_7] : memref<1x128xf32, #tpu.memory_space<vmem>>, vector<1x128xf32>
    %add3A = vector.broadcast %get3A_8 : vector<1x128xf32> to vector<2000x128xf32>
    %add3A_9 = arith.addf %dot_general3A_5, %add3A : vector<2000x128xf32>
    %get3A_10 = arith.constant 0 : index
    %get3A_11 = arith.constant 0 : index
    %get3A_12 = vector.load %arg2[%get3A_10, %get3A_11] : memref<2000x128xf32, #tpu.memory_space<vmem>>, vector<2000x128xf32>
    %add3A_13 = arith.addf %add3A_9, %get3A_12 : vector<2000x128xf32>
    %max3A = arith.constant 0.000000e+00 : f32
    %max3A_14 = vector.broadcast %max3A : f32 to vector<2000x128xf32>
    %max3A_15 = arith.maximumf %add3A_13, %max3A_14 : vector<2000x128xf32>
    %get3A_16 = arith.constant 0 : index
    %get3A_17 = arith.constant 0 : index
    %get3A_18 = vector.load %arg5[%get3A_16, %get3A_17] : memref<128x64xf32, #tpu.memory_space<vmem>>, vector<128x64xf32>
    %dot_general3A_19 = arith.constant dense<0.000000e+00> : vector<2000x64xf32>
    %dot_general3A_20 = tpu.matmul %max3A_15, %get3A_18, %dot_general3A_19 {dimension_numbers = #tpu.dot_dimension_numbers<[1], [0], [0], [1], [0, 0, 1, 1], [], []>, transpose_lhs_hint = false} : vector<2000x128xf32>, vector<128x64xf32>, vector<2000x64xf32> -> vector<2000x64xf32>
    %get3A_21 = arith.constant 0 : index
    %get3A_22 = arith.constant 0 : index
    %get3A_23 = vector.load %arg6[%get3A_21, %get3A_22] : memref<1x64xf32, #tpu.memory_space<vmem>>, vector<1x64xf32>
    %add3A_24 = vector.broadcast %get3A_23 : vector<1x64xf32> to vector<2000x64xf32>
    %add3A_25 = arith.addf %dot_general3A_20, %add3A_24 : vector<2000x64xf32>
    %max3A_26 = arith.constant 0.000000e+00 : f32
    %max3A_27 = vector.broadcast %max3A_26 : f32 to vector<2000x64xf32>
    %max3A_28 = arith.maximumf %add3A_25, %max3A_27 : vector<2000x64xf32>
    %get3A_29 = arith.constant 0 : index
    %get3A_30 = arith.constant 0 : index
    %get3A_31 = vector.load %arg7[%get3A_29, %get3A_30] : memref<64x32xf32, #tpu.memory_space<vmem>>, vector<64x32xf32>
    %dot_general3A_32 = arith.constant dense<0.000000e+00> : vector<2000x32xf32>
    %dot_general3A_33 = tpu.matmul %max3A_28, %get3A_31, %dot_general3A_32 {dimension_numbers = #tpu.dot_dimension_numbers<[1], [0], [0], [1], [0, 0, 1, 1], [], []>, transpose_lhs_hint = false} : vector<2000x64xf32>, vector<64x32xf32>, vector<2000x32xf32> -> vector<2000x32xf32>
    %get3A_34 = arith.constant 0 : index
    %get3A_35 = arith.constant 0 : index
    %get3A_36 = vector.load %arg8[%get3A_34, %get3A_35] : memref<1x32xf32, #tpu.memory_space<vmem>>, vector<1x32xf32>
    %add3A_37 = vector.broadcast %get3A_36 : vector<1x32xf32> to vector<2000x32xf32>
    %add3A_38 = arith.addf %dot_general3A_33, %add3A_37 : vector<2000x32xf32>
    %max3A_39 = arith.constant 0.000000e+00 : f32
    %max3A_40 = vector.broadcast %max3A_39 : f32 to vector<2000x32xf32>
    %max3A_41 = arith.maximumf %add3A_38, %max3A_40 : vector<2000x32xf32>
    %get3A_42 = arith.constant 0 : index
    %get3A_43 = arith.constant 0 : index
    %get3A_44 = vector.load %arg9[%get3A_42, %get3A_43] : memref<32x2xf32, #tpu.memory_space<vmem>>, vector<32x2xf32>
    %dot_general3A_45 = arith.constant dense<0.000000e+00> : vector<2000x2xf32>
    %dot_general3A_46 = tpu.matmul %max3A_41, %get3A_44, %dot_general3A_45 {dimension_numbers = #tpu.dot_dimension_numbers<[1], [0], [0], [1], [0, 0, 1, 1], [], []>, transpose_lhs_hint = false} : vector<2000x32xf32>, vector<32x2xf32>, vector<2000x2xf32> -> vector<2000x2xf32>
    %get3A_47 = arith.constant 0 : index
    %get3A_48 = arith.constant 0 : index
    %get3A_49 = vector.load %arg10[%get3A_47, %get3A_48] : memref<1x2xf32, #tpu.memory_space<vmem>>, vector<1x2xf32>
    %add3A_50 = vector.broadcast %get3A_49 : vector<1x2xf32> to vector<2000x2xf32>
    %add3A_51 = arith.addf %dot_general3A_46, %add3A_50 : vector<2000x2xf32>
    %reduce_max3A = arith.constant dense<0xFF800000> : vector<2000xf32>
    %reduce_max3A_52 = vector.multi_reduction <maximumf>, %add3A_51, %reduce_max3A [1] : vector<2000x2xf32> to vector<2000xf32>
    %broadcast_in_dim3A = vector.shape_cast %reduce_max3A_52 : vector<2000xf32> to vector<2000x1xf32>
    %sub3A = vector.broadcast %broadcast_in_dim3A : vector<2000x1xf32> to vector<2000x2xf32>
    %sub3A_53 = arith.subf %add3A_51, %sub3A : vector<2000x2xf32>
    %exp3A = math.exp %sub3A_53 : vector<2000x2xf32>
    %reduce_sum3A = arith.constant dense<0.000000e+00> : vector<2000xf32>
    %reduce_sum3A_54 = vector.multi_reduction <add>, %exp3A, %reduce_sum3A [1] : vector<2000x2xf32> to vector<2000xf32>
    %broadcast_in_dim3A_55 = vector.shape_cast %reduce_sum3A_54 : vector<2000xf32> to vector<2000x1xf32>
    %log3A = math.log %broadcast_in_dim3A_55 : vector<2000x1xf32>
    %add3A_56 = arith.addf %broadcast_in_dim3A, %log3A : vector<2000x1xf32>
    %sub3A_57 = vector.broadcast %add3A_56 : vector<2000x1xf32> to vector<2000x2xf32>
    %sub3A_58 = arith.subf %add3A_51, %sub3A_57 : vector<2000x2xf32>
    %swap3A = arith.constant 0 : index
    %swap3A_59 = arith.constant 0 : index
    %swap3A_60 = vector.load %arg11[%swap3A, %swap3A_59] : memref<2000x2xf32, #tpu.memory_space<vmem>>, vector<2000x2xf32>
    tpu.vector_store %arg11[%swap3A, %swap3A_59], %sub3A_58 {strides = array<i32>} : memref<2000x2xf32, #tpu.memory_space<vmem>>, vector<2000x2xf32>,
    return
  }
  func.func @transform_0(%arg0: i32) -> (i32, i32) {
    %c0_i32 = arith.constant 0 : i32
    %c0_i32_0 = arith.constant 0 : i32
    return %arg0, %c0_i32 : i32, i32
  }
  func.func @transform_1(%arg0: i32) -> (i32, i32) {
    %c0_i32 = arith.constant 0 : i32
    %c0_i32_0 = arith.constant 0 : i32
    return %arg0, %c0_i32 : i32, i32
  }
  func.func @transform_2(%arg0: i32) -> (i32, i32) {
    %c0_i32 = arith.constant 0 : i32
    %c0_i32_0 = arith.constant 0 : i32
    %c0_i32_1 = arith.constant 0 : i32
    return %c0_i32, %c0_i32_0 : i32, i32
  }
  func.func @transform_3(%arg0: i32) -> (i32, i32) {
    %c0_i32 = arith.constant 0 : i32
    %c0_i32_0 = arith.constant 0 : i32
    %c0_i32_1 = arith.constant 0 : i32
    return %c0_i32, %c0_i32_0 : i32, i32
  }
  func.func @transform_4(%arg0: i32) -> (i32, i32) {
    %c0_i32 = arith.constant 0 : i32
    %c0_i32_0 = arith.constant 0 : i32
    %c0_i32_1 = arith.constant 0 : i32
    return %c0_i32, %c0_i32_0 : i32, i32
  }
  func.func @transform_5(%arg0: i32) -> (i32, i32) {
    %c0_i32 = arith.constant 0 : i32
    %c0_i32_0 = arith.constant 0 : i32
    %c0_i32_1 = arith.constant 0 : i32
    return %c0_i32, %c0_i32_0 : i32, i32
  }
  func.func @transform_6(%arg0: i32) -> (i32, i32) {
    %c0_i32 = arith.constant 0 : i32
    %c0_i32_0 = arith.constant 0 : i32
    %c0_i32_1 = arith.constant 0 : i32
    return %c0_i32, %c0_i32_0 : i32, i32
  }
  func.func @transform_7(%arg0: i32) -> (i32, i32) {
    %c0_i32 = arith.constant 0 : i32
    %c0_i32_0 = arith.constant 0 : i32
    %c0_i32_1 = arith.constant 0 : i32
    return %c0_i32, %c0_i32_0 : i32, i32
  }
  func.func @transform_8(%arg0: i32) -> (i32, i32) {
    %c0_i32 = arith.constant 0 : i32
    %c0_i32_0 = arith.constant 0 : i32
    %c0_i32_1 = arith.constant 0 : i32
    return %c0_i32, %c0_i32_0 : i32, i32
  }
  func.func @transform_9(%arg0: i32) -> (i32, i32) {
    %c0_i32 = arith.constant 0 : i32
    %c0_i32_0 = arith.constant 0 : i32
    %c0_i32_1 = arith.constant 0 : i32
    return %c0_i32, %c0_i32_0 : i32, i32
  }
  func.func @transform_10(%arg0: i32) -> (i32, i32) {
    %c0_i32 = arith.constant 0 : i32
    %c0_i32_0 = arith.constant 0 : i32
    return %arg0, %c0_i32 : i32, i32
  }
}

</mosaic_0001>

<sc_bundles>
// kernel: kernel.11.cloned.1.call-start
scs
__scs_entry_jumppad:
0x0: {  	(pc) =	sbr.rel $0x88, $3  }
0x1: {  	(tag) =	ssettag $0x0;
	lr =	simm.s32 $0x1  }
0x2: {  	[smem:$0x3F95] =	sst lr;
	_ =	strace $0xD0000000  }
0x3: {  	_ = 	snop  }
0x4: {  	_ = 	snop  }
0x5: {  	_ = 	snop  }
0x6: {  	_ = 	snop  }
0x7: {  	_ = 	snop  }
__scs_overlays_trampoline_lowered:
0x8: {  	[smem:$0x3FA4] =	sst s0  }
0x9: {  	[smem:$0x3FA5] =	sst s1  }
0xa: {  	[smem:$0x3FA6] =	sst s2  }
0xb: {  	[smem:$0x3FA7] =	sst s3  }
0xc: {  	[smem:$0x3FA8] =	sst s4  }
0xd: {  	[smem:$0x3FA9] =	sst s5  }
0xe: {  	[smem:$0x3FAA] =	sst s6  }
0xf: {  	[smem:$0x3FAB] =	sst s7  }
0x10: {  	[smem:$0x3FAC] =	sst s8  }
0x11: {  	[smem:$0x3FAD] =	sst s9;
	s0 =	simm.s32 @!p0 $0x0  }
0x12: {  	s1 =	sld [smem:$0x3F93];
	s0 =	simm.s32 @p0 $0x1  }
0x13: {  	[smem:$0x3FAE] =	sst s0;
	s0 =	simm.s32 @!p1 $0x0  }
0x14: {  	s2 =	sld [smem:$0x3F92];
	s0 =	simm.s32 @p1 $0x1  }
0x15: {  	[smem:$0x3FAF] =	sst s0;
	s0 =	simm.s32 @!p2 $0x0  }
0x16: {  	s3 =	sld [smem:$0x3FDB];
	s0 =	simm.s32 @p2 $0x1  }
0x17: {  	s4 =	simm.s32 $0x1BF5;
	[smem:$0x3FB1] =	sst s0  }
0x18: {  	s0 =	sld [smem:$0x3F94];
	_ =	swait.ge [sflag:s4], $0x0  }
0x19: {  	s7 =	sld [smem:$0x3F95]  }
0x1a: {  	s8 =	sadd.s32 $0xFFFFE003, lr  }
0x1b: {  	s9 =	sadd.s32 $0xFFFFFEF7, lr;
	s5 =	simm.s32 $0xFFFFFFFF;
	p2 =	slt.u32 s8, $0xFFFFF086  }
0x1c: {  	p1 =	slt.u32 s9, $0xF7A;
	s5 =	simm.s32 @!p2 $0x0  }
0x1d: {  	s5 =	simm.s32 @p1 $0x1;
	p0 =	seq.s32 s7, s2  }
0x1e: {  	s7 =	smul.u32 @!p0 $0xF7A, s2;
	p2 =	seq.s32 @!p0 s5, $0x0  }
0x1f: {  	s9 =	smul.u32 $0xF7A, s1;
	s8 =	simm.s32 @!p0 $0x1BF5;
	p2 =	por !p2, p0  }
0x20: {  	[sflag:s8] =	ssyncset.s32 @!p0 $0xFFFFF086;
	s6 =	sadd.s32 @!p0 s3, s7;
	s7 =	simm.s32 @!p0 $0x108  }
0x21: {  	s3 =	sadd.s32 s3, s9;
	s6 =	sadd.s32 @!p0 $0x88, s6;
	s7 =	simm.s32 @p2 $0x1082  }
0x22: {  	[simem:s7], [sflag:s8] =	dma.local @!p0 [hbm:s6], $0xF7A  }
0x23: {  	s9 =	sor.u32 $0xD0000000, s2;
	s6 =	simm.s32 $0x108;
	_ =	swait.ge @!p0 [sflag:s8], $0x0  }
0x24: {  	s3 =	sadd.s32 $0x88, s3;
	s6 =	simm.s32 @!p1 $0x1082;
	[sflag:s4] =	ssyncset.s32 $0xFFFFF086  }
0x25: {  	[simem:s6], [sflag:s4] =	dma.local [hbm:s3], $0xF7A  }
0x26: {  	[smem:$0x3F95] =	sst s1;
	(tag) =	ssettag s2;
	_ =	strace s9  }
0x27: {  	s1 =	sld [smem:$0x3FA5]  }
0x28: {  	s2 =	sld [smem:$0x3FA6]  }
0x29: {  	s4 =	sld [smem:$0x3FA8]  }
0x2a: {  	p0 =	seq.s32 s5, $0x0;
	s5 =	sld [smem:$0x3FA9]  }
0x2b: {  	s6 =	sld [smem:$0x3FAA]  }
0x2c: {  	s7 =	sld [smem:$0x3FAB]  }
0x2d: {  	s3 =	simm.s32 $0x108;
	s8 =	sld [smem:$0x3FAC]  }
0x2e: {  	s3 =	simm.s32 @!p0 $0x1082;
	s9 =	sld [smem:$0x3FAD]  }
0x2f: {  	lr =	sadd.s32 s0, s3;
	s0 =	sld [smem:$0x3FA4]  }
0x30: {  	s3 =	sld [smem:$0x3FA7]  }
0x31: {  	[smem:$0x3FB0] =	sst s10  }
0x32: {  	s10 =	sld [smem:$0x3FAE];
	_ =	sdelay $0x3  }
0x33: {  	p0 =	seq.s32 s10, $0x1;
	s10 =	sld [smem:$0x3FB0];
	_ =	sdelay $0x3  }
0x34: {  	[smem:$0x3FB0] =	sst s10  }
0x35: {  	s10 =	sld [smem:$0x3FAF];
	_ =	sdelay $0x3  }
0x36: {  	p1 =	seq.s32 s10, $0x1;
	s10 =	sld [smem:$0x3FB0];
	_ =	sdelay $0x3  }
0x37: {  	[smem:$0x3FB0] =	sst s10  }
0x38: {  	s10 =	sld [smem:$0x3FB1]  }
0x39: {  	_ = 	snop;
	(pc) =	sbr.ind lr, $3  }
0x3a: {  	_ = 	snop  }
0x3b: {  	_ = 	snop  }
0x3c: {  	p2 =	seq.s32 s10, $0x1;
	s10 =	sld [smem:$0x3FB0]  }
0x3d: {  	_ =	shalt  }
0x3e: {  	_ =	shalt  }
0x3f: {  	_ =	shalt  }
0x40: {  	_ =	shalt  }
0x41: {  	_ =	shalt  }
0x42: {  	_ =	shalt  }
0x43: {  	_ =	shalt  }
0x44: {  	_ =	shalt  }
0x45: {  	_ =	shalt  }
0x46: {  	_ =	shalt  }
0x47: {  	_ =	shalt  }
0x48: {  	_ =	shalt  }
0x49: {  	_ =	shalt  }
0x4a: {  	_ =	shalt  }
0x4b: {  	_ =	shalt  }
0x4c: {  	_ =	shalt  }
0x4d: {  	_ =	shalt  }
0x4e: {  	_ =	shalt  }
0x4f: {  	_ =	shalt  }
0x50: {  	_ =	shalt  }
0x51: {  	_ =	shalt  }
0x52: {  	_ =	shalt  }
0x53: {  	_ =	shalt  }
0x54: {  	_ =	shalt  }
0x55: {  	_ =	shalt  }
0x56: {  	_ =	shalt  }
0x57: {  	_ =	shalt  }
0x58: {  	_ =	shalt  }
0x59: {  	_ =	shalt  }
0x5a: {  	_ =	shalt  }
0x5b: {  	_ =	shalt  }
0x5c: {  	_ =	shalt  }
0x5d: {  	_ =	shalt  }
0x5e: {  	_ =	shalt  }
0x5f: {  	_ =	shalt  }
0x60: {  	_ =	shalt  }
0x61: {  	_ =	shalt  }
0x62: {  	_ =	shalt  }
0x63: {  	_ =	shalt  }
0x64: {  	_ =	shalt  }
0x65: {  	_ =	shalt  }
0x66: {  	_ =	shalt  }
0x67: {  	_ =	shalt  }
0x68: {  	_ =	shalt  }
0x69: {  	_ =	shalt  }
0x6a: {  	_ =	shalt  }
0x6b: {  	_ =	shalt  }
0x6c: {  	_ =	shalt  }
0x6d: {  	_ =	shalt  }
0x6e: {  	_ =	shalt  }
0x6f: {  	_ =	shalt  }
0x70: {  	_ =	shalt  }
0x71: {  	_ =	shalt  }
0x72: {  	_ =	shalt  }
0x73: {  	_ =	shalt  }
0x74: {  	_ =	shalt  }
0x75: {  	_ =	shalt  }
0x76: {  	_ =	shalt  }
0x77: {  	_ =	shalt  }
0x78: {  	_ =	shalt  }
0x79: {  	_ =	shalt  }
0x7a: {  	_ =	shalt  }
0x7b: {  	_ =	shalt  }
0x7c: {  	_ =	shalt  }
0x7d: {  	_ =	shalt  }
0x7e: {  	_ =	shalt  }
0x7f: {  	_ =	shalt  }
0x80: {  	_ =	shalt  }
0x81: {  	_ =	shalt  }
0x82: {  	_ =	shalt  }
0x83: {  	_ =	shalt  }
0x84: {  	_ =	shalt  }
0x85: {  	_ =	shalt  }
0x86: {  	_ =	shalt  }
0x87: {  	_ =	shalt  }
.Lfunc_end0:
.L_simem_size_0:
called_computation.1_lowered:
.L_overlay_start_0:
0x88: {  	s2 =	sld [smem:$0x3FD9]  }
0x89: {  	s3 =	sld [smem:$0x3FFE];
	_ =	sdelay $0x1  }
0x8a: {  	s1 =	srdreg.scid  }
0x8b: {  	s0 =	sand.u32 $0x1, s1  }
0x8c: {  	s15 =	sshll.u32 s0, $0xA;
	s2 =	sadd.s32 s3, s2  }
0x8d: {  	s2 =	sadd.s32 s2, s15  }
0x8e: {  	[smem:$0x3FBC] =	sst s2  }
0x8f: {  	_ = 	snop  }
0x90: {  	s2 =	sld [smem:$0x3FD0];
	_ =	sdelay $0x2  }
0x91: {  	s16 =	simm.s32 $0xB;
	s4 =	simm.s32 $0x10  }
0x92: {  	[smem:s4], [sflag:s16] =	dma.local [hbm:s2], $0x1  }
0x93: {  	_ =	swait.eq [sflag:s16], $0x1  }
0x94: {  	[sflag:s16] =	ssyncset.done $0x0  }
0x95: {  	[sflag:s16] =	ssyncadd.s32 $0xFFFFFFFF  }
0x96: {  	s17 =	sld [smem:$0x10];
	(tm) =	ssettm $0x1  }
0x97: {  	s18 =	sld [smem:$0x3FFB];
	_ =	sdelay $0x3  }
0x98: {  	_ =	strace s18  }
0x99: {  	s2 =	sld [smem:$0x3FFC];
	_ =	sdelay $0x3  }
0x9a: {  	_ =	strace s2  }
0x9b: {  	s2 =	sld [smem:$0x3FFD];
	_ =	sdelay $0x3  }
0x9c: {  	_ =	strace s2  }
0x9d: {  	_ =	strace $0x8FFFFFFF  }
0x9e: {  	s19 =	sld [smem:$0x3FDB];
	_ =	sdelay $0x1  }
0x9f: {  	s20 =	simm.s32 $_scs_section_size  }
0xa0: {  	s5 =	simm.s32 $_size__tile_overlayer_lowered;
	s6 =	simm.s32 $_tile_overlayer_lowered  }
0xa1: {  	s7 =	simm.s32 $0x1BFF;
	s21 =	sshll.u32 s6, $0x1;
	s4 =	sadd.s32 s20, s19  }
0xa2: {  	s22 =	simm.s32 $0x0;
	s5 =	sshll.u32 s5, $0x1;
	s6 =	sadd.s32 s21, s4  }
0xa3: {  	[timem:s22], [sflag:s7] =	dma.local [hbm:s6], s5  }
0xa4: {  	_ =	swait.ge [sflag:s7], s5  }
0xa5: {  	s5 =	ssub.s32 $0x0, s5;
	[sflag:s7] =	ssyncset.done $0x0  }
0xa6: {  	[sflag:s7] =	ssyncadd.s32 s5;
	_ =	sdelay $0x1  }
0xa7: {  	s23 =	simm.s32 $0x1B8B  }
0xa8: {  	_ =	swait.ge [sflag:s23], $0x1  }
0xa9: {  	[sflag:s23] =	ssyncset.done $0x0  }
0xaa: {  	[sflag:s23] =	ssyncadd.s32 $0xFFFFFFFF  }
0xab: {  	s5 =	sld [smem:$0x0]  }
0xac: {  	s6 =	sand.u32 $0xFFFFFFFE, s1  }
0xad: {  	p0 =	sne.s32 s1, s6  }
0xae: {  	s6 =	sshll.u32 @p0 s6, $0xE  }
0xaf: {  	s6 =	sadd.s32 @p0 $0x11B8D, s6;
	s7 =	sshll.u32 @p0 s5, $0x11  }
0xb0: {  	s6 =	sor.u32 @p0 s7, s6  }
0xb1: {  	[sflag:s6] =	ssyncadd.remote.s32 @p0 $0x1;
	_ =	sdelay $0x1  }
0xb2: {  	s6 =	simm.s32 @p0 $0x1B8D  }
0xb3: {  	_ =	swait.eq @p0 [sflag:s6], $0x1  }
0xb4: {  	[sflag:s6] =	ssyncadd.s32 @p0 $0xFFFFFFFF  }
0xb5: {  	s7 =	sshll.u32 @!p0 s1, $0xE  }
0xb6: {  	s7 =	sor.u32 @!p0 $0x4000, s7;
	s6 =	simm.s32 @!p0 $0x1B8D  }
0xb7: {  	s5 =	sshll.u32 @!p0 s5, $0x11;
	s7 =	sadd.s32 @!p0 $0x11B8D, s7;
	_ =	swait.eq @!p0 [sflag:s6], $0x1  }
0xb8: {  	s5 =	sor.u32 @!p0 s5, s7;
	[sflag:s6] =	ssyncadd.s32 @!p0 $0xFFFFFFFF  }
0xb9: {  	s25 =	simm.s32 $0x1B8E;
	s24 =	sld [smem:$0x3FFE];
	[sflag:s5] =	ssyncadd.remote.s32 @!p0 $0x1  }
0xba: {  	s26 =	simm.s32 $execute0_lowered;
	[smem:$0x3FD2] =	sst s25  }
0xbb: {  	s6 =	sshll.u32 s26, $0x1;
	_ =	strace $0x8000004C;
	[dreg:$0x1] =	wrdreg $0xFFFFFFFF  }
0xbc: {  	s28 =	simm.s32 $_size_execute0_lowered;
	s4 =	sadd.s32 s4, s6;
	[dreg:$0x0] =	wrdreg $0x0  }
0xbd: {  	s6 =	sshll.u32 s28, $0x1;
	[dreg:$0x2] =	wrdreg s4  }
0xbe: {  	[dreg:$0x3] =	wrdreg s6  }
0xbf: {  	[dreg:$0x4] =	wrdreg $0xC0  }
0xc0: {  	_ =	task [dreg:s22], $0x5FFFF  }
0xc1: {  	[dreg:$0x1] =	wrdreg $0xFFFFFFFF  }
0xc2: {  	[dreg:$0x0] =	wrdreg $0x60  }
0xc3: {  	[dreg:$0x2] =	wrdreg s24  }
0xc4: {  	[dreg:$0x3] =	wrdreg s17  }
0xc5: {  	[dreg:$0x4] =	wrdreg $0xA5000  }
0xc6: {  	[dreg:$0x5] =	wrdreg $0xA  }
0xc7: {  	_ =	task.clear_ibuf [dreg:s22], $0x6FFFF;
	_ =	strace $0x9000004C  }
0xc8: {  	s29 =	simm.s32 $0xA;
	_ =	strace $0x8000004E  }
0xc9: {  	_ =	swait.ge [sflag:s29], $0x1  }
0xca: {  	[sflag:s29] =	ssyncadd.s32 $0xFFFFFFFF  }
0xcb: {  	_ =	strace $0x9000004E  }
0xcc: {  	_ =	sfence  }
0xcd: {  	s30 =	sld [smem:$0x0];
	_ =	sdelay $0x2  }
0xce: {  	s31 =	sshll.u32 s1, $0xD;
	s1 =	sshrl.u32 s1, $0x2  }
0xcf: {  	s4 =	sand.u32 $0x4000, s31;
	s1 =	sadd.s32 s1, s30  }
0xd0: {  	s0 =	sor.u32 s4, s0;
	s1 =	sshll.u32 s1, $0x11  }
0xd1: {  	s0 =	sor.u32 s1, s0  }
0xd2: {  	s0 =	sadd.s32 $0x8F2B, s0  }
0xd3: {  	[sflag:s0] =	ssyncadd.remote.s32 $0x1  }
0xd4: {  	_ =	sfence.sel $0xFFFF  }
0xd5: {  	[dreg:$0x0] =	wrdreg $0xFFFFFFFF;
	(pc) =	sbr.abs _section_cstart, $3  }
0xd6: {  	[dreg:$0x1] =	wrdreg $0xFFFFFFFF  }
0xd7: {  	_ =	task.clear_ibuf [dreg:s22], $0x2FFFF;
	_ =	strace $0x9FFFFFFF  }
0xd8: {  	(tm) =	ssettm $0x7FFFFFFF  }
0xd9: {  	_ =	shalt  }
tec
execute0_lowered:
.L_overlay_start_1:
0x0: {  	(tag) =	ssettag $0x1  }
0x1: {  	s6 =	rddreg [dreg:$0x0]  }
0x2: {  	s7 =	rddreg [dreg:$0x1]  }
0x3: {  	s1 =	rddreg [dreg:$0x2]  }
0x4: {  	s0 =	rddreg [dreg:$0x3];
	s3 =	simm.s32 $0x0  }
0x5: {  	s2 =	srdreg.scid;
	s16 =	simm.s32 $0x50;
	s17 =	simm.s32 $0x4100  }
0x6: {  	s18 =	simm.s32 $0x80;
	s19 =	simm.s32 $0x6900;
	s20 =	simm.s32 $0x1  }
0x7: {  	s21 =	simm.s32 $0x2;
	[smem:$0x7FF] =	sst s3;
	s8 =	sand.u32 $0x1, s2  }
0x8: {  	s22 =	simm.s32 $0x3;
	s2 =	stileid.u32;
	s9 =	smul.u32 $0x138800, s8  }
0x9: {  	s4 =	sadd.s32 $0x38600, s6;
	s5 =	sadd.s32 $0x7600, s6;
	s10 =	smul.u32 $0x1F400, s2  }
0xa: {  	_ =	strace $0x8000004D;
	s11 =	sshll.u32 s2, $0x1;
	s14 =	smul.u32 $0x4E20, s2  }
0xb: {  	s23 =	ssub.s32 $0x2, s8;
	s28 =	smul.u32 $0x7D000, s2;
	p0 =	sgt.u32 s2, $0x9  }
0xc: {  	s11 =	sor.u32 s8, s11;
	s13 =	sshrl.u32 s23, $0x1;
	s8 =	smul.u32 $0x2710, s8  }
0xd: {  	s9 =	sadd.s32 s10, s9;
	s12 =	smul.u32 $0x2710, s11;
	s24 =	ssub.s32 s23, s13  }
0xe: {  	s25 =	sshll.u32 s11, $0xB;
	s30 =	sshrl.u32 s28, $0x2;
	s13 =	simm.s32 $0x100  }
0xf: {  	s23 =	simm.s32 $0x3F00;
	s9 =	sshrl.u32 s9, $0x3;
	s29 =	sadd.s32 s8, s14  }
.Ltmp0:
0x10: {  	s8 =	smax.u32 s24, $0x1;
	s14 =	simm.s32 $0x4;
	(pc) =	sbr.rel .LBB2_1-.Ltmp0, $4  }
0x11: {  	s24 =	simm.s32 $0x0;
	s15 =	sadd.s32 s9, s6;
	s26 =	sshrl.u32 s12, $0x3  }
0x12: {  	s6 =	sadd.s32 s7, s25;
	s31 =	sadd.s32 $0x50, s29;
	s9 =	sadd.s32 s30, s1  }
0x13: {  	s10 =	sadd.s32 $0xA0, s29;
	s7 =	sadd.s32 s5, s26;
	s11 =	sshrl.u32 s31, $0x3  }
0x14: {  	v0 =	vimm.f32 $0.0e+00;
	s12 =	sadd.s32 $0x568800, s15;
	s15 =	simm.s32 $0x9100;
	s11 =	sadd.s32 s11, s5  }
.LBB2_12:
0x15: {  	[sflag:s14] =	ssyncadd.s32 $0xFFFFEC00  }
.LBB2_13:
0x16: {  	s24 =	sadd.s32 $0x1, s24  }
0x17: {  	p1 =	sne.s32 s24, s8  }
.Ltmp1:
0x18: {  	_ = 	snop;
	(pc) =	sbr.rel @!p1 .LBB2_14-.Ltmp1, $1  }
0x19: {  	_ =	sdelay $0x3  }
.LBB2_1:
0x1a: {  	[tilespmem:s13], [sflag:$0x4] =	stream.linear.gather [hbm4b:s6+s3], $0x3E80, $0x38;
	[tilespmem:$0x1DD80] =	vst v63  }
0x1b: {  	_ =	swait.ge [sflag:s14], $0x3E80  }
0x1c: {  	[sflag:s14] =	ssyncset.done $0x0  }
0x1d: {  	s25 =	simm.s32 $0x0;
	s26 =	simm.s32 $0x200;
	[sflag:s14] =	ssyncadd.s32 $0xFFFFC180  }
.LBB2_2:
0x1e: {  	p1 =	sne.s32 s26, $0x4E00;
	[tilespmem:s25+$0x9170] =	vst v0  }
0x1f: {  	[tilespmem:s25+$0x9100] =	vst v0  }
0x20: {  	[tilespmem:s25+$0x9110] =	vst v0  }
.Ltmp2:
0x21: {  	[tilespmem:s25+$0x9120] =	vst v0;
	(pc) =	sbr.rel @p1 .LBB2_2-.Ltmp2, $4  }
0x22: {  	[tilespmem:s25+$0x9130] =	vst v0  }
0x23: {  	[tilespmem:s25+$0x9140] =	vst v0  }
0x24: {  	[tilespmem:s25+$0x9150] =	vst v0  }
0x25: {  	[tilespmem:s25+$0x9160] =	vst v0;
	s25 =	sshra.s32 s26, $0x2;
	s26 =	sadd.s32 $0x200, s26  }
0x26: {  	[tilespmem:s25+$0x9170] =	vst v0  }
0x27: {  	[tilespmem:s25+$0x9100] =	vst v0  }
0x28: {  	[tilespmem:s25+$0x9110] =	vst v0  }
.Ltmp3:
0x29: {  	[tilespmem:s25+$0x9120] =	vst v0;
	(pc) =	sbr.rel @p0 .LBB2_7-.Ltmp3, $4  }
0x2a: {  	[tilespmem:s25+$0x9130] =	vst v0  }
0x2b: {  	[tilespmem:s25+$0x9140] =	vst v0  }
0x2c: {  	[tilespmem:s25+$0x9150] =	vst v0  }
0x2d: {  	[tilespmem:s25+$0x9160] =	vst v0;
	s25 =	simm.s32 $0x0  }
0x2e: {  	s26 =	sshra.s32 s25, $0x2  }
0x2f: {  	s26 =	sadd.s32 s26, s9  }
0x30: {  	[spmem:s26] =	stream.linear.scatter [tilespmem:s15], [sflag:$0x4], $0x1400, $0x38;
	[tilespmem:$0x1DD80] =	vst v63  }
0x31: {  	s25 =	sadd.s32 $0x5000, s25;
	_ =	swait.ge [sflag:s14], $0x1400  }
.LBB2_5:
0x32: {  	s26 =	sshra.s32 s25, $0x2;
	[sflag:s14] =	ssyncset.done $0x0;
	p1 =	sne.s32 s25, $0x78000  }
.Ltmp4:
0x33: {  	s26 =	sadd.s32 s26, s9;
	[sflag:s14] =	ssyncadd.s32 $0xFFFFEC00;
	(pc) =	sbr.rel @p1 .LBB2_5-.Ltmp4, $3  }
0x34: {  	[spmem:s26] =	stream.linear.scatter [tilespmem:s15], [sflag:$0x4], $0x1400, $0x38;
	[tilespmem:$0x1DD80] =	vst v63  }
0x35: {  	s25 =	sadd.s32 $0x5000, s25;
	_ =	sdelay $0x1  }
0x36: {  	_ =	swait.ge [sflag:s14], $0x1400  }
0x37: {  	[sflag:s14] =	ssyncset.done $0x0  }
0x38: {  	[sflag:s14] =	ssyncadd.s32 $0xFFFFEC00  }
.LBB2_7:
0x39: {  	[bflag:$0x0] =	sbarrier.arrive $0xFFFF;
	s25 =	simm.s32 $0x0  }
0x3a: {  	[tilespmem:s25], [sflag:$0x4] =	stream.linear.gather [hbm4b:s7+s25], $0x50, $0x38;
	[tilespmem:$0x1DD80] =	vst v63  }
0x3b: {  	_ =	swait.ge [sflag:s14], $0x50  }
0x3c: {  	[sflag:s14] =	ssyncset.done $0x0  }
0x3d: {  	[sflag:s14] =	ssyncadd.s32 $0xFFFFFFB0  }
0x3e: {  	[tilespmem:s17], [sflag:$0x1] =	stream.indirect.gather [hbm4b:s4+s16], $0x80, s25, s16, $0xb8;
	[tilespmem:$0x1DD80] =	vst v63  }
0x3f: {  	s30 =	sadd.s32 $0x0, s11  }
0x40: {  	[tilespmem:s18], [sflag:$0x4] =	stream.linear.gather [hbm4b:s30+s3], $0x50, $0x38;
	[tilespmem:$0x1DD80] =	vst v63  }
0x41: {  	_ =	swait.ge [sflag:s14], $0x50  }
0x42: {  	[sflag:s14] =	ssyncset.done $0x0  }
0x43: {  	[sflag:s14] =	ssyncadd.s32 $0xFFFFFFB0  }
0x44: {  	[tilespmem:s19], [sflag:$0x2] =	stream.indirect.gather [hbm4b:s4+s16], $0x80, s18, s16, $0xb8;
	[tilespmem:$0x1DD80] =	vst v63  }
0x45: {  	_ =	swait.ge [sflag:s20], $0x2800  }
0x46: {  	[sflag:s20] =	ssyncset.done $0x0  }
0x47: {  	s25 =	simm.s32 $0x100;
	[sflag:s20] =	ssyncadd.s32 $0xFFFFD800  }
0x48: {  	[spmem:s1] =	stream.indirect.scatter.add.f32 [tilespmem:s17], [sflag:$0x3], $0x80, s25, s16, $0xb8;
	[tilespmem:$0x1DD80] =	vst v63  }
0x49: {  	_ =	swait.ge [sflag:s21], $0x2800  }
0x4a: {  	[sflag:s21] =	ssyncset.done $0x0  }
0x4b: {  	[sflag:s21] =	ssyncadd.s32 $0xFFFFD800  }
0x4c: {  	_ =	swait.ge [sflag:s22], $0x2800  }
0x4d: {  	s26 =	sshrl.u32 s10, $0x3;
	[sflag:s22] =	ssyncset.done $0x0  }
0x4e: {  	s26 =	sadd.s32 s5, s26;
	[sflag:s22] =	ssyncadd.s32 $0xFFFFD800  }
0x4f: {  	[tilespmem:s3], [sflag:$0x4] =	stream.linear.gather [hbm4b:s26+s3], $0x50, $0x38;
	[tilespmem:$0x1DD80] =	vst v63  }
0x50: {  	_ =	swait.ge [sflag:s14], $0x50  }
0x51: {  	[sflag:s14] =	ssyncset.done $0x0  }
0x52: {  	[sflag:s14] =	ssyncadd.s32 $0xFFFFFFB0  }
0x53: {  	[tilespmem:s17], [sflag:$0x1] =	stream.indirect.gather [hbm4b:s4+s16], $0x80, s3, s16, $0xb8;
	[tilespmem:$0x1DD80] =	vst v63  }
0x54: {  	s31 =	simm.s32 $0x180  }
0x55: {  	[spmem:s1] =	stream.indirect.scatter.add.f32 [tilespmem:s19], [sflag:$0x4], $0x80, s31, s16, $0xb8;
	[tilespmem:$0x1DD80] =	vst v63  }
0x56: {  	_ =	swait.ge [sflag:s14], $0x2800  }
0x57: {  	s28 =	smov.u32 s10;
	s26 =	simm.s32 $0x14;
	[sflag:s14] =	ssyncset.done $0x0  }
.LBB2_8:
0x58: {  	[sflag:s14] =	ssyncadd.s32 $0xFFFFD800;
	s28 =	sadd.s32 $0xA0, s28;
	s25 =	sadd.s32 $0x100, s25  }
0x59: {  	s29 =	sadd.s32 s26, s11;
	p1 =	sne.s32 s26, $0x4C4;
	s26 =	sadd.s32 $0x14, s26  }
0x5a: {  	[tilespmem:s18], [sflag:$0x4] =	stream.linear.gather [hbm4b:s29+s3], $0x50, $0x38;
	[tilespmem:$0x1DD80] =	vst v63  }
0x5b: {  	_ =	swait.ge [sflag:s14], $0x50  }
0x5c: {  	[sflag:s14] =	ssyncset.done $0x0  }
0x5d: {  	[sflag:s14] =	ssyncadd.s32 $0xFFFFFFB0  }
0x5e: {  	[tilespmem:s19], [sflag:$0x2] =	stream.indirect.gather [hbm4b:s4+s16], $0x80, s18, s16, $0xb8;
	[tilespmem:$0x1DD80] =	vst v63  }
0x5f: {  	_ =	swait.ge [sflag:s20], $0x2800  }
0x60: {  	[sflag:s20] =	ssyncset.done $0x0  }
0x61: {  	[sflag:s20] =	ssyncadd.s32 $0xFFFFD800  }
0x62: {  	[spmem:s1] =	stream.indirect.scatter.add.f32 [tilespmem:s17], [sflag:$0x3], $0x80, s25, s16, $0xb8;
	[tilespmem:$0x1DD80] =	vst v63  }
0x63: {  	_ =	swait.ge [sflag:s21], $0x2800  }
0x64: {  	[sflag:s21] =	ssyncset.done $0x0  }
0x65: {  	[sflag:s21] =	ssyncadd.s32 $0xFFFFD800  }
0x66: {  	_ =	swait.ge [sflag:s22], $0x2800  }
0x67: {  	s29 =	sshrl.u32 s28, $0x3;
	[sflag:s22] =	ssyncset.done $0x0  }
0x68: {  	s29 =	sadd.s32 s5, s29;
	[sflag:s22] =	ssyncadd.s32 $0xFFFFD800  }
0x69: {  	[tilespmem:s3], [sflag:$0x4] =	stream.linear.gather [hbm4b:s29+s3], $0x50, $0x38;
	[tilespmem:$0x1DD80] =	vst v63  }
0x6a: {  	_ =	swait.ge [sflag:s14], $0x50  }
0x6b: {  	[sflag:s14] =	ssyncset.done $0x0  }
0x6c: {  	[sflag:s14] =	ssyncadd.s32 $0xFFFFFFB0  }
0x6d: {  	[tilespmem:s17], [sflag:$0x1] =	stream.indirect.gather [hbm4b:s4+s16], $0x80, s3, s16, $0xb8;
	[tilespmem:$0x1DD80] =	vst v63  }
.Ltmp5:
0x6e: {  	_ = 	snop;
	(pc) =	sbr.rel @p1 .LBB2_8-.Ltmp5, $4  }
0x6f: {  	s29 =	sadd.s32 $0x80, s25  }
0x70: {  	[spmem:s1] =	stream.indirect.scatter.add.f32 [tilespmem:s19], [sflag:$0x4], $0x80, s29, s16, $0xb8;
	[tilespmem:$0x1DD80] =	vst v63  }
0x71: {  	_ =	swait.ge [sflag:s14], $0x2800  }
0x72: {  	[sflag:s14] =	ssyncset.done $0x0  }
0x73: {  	[sflag:s14] =	ssyncadd.s32 $0xFFFFD800  }
0x74: {  	_ =	swait.ge [sflag:s20], $0x2800  }
0x75: {  	[sflag:s20] =	ssyncset.done $0x0  }
0x76: {  	[sflag:s20] =	ssyncadd.s32 $0xFFFFD800  }
0x77: {  	[spmem:s1] =	stream.indirect.scatter.add.f32 [tilespmem:s17], [sflag:$0x4], $0x80, s23, s16, $0xb8;
	[tilespmem:$0x1DD80] =	vst v63  }
.Ltmp6:
0x78: {  	_ =	swait.ge [sflag:s14], $0x2800;
	(pc) =	sbr.rel @p0 .LBB2_13-.Ltmp6, $3  }
0x79: {  	[sflag:s14] =	ssyncset.done $0x0  }
0x7a: {  	[sflag:s14] =	ssyncadd.s32 $0xFFFFD800  }
0x7b: {  	[bflag:$0x0] =	sbarrier.arrive $0xFFFF;
	_ =	sdelay $0x1  }
0x7c: {  	[tilespmem:s15], [sflag:$0x4] =	stream.linear.gather [spmem:s9], $0x1400, $0x38;
	[tilespmem:$0x1DD80] =	vst v63  }
0x7d: {  	_ =	swait.ge [sflag:s14], $0x1400  }
0x7e: {  	[sflag:s14] =	ssyncset.done $0x0  }
0x7f: {  	s25 =	sadd.s32 $0x0, s12;
	[sflag:s14] =	ssyncadd.s32 $0xFFFFEC00  }
0x80: {  	[hbm4b:s25+s3] =	stream.linear.scatter [tilespmem:s15], [sflag:$0x4], $0x1400, $0x38;
	[tilespmem:$0x1DD80] =	vst v63  }
0x81: {  	_ =	swait.ge [sflag:s14], $0x1400  }
0x82: {  	s26 =	smov.u32 s9;
	s25 =	simm.s32 $0x280;
	[sflag:s14] =	ssyncset.done $0x0  }
.LBB2_11:
0x83: {  	p1 =	sne.s32 s25, $0x3C00;
	[sflag:s14] =	ssyncadd.s32 $0xFFFFEC00;
	s26 =	sadd.s32 $0x1400, s26  }
0x84: {  	[tilespmem:s15], [sflag:$0x4] =	stream.linear.gather [spmem:s26], $0x1400, $0x38;
	[tilespmem:$0x1DD80] =	vst v63  }
0x85: {  	s28 =	smov.u32 s25;
	s25 =	sadd.s32 $0x280, s25;
	_ =	swait.ge [sflag:s14], $0x1400  }
.Ltmp7:
0x86: {  	[sflag:s14] =	ssyncset.done $0x0;
	(pc) =	sbr.rel @p1 .LBB2_11-.Ltmp7, $4  }
0x87: {  	s28 =	sadd.s32 s28, s12;
	[sflag:s14] =	ssyncadd.s32 $0xFFFFEC00  }
0x88: {  	[hbm4b:s28+s3] =	stream.linear.scatter [tilespmem:s15], [sflag:$0x4], $0x1400, $0x38;
	[tilespmem:$0x1DD80] =	vst v63  }
0x89: {  	_ =	swait.ge [sflag:s14], $0x1400  }
0x8a: {  	[sflag:s14] =	ssyncset.done $0x0  }
.Ltmp8:
0x8b: {  	_ = 	snop;
	(pc) =	sbr.rel .LBB2_12-.Ltmp8, $1  }
0x8c: {  	_ =	sdelay $0x3  }
.LBB2_14:
0x8d: {  	_ =	sfence.sel $0x180000  }
0x8e: {  	[bflag:$0x0] =	sbarrier.arrive $0xFFFF  }
0x8f: {  	p0 =	sne.s32 s2, $0x0;
	_ =	strace $0x9000004D  }
0x90: {  	s0 =	sadd.s32 @!p0 $0x100000, s0;
	[bflag:$0x2] =	sbarrier.arrive $0xFFFF  }
0x91: {  	[sflag:s0] =	ssyncadd.tile.s32 @!p0 $0x1;
	_ =	shalt  }
.Lfunc_end2:
_tile_overlayer_lowered:
.L_overlay_start_2:
0x92: {  	(tag) =	ssettag $0x2  }
0x93: {  	s0 =	rddreg [dreg:$0x0];
	s2 =	stileid.u32  }
0x94: {  	s1 =	rddreg [dreg:$0x1];
	p0 =	sne.s32 s2, $0x0  }
0x95: {  	s3 =	rddreg [dreg:$0x2];
	[bflag:$0x3] =	sbarrier.arrive $0xFFFF;
	s2 =	simm.s32 @!p0 $0x1C04  }
0x96: {  	[timem:s3], [sflag:s2] =	dma.local @!p0 [hbm:s0], s1  }
0x97: {  	s0 =	simm.s32 @!p0 $0x4  }
0x98: {  	_ =	swait.ge @!p0 [sflag:s0], s1  }
0x99: {  	s1 =	ssub.s32 @!p0 $0x0, s1;
	[sflag:s0] =	ssyncset.done @!p0 $0x0  }
0x9a: {  	[sflag:s0] =	ssyncadd.s32 @!p0 s1  }
0x9b: {  	[bflag:$0x3] =	sbarrier.arrive $0xFFFF  }
0x9c: {  	_ =	shalt  }

// kernel: kernel.14.cloned.1.call-start
scs
__scs_entry_jumppad:
0x0: {  	(pc) =	sbr.rel $0x88, $3  }
0x1: {  	(tag) =	ssettag $0x0;
	lr =	simm.s32 $0x1  }
0x2: {  	[smem:$0x3F95] =	sst lr;
	_ =	strace $0xD0000000  }
0x3: {  	_ = 	snop  }
0x4: {  	_ = 	snop  }
0x5: {  	_ = 	snop  }
0x6: {  	_ = 	snop  }
0x7: {  	_ = 	snop  }
__scs_overlays_trampoline_lowered:
0x8: {  	[smem:$0x3FA4] =	sst s0  }
0x9: {  	[smem:$0x3FA5] =	sst s1  }
0xa: {  	[smem:$0x3FA6] =	sst s2  }
0xb: {  	[smem:$0x3FA7] =	sst s3  }
0xc: {  	[smem:$0x3FA8] =	sst s4  }
0xd: {  	[smem:$0x3FA9] =	sst s5  }
0xe: {  	[smem:$0x3FAA] =	sst s6  }
0xf: {  	[smem:$0x3FAB] =	sst s7  }
0x10: {  	[smem:$0x3FAC] =	sst s8  }
0x11: {  	[smem:$0x3FAD] =	sst s9;
	s0 =	simm.s32 @!p0 $0x0  }
0x12: {  	s1 =	sld [smem:$0x3F93];
	s0 =	simm.s32 @p0 $0x1  }
0x13: {  	[smem:$0x3FAE] =	sst s0;
	s0 =	simm.s32 @!p1 $0x0  }
0x14: {  	s2 =	sld [smem:$0x3F92];
	s0 =	simm.s32 @p1 $0x1  }
0x15: {  	[smem:$0x3FAF] =	sst s0;
	s0 =	simm.s32 @!p2 $0x0  }
0x16: {  	s3 =	sld [smem:$0x3FDB];
	s0 =	simm.s32 @p2 $0x1  }
0x17: {  	s4 =	simm.s32 $0x1BF5;
	[smem:$0x3FB1] =	sst s0  }
0x18: {  	s0 =	sld [smem:$0x3F94];
	_ =	swait.ge [sflag:s4], $0x0  }
0x19: {  	s7 =	sld [smem:$0x3F95]  }
0x1a: {  	s8 =	sadd.s32 $0xFFFFE003, lr  }
0x1b: {  	s9 =	sadd.s32 $0xFFFFFEF7, lr;
	s5 =	simm.s32 $0xFFFFFFFF;
	p2 =	slt.u32 s8, $0xFFFFF086  }
0x1c: {  	p1 =	slt.u32 s9, $0xF7A;
	s5 =	simm.s32 @!p2 $0x0  }
0x1d: {  	s5 =	simm.s32 @p1 $0x1;
	p0 =	seq.s32 s7, s2  }
0x1e: {  	s7 =	smul.u32 @!p0 $0xF7A, s2;
	p2 =	seq.s32 @!p0 s5, $0x0  }
0x1f: {  	s9 =	smul.u32 $0xF7A, s1;
	s8 =	simm.s32 @!p0 $0x1BF5;
	p2 =	por !p2, p0  }
0x20: {  	[sflag:s8] =	ssyncset.s32 @!p0 $0xFFFFF086;
	s6 =	sadd.s32 @!p0 s3, s7;
	s7 =	simm.s32 @!p0 $0x108  }
0x21: {  	s3 =	sadd.s32 s3, s9;
	s6 =	sadd.s32 @!p0 $0x88, s6;
	s7 =	simm.s32 @p2 $0x1082  }
0x22: {  	[simem:s7], [sflag:s8] =	dma.local @!p0 [hbm:s6], $0xF7A  }
0x23: {  	s9 =	sor.u32 $0xD0000000, s2;
	s6 =	simm.s32 $0x108;
	_ =	swait.ge @!p0 [sflag:s8], $0x0  }
0x24: {  	s3 =	sadd.s32 $0x88, s3;
	s6 =	simm.s32 @!p1 $0x1082;
	[sflag:s4] =	ssyncset.s32 $0xFFFFF086  }
0x25: {  	[simem:s6], [sflag:s4] =	dma.local [hbm:s3], $0xF7A  }
0x26: {  	[smem:$0x3F95] =	sst s1;
	(tag) =	ssettag s2;
	_ =	strace s9  }
0x27: {  	s1 =	sld [smem:$0x3FA5]  }
0x28: {  	s2 =	sld [smem:$0x3FA6]  }
0x29: {  	s4 =	sld [smem:$0x3FA8]  }
0x2a: {  	p0 =	seq.s32 s5, $0x0;
	s5 =	sld [smem:$0x3FA9]  }
0x2b: {  	s6 =	sld [smem:$0x3FAA]  }
0x2c: {  	s7 =	sld [smem:$0x3FAB]  }
0x2d: {  	s3 =	simm.s32 $0x108;
	s8 =	sld [smem:$0x3FAC]  }
0x2e: {  	s3 =	simm.s32 @!p0 $0x1082;
	s9 =	sld [smem:$0x3FAD]  }
0x2f: {  	lr =	sadd.s32 s0, s3;
	s0 =	sld [smem:$0x3FA4]  }
0x30: {  	s3 =	sld [smem:$0x3FA7]  }
0x31: {  	[smem:$0x3FB0] =	sst s10  }
0x32: {  	s10 =	sld [smem:$0x3FAE];
	_ =	sdelay $0x3  }
0x33: {  	p0 =	seq.s32 s10, $0x1;
	s10 =	sld [smem:$0x3FB0];
	_ =	sdelay $0x3  }
0x34: {  	[smem:$0x3FB0] =	sst s10  }
0x35: {  	s10 =	sld [smem:$0x3FAF];
	_ =	sdelay $0x3  }
0x36: {  	p1 =	seq.s32 s10, $0x1;
	s10 =	sld [smem:$0x3FB0];
	_ =	sdelay $0x3  }
0x37: {  	[smem:$0x3FB0] =	sst s10  }
0x38: {  	s10 =	sld [smem:$0x3FB1]  }
0x39: {  	_ = 	snop;
	(pc) =	sbr.ind lr, $3  }
0x3a: {  	_ = 	snop  }
0x3b: {  	_ = 	snop  }
0x3c: {  	p2 =	seq.s32 s10, $0x1;
	s10 =	sld [smem:$0x3FB0]  }
0x3d: {  	_ =	shalt  }
0x3e: {  	_ =	shalt  }
0x3f: {  	_ =	shalt  }
0x40: {  	_ =	shalt  }
0x41: {  	_ =	shalt  }
0x42: {  	_ =	shalt  }
0x43: {  	_ =	shalt  }
0x44: {  	_ =	shalt  }
0x45: {  	_ =	shalt  }
0x46: {  	_ =	shalt  }
0x47: {  	_ =	shalt  }
0x48: {  	_ =	shalt  }
0x49: {  	_ =	shalt  }
0x4a: {  	_ =	shalt  }
0x4b: {  	_ =	shalt  }
0x4c: {  	_ =	shalt  }
0x4d: {  	_ =	shalt  }
0x4e: {  	_ =	shalt  }
0x4f: {  	_ =	shalt  }
0x50: {  	_ =	shalt  }
0x51: {  	_ =	shalt  }
0x52: {  	_ =	shalt  }
0x53: {  	_ =	shalt  }
0x54: {  	_ =	shalt  }
0x55: {  	_ =	shalt  }
0x56: {  	_ =	shalt  }
0x57: {  	_ =	shalt  }
0x58: {  	_ =	shalt  }
0x59: {  	_ =	shalt  }
0x5a: {  	_ =	shalt  }
0x5b: {  	_ =	shalt  }
0x5c: {  	_ =	shalt  }
0x5d: {  	_ =	shalt  }
0x5e: {  	_ =	shalt  }
0x5f: {  	_ =	shalt  }
0x60: {  	_ =	shalt  }
0x61: {  	_ =	shalt  }
0x62: {  	_ =	shalt  }
0x63: {  	_ =	shalt  }
0x64: {  	_ =	shalt  }
0x65: {  	_ =	shalt  }
0x66: {  	_ =	shalt  }
0x67: {  	_ =	shalt  }
0x68: {  	_ =	shalt  }
0x69: {  	_ =	shalt  }
0x6a: {  	_ =	shalt  }
0x6b: {  	_ =	shalt  }
0x6c: {  	_ =	shalt  }
0x6d: {  	_ =	shalt  }
0x6e: {  	_ =	shalt  }
0x6f: {  	_ =	shalt  }
0x70: {  	_ =	shalt  }
0x71: {  	_ =	shalt  }
0x72: {  	_ =	shalt  }
0x73: {  	_ =	shalt  }
0x74: {  	_ =	shalt  }
0x75: {  	_ =	shalt  }
0x76: {  	_ =	shalt  }
0x77: {  	_ =	shalt  }
0x78: {  	_ =	shalt  }
0x79: {  	_ =	shalt  }
0x7a: {  	_ =	shalt  }
0x7b: {  	_ =	shalt  }
0x7c: {  	_ =	shalt  }
0x7d: {  	_ =	shalt  }
0x7e: {  	_ =	shalt  }
0x7f: {  	_ =	shalt  }
0x80: {  	_ =	shalt  }
0x81: {  	_ =	shalt  }
0x82: {  	_ =	shalt  }
0x83: {  	_ =	shalt  }
0x84: {  	_ =	shalt  }
0x85: {  	_ =	shalt  }
0x86: {  	_ =	shalt  }
0x87: {  	_ =	shalt  }
.Lfunc_end0:
.L_simem_size_0:
called_computation.2_lowered:
.L_overlay_start_0:
0x88: {  	s2 =	sld [smem:$0x3FD9]  }
0x89: {  	s3 =	sld [smem:$0x3FFE];
	_ =	sdelay $0x1  }
0x8a: {  	s1 =	srdreg.scid  }
0x8b: {  	s0 =	sand.u32 $0x1, s1  }
0x8c: {  	s15 =	sshll.u32 s0, $0xA;
	s2 =	sadd.s32 s3, s2  }
0x8d: {  	s2 =	sadd.s32 s2, s15  }
0x8e: {  	[smem:$0x3FBC] =	sst s2  }
0x8f: {  	_ = 	snop  }
0x90: {  	s2 =	sld [smem:$0x3FD0];
	_ =	sdelay $0x2  }
0x91: {  	s16 =	simm.s32 $0xB;
	s4 =	simm.s32 $0x10  }
0x92: {  	[smem:s4], [sflag:s16] =	dma.local [hbm:s2], $0x1  }
0x93: {  	_ =	swait.eq [sflag:s16], $0x1  }
0x94: {  	[sflag:s16] =	ssyncset.done $0x0  }
0x95: {  	[sflag:s16] =	ssyncadd.s32 $0xFFFFFFFF  }
0x96: {  	s17 =	sld [smem:$0x10];
	(tm) =	ssettm $0x1  }
0x97: {  	s18 =	sld [smem:$0x3FFB];
	_ =	sdelay $0x3  }
0x98: {  	_ =	strace s18  }
0x99: {  	s2 =	sld [smem:$0x3FFC];
	_ =	sdelay $0x3  }
0x9a: {  	_ =	strace s2  }
0x9b: {  	s2 =	sld [smem:$0x3FFD];
	_ =	sdelay $0x3  }
0x9c: {  	_ =	strace s2  }
0x9d: {  	_ =	strace $0x8FFFFFFF  }
0x9e: {  	s19 =	sld [smem:$0x3FDB];
	_ =	sdelay $0x1  }
0x9f: {  	s20 =	simm.s32 $_scs_section_size  }
0xa0: {  	s5 =	simm.s32 $_size__tile_overlayer_lowered;
	s6 =	simm.s32 $_tile_overlayer_lowered  }
0xa1: {  	s7 =	simm.s32 $0x1BFF;
	s21 =	sshll.u32 s6, $0x1;
	s4 =	sadd.s32 s20, s19  }
0xa2: {  	s22 =	simm.s32 $0x0;
	s5 =	sshll.u32 s5, $0x1;
	s6 =	sadd.s32 s21, s4  }
0xa3: {  	[timem:s22], [sflag:s7] =	dma.local [hbm:s6], s5  }
0xa4: {  	_ =	swait.ge [sflag:s7], s5  }
0xa5: {  	s5 =	ssub.s32 $0x0, s5;
	[sflag:s7] =	ssyncset.done $0x0  }
0xa6: {  	[sflag:s7] =	ssyncadd.s32 s5;
	_ =	sdelay $0x1  }
0xa7: {  	s23 =	simm.s32 $0x1B8B  }
0xa8: {  	_ =	swait.ge [sflag:s23], $0x1  }
0xa9: {  	[sflag:s23] =	ssyncset.done $0x0  }
0xaa: {  	[sflag:s23] =	ssyncadd.s32 $0xFFFFFFFF  }
0xab: {  	s5 =	sld [smem:$0x0]  }
0xac: {  	s6 =	sand.u32 $0xFFFFFFFE, s1  }
0xad: {  	p0 =	sne.s32 s1, s6  }
0xae: {  	s6 =	sshll.u32 @p0 s6, $0xE  }
0xaf: {  	s6 =	sadd.s32 @p0 $0x11B8D, s6;
	s7 =	sshll.u32 @p0 s5, $0x11  }
0xb0: {  	s6 =	sor.u32 @p0 s7, s6  }
0xb1: {  	[sflag:s6] =	ssyncadd.remote.s32 @p0 $0x1;
	_ =	sdelay $0x1  }
0xb2: {  	s6 =	simm.s32 @p0 $0x1B8D  }
0xb3: {  	_ =	swait.eq @p0 [sflag:s6], $0x1  }
0xb4: {  	[sflag:s6] =	ssyncadd.s32 @p0 $0xFFFFFFFF  }
0xb5: {  	s7 =	sshll.u32 @!p0 s1, $0xE  }
0xb6: {  	s7 =	sor.u32 @!p0 $0x4000, s7;
	s6 =	simm.s32 @!p0 $0x1B8D  }
0xb7: {  	s5 =	sshll.u32 @!p0 s5, $0x11;
	s7 =	sadd.s32 @!p0 $0x11B8D, s7;
	_ =	swait.eq @!p0 [sflag:s6], $0x1  }
0xb8: {  	s5 =	sor.u32 @!p0 s5, s7;
	[sflag:s6] =	ssyncadd.s32 @!p0 $0xFFFFFFFF  }
0xb9: {  	s25 =	simm.s32 $0x1B8E;
	s24 =	sld [smem:$0x3FFE];
	[sflag:s5] =	ssyncadd.remote.s32 @!p0 $0x1  }
0xba: {  	s26 =	simm.s32 $execute0_lowered;
	[smem:$0x3FD2] =	sst s25  }
0xbb: {  	s6 =	sshll.u32 s26, $0x1;
	_ =	strace $0x80000049;
	[dreg:$0x1] =	wrdreg $0xFFFFFFFF  }
0xbc: {  	s28 =	simm.s32 $_size_execute0_lowered;
	s4 =	sadd.s32 s4, s6;
	[dreg:$0x0] =	wrdreg $0x0  }
0xbd: {  	s6 =	sshll.u32 s28, $0x1;
	[dreg:$0x2] =	wrdreg s4  }
0xbe: {  	[dreg:$0x3] =	wrdreg s6  }
0xbf: {  	[dreg:$0x4] =	wrdreg $0xC0  }
0xc0: {  	_ =	task [dreg:s22], $0x5FFFF  }
0xc1: {  	[dreg:$0x1] =	wrdreg $0xFFFFFFFF  }
0xc2: {  	[dreg:$0x0] =	wrdreg $0x60  }
0xc3: {  	[dreg:$0x2] =	wrdreg s17  }
0xc4: {  	[dreg:$0x3] =	wrdreg s24  }
0xc5: {  	[dreg:$0x4] =	wrdreg $0x7C000  }
0xc6: {  	[dreg:$0x5] =	wrdreg $0x9  }
0xc7: {  	_ =	task.clear_ibuf [dreg:s22], $0x6FFFF;
	_ =	strace $0x90000049  }
0xc8: {  	s29 =	simm.s32 $0x9;
	_ =	strace $0x8000004B  }
0xc9: {  	_ =	swait.ge [sflag:s29], $0x1  }
0xca: {  	[sflag:s29] =	ssyncadd.s32 $0xFFFFFFFF  }
0xcb: {  	_ =	strace $0x9000004B  }
0xcc: {  	_ =	sfence  }
0xcd: {  	s30 =	sld [smem:$0x0];
	_ =	sdelay $0x2  }
0xce: {  	s31 =	sshll.u32 s1, $0xD;
	s1 =	sshrl.u32 s1, $0x2  }
0xcf: {  	s4 =	sand.u32 $0x4000, s31;
	s1 =	sadd.s32 s1, s30  }
0xd0: {  	s0 =	sor.u32 s4, s0;
	s1 =	sshll.u32 s1, $0x11  }
0xd1: {  	s0 =	sor.u32 s1, s0  }
0xd2: {  	s0 =	sadd.s32 $0x8F2B, s0  }
0xd3: {  	[sflag:s0] =	ssyncadd.remote.s32 $0x1  }
0xd4: {  	_ =	sfence.sel $0xFFFF  }
0xd5: {  	[dreg:$0x0] =	wrdreg $0xFFFFFFFF;
	(pc) =	sbr.abs _section_cstart, $3  }
0xd6: {  	[dreg:$0x1] =	wrdreg $0xFFFFFFFF  }
0xd7: {  	_ =	task.clear_ibuf [dreg:s22], $0x2FFFF;
	_ =	strace $0x9FFFFFFF  }
0xd8: {  	(tm) =	ssettm $0x7FFFFFFF  }
0xd9: {  	_ =	shalt  }
tec
execute0_lowered:
.L_overlay_start_1:
0x0: {  	(tag) =	ssettag $0x1  }
0x1: {  	s4 =	rddreg [dreg:$0x0]  }
0x2: {  	s7 =	rddreg [dreg:$0x1]  }
0x3: {  	s0 =	srdreg.scid;
	s2 =	rddreg [dreg:$0x2]  }
0x4: {  	s1 =	rddreg [dreg:$0x3];
	s3 =	simm.s32 $0x0;
	s5 =	sand.u32 $0x1, s0  }
0x5: {  	s11 =	simm.s32 $0x4000;
	s0 =	stileid.u32;
	s6 =	smul.u32 $0x138800, s5  }
0x6: {  	s12 =	simm.s32 $0x0;
	[smem:$0x7FF] =	sst s3;
	s8 =	smul.u32 $0x1F400, s0  }
0x7: {  	_ =	strace $0x8000004A;
	s28 =	ssub.s32 $0x2, s5;
	s5 =	sshll.u32 s5, $0xB  }
0x8: {  	s29 =	smul.u32 $0x7D000, s0;
	s10 =	sshll.u32 s0, $0xC;
	p0 =	sgt.u32 s0, $0x9  }
.Ltmp0:
0x9: {  	s9 =	sshrl.u32 s28, $0x1;
	s4 =	sadd.s32 s4, s5;
	(pc) =	sbr.rel .LBB2_1-.Ltmp0, $4  }
0xa: {  	s6 =	sadd.s32 s8, s6;
	s30 =	ssub.s32 s28, s9;
	s4 =	sadd.s32 s10, s4  }
0xb: {  	s31 =	sshrl.u32 s29, $0x2;
	s8 =	simm.s32 $0x1;
	s6 =	sshrl.u32 s6, $0x3  }
0xc: {  	s9 =	simm.s32 $0x6800;
	s10 =	simm.s32 $0x50;
	s7 =	sadd.s32 s6, s7  }
0xd: {  	v0 =	vimm.f32 $1.000000000e+00;
	v1 =	vimm.f32 $0.0e+00;
	s5 =	smax.u32 s30, $0x1;
	s6 =	sadd.s32 s31, s2;
	s7 =	sadd.s32 $0x51A600, s7  }
.LBB2_14:
0xe: {  	[sflag:s8] =	ssyncadd.s32 $0xFFFFEC00  }
.LBB2_15:
0xf: {  	s12 =	sadd.s32 $0x1, s12  }
0x10: {  	p1 =	sne.s32 s12, s5  }
.Ltmp1:
0x11: {  	_ = 	snop;
	(pc) =	sbr.rel @!p1 .LBB2_16-.Ltmp1, $1  }
0x12: {  	_ =	sdelay $0x3  }
.LBB2_1:
0x13: {  	[tilespmem:s3], [sflag:$0x1] =	stream.linear.gather [hbm4b:s4+s3], $0x3E80, $0x38;
	[tilespmem:$0x1B480] =	vst v63  }
0x14: {  	_ =	swait.ge [sflag:s8], $0x3E80  }
0x15: {  	[sflag:s8] =	ssyncset.done $0x0  }
0x16: {  	s13 =	simm.s32 $0x0;
	s14 =	simm.s32 $0x200;
	[sflag:s8] =	ssyncadd.s32 $0xFFFFC180  }
.LBB2_2:
0x17: {  	p1 =	sne.s32 s14, $0x9E00;
	[tilespmem:s13+$0x4070] =	vst v0  }
0x18: {  	[tilespmem:s13+$0x4000] =	vst v0  }
0x19: {  	[tilespmem:s13+$0x4010] =	vst v0  }
.Ltmp2:
0x1a: {  	[tilespmem:s13+$0x4020] =	vst v0;
	(pc) =	sbr.rel @p1 .LBB2_2-.Ltmp2, $4  }
0x1b: {  	[tilespmem:s13+$0x4030] =	vst v0  }
0x1c: {  	[tilespmem:s13+$0x4040] =	vst v0  }
0x1d: {  	[tilespmem:s13+$0x4050] =	vst v0  }
0x1e: {  	[tilespmem:s13+$0x4060] =	vst v0;
	s13 =	sshra.s32 s14, $0x2;
	s14 =	sadd.s32 $0x200, s14  }
0x1f: {  	[tilespmem:s13+$0x4070] =	vst v0  }
0x20: {  	[tilespmem:s13+$0x4000] =	vst v0  }
0x21: {  	[tilespmem:s13+$0x4010] =	vst v0  }
0x22: {  	[tilespmem:s13+$0x4020] =	vst v0  }
0x23: {  	[tilespmem:s13+$0x4030] =	vst v0  }
0x24: {  	[tilespmem:s13+$0x4040] =	vst v0  }
0x25: {  	[tilespmem:s13+$0x4050] =	vst v0  }
0x26: {  	[tilespmem:s13+$0x4060] =	vst v0;
	s13 =	simm.s32 $0x0;
	s14 =	simm.s32 $0x200  }
.LBB2_4:
0x27: {  	p1 =	sne.s32 s14, $0x4E00;
	[tilespmem:s13+$0x6870] =	vst v1  }
0x28: {  	[tilespmem:s13+$0x6800] =	vst v1  }
0x29: {  	[tilespmem:s13+$0x6810] =	vst v1  }
.Ltmp3:
0x2a: {  	[tilespmem:s13+$0x6820] =	vst v1;
	(pc) =	sbr.rel @p1 .LBB2_4-.Ltmp3, $4  }
0x2b: {  	[tilespmem:s13+$0x6830] =	vst v1  }
0x2c: {  	[tilespmem:s13+$0x6840] =	vst v1  }
0x2d: {  	[tilespmem:s13+$0x6850] =	vst v1  }
0x2e: {  	[tilespmem:s13+$0x6860] =	vst v1;
	s13 =	sshra.s32 s14, $0x2;
	s14 =	sadd.s32 $0x200, s14  }
0x2f: {  	[tilespmem:s13+$0x6870] =	vst v1  }
0x30: {  	[tilespmem:s13+$0x6800] =	vst v1  }
0x31: {  	[tilespmem:s13+$0x6810] =	vst v1  }
.Ltmp4:
0x32: {  	[tilespmem:s13+$0x6820] =	vst v1;
	(pc) =	sbr.rel @p0 .LBB2_9-.Ltmp4, $4  }
0x33: {  	[tilespmem:s13+$0x6830] =	vst v1  }
0x34: {  	[tilespmem:s13+$0x6840] =	vst v1  }
0x35: {  	[tilespmem:s13+$0x6850] =	vst v1  }
0x36: {  	[tilespmem:s13+$0x6860] =	vst v1;
	s13 =	simm.s32 $0x0  }
0x37: {  	s14 =	sshra.s32 s13, $0x2  }
0x38: {  	s14 =	sadd.s32 s14, s6  }
0x39: {  	[spmem:s14] =	stream.linear.scatter [tilespmem:s9], [sflag:$0x1], $0x1400, $0x38;
	[tilespmem:$0x1B480] =	vst v63  }
0x3a: {  	s13 =	sadd.s32 $0x5000, s13;
	_ =	swait.ge [sflag:s8], $0x1400  }
.LBB2_7:
0x3b: {  	s14 =	sshra.s32 s13, $0x2;
	[sflag:s8] =	ssyncset.done $0x0;
	p1 =	sne.s32 s13, $0x78000  }
.Ltmp5:
0x3c: {  	s14 =	sadd.s32 s14, s6;
	[sflag:s8] =	ssyncadd.s32 $0xFFFFEC00;
	(pc) =	sbr.rel @p1 .LBB2_7-.Ltmp5, $3  }
0x3d: {  	[spmem:s14] =	stream.linear.scatter [tilespmem:s9], [sflag:$0x1], $0x1400, $0x38;
	[tilespmem:$0x1B480] =	vst v63  }
0x3e: {  	s13 =	sadd.s32 $0x5000, s13;
	_ =	sdelay $0x1  }
0x3f: {  	_ =	swait.ge [sflag:s8], $0x1400  }
0x40: {  	[sflag:s8] =	ssyncset.done $0x0  }
0x41: {  	[sflag:s8] =	ssyncadd.s32 $0xFFFFEC00  }
.LBB2_9:
0x42: {  	[bflag:$0x0] =	sbarrier.arrive $0xFFFF;
	s13 =	simm.s32 $0x0  }
0x43: {  	[spmem:s2] =	stream.indirect.scatter.add.f32 [tilespmem:s11], [sflag:$0x1], $0x80, s13, s10, $0xb8;
	[tilespmem:$0x1B480] =	vst v63  }
0x44: {  	_ =	swait.ge [sflag:s8], $0x2800  }
0x45: {  	s13 =	simm.s32 $0x200;
	[sflag:s8] =	ssyncset.done $0x0  }
.LBB2_10:
0x46: {  	s14 =	sshra.s32 s13, $0x2;
	[sflag:s8] =	ssyncadd.s32 $0xFFFFD800;
	p1 =	sne.s32 s13, $0xF800  }
0x47: {  	[spmem:s2] =	stream.indirect.scatter.add.f32 [tilespmem:s11], [sflag:$0x1], $0x80, s14, s10, $0xb8;
	[tilespmem:$0x1B480] =	vst v63  }
.Ltmp6:
0x48: {  	_ = 	snop;
	(pc) =	sbr.rel @p1 .LBB2_10-.Ltmp6, $4  }
0x49: {  	_ = 	snop  }
0x4a: {  	s13 =	sadd.s32 $0x200, s13  }
0x4b: {  	_ =	swait.ge [sflag:s8], $0x2800  }
0x4c: {  	[sflag:s8] =	ssyncset.done $0x0  }
.Ltmp7:
0x4d: {  	(pc) =	sbr.rel @p0 .LBB2_15-.Ltmp7, $3  }
0x4e: {  	_ = 	snop  }
0x4f: {  	[sflag:s8] =	ssyncadd.s32 $0xFFFFD800  }
0x50: {  	[bflag:$0x0] =	sbarrier.arrive $0xFFFF;
	_ =	sdelay $0x1  }
0x51: {  	[tilespmem:s9], [sflag:$0x1] =	stream.linear.gather [spmem:s6], $0x1400, $0x38;
	[tilespmem:$0x1B480] =	vst v63  }
0x52: {  	_ =	swait.ge [sflag:s8], $0x1400  }
0x53: {  	[sflag:s8] =	ssyncset.done $0x0  }
0x54: {  	s13 =	sadd.s32 $0x0, s7;
	[sflag:s8] =	ssyncadd.s32 $0xFFFFEC00  }
0x55: {  	[hbm4b:s13+s3] =	stream.linear.scatter [tilespmem:s9], [sflag:$0x1], $0x1400, $0x38;
	[tilespmem:$0x1B480] =	vst v63  }
0x56: {  	_ =	swait.ge [sflag:s8], $0x1400  }
0x57: {  	s14 =	smov.u32 s6;
	s13 =	simm.s32 $0x280;
	[sflag:s8] =	ssyncset.done $0x0  }
.LBB2_13:
0x58: {  	p1 =	sne.s32 s13, $0x3C00;
	[sflag:s8] =	ssyncadd.s32 $0xFFFFEC00;
	s14 =	sadd.s32 $0x1400, s14  }
0x59: {  	[tilespmem:s9], [sflag:$0x1] =	stream.linear.gather [spmem:s14], $0x1400, $0x38;
	[tilespmem:$0x1B480] =	vst v63  }
0x5a: {  	s15 =	smov.u32 s13;
	s13 =	sadd.s32 $0x280, s13;
	_ =	swait.ge [sflag:s8], $0x1400  }
.Ltmp8:
0x5b: {  	[sflag:s8] =	ssyncset.done $0x0;
	(pc) =	sbr.rel @p1 .LBB2_13-.Ltmp8, $4  }
0x5c: {  	s15 =	sadd.s32 s15, s7;
	[sflag:s8] =	ssyncadd.s32 $0xFFFFEC00  }
0x5d: {  	[hbm4b:s15+s3] =	stream.linear.scatter [tilespmem:s9], [sflag:$0x1], $0x1400, $0x38;
	[tilespmem:$0x1B480] =	vst v63  }
0x5e: {  	_ =	swait.ge [sflag:s8], $0x1400  }
0x5f: {  	[sflag:s8] =	ssyncset.done $0x0  }
.Ltmp9:
0x60: {  	_ = 	snop;
	(pc) =	sbr.rel .LBB2_14-.Ltmp9, $1  }
0x61: {  	_ =	sdelay $0x3  }
.LBB2_16:
0x62: {  	_ =	sfence.sel $0x180000  }
0x63: {  	[bflag:$0x0] =	sbarrier.arrive $0xFFFF  }
0x64: {  	p0 =	sne.s32 s0, $0x0;
	_ =	strace $0x9000004A  }
0x65: {  	s0 =	sadd.s32 @!p0 $0x100000, s1;
	[bflag:$0x2] =	sbarrier.arrive $0xFFFF  }
0x66: {  	[sflag:s0] =	ssyncadd.tile.s32 @!p0 $0x1;
	_ =	shalt  }
.Lfunc_end2:
_tile_overlayer_lowered:
.L_overlay_start_2:
0x67: {  	(tag) =	ssettag $0x2  }
0x68: {  	s0 =	rddreg [dreg:$0x0];
	s2 =	stileid.u32  }
0x69: {  	s1 =	rddreg [dreg:$0x1];
	p0 =	sne.s32 s2, $0x0  }
0x6a: {  	s3 =	rddreg [dreg:$0x2];
	[bflag:$0x3] =	sbarrier.arrive $0xFFFF;
	s2 =	simm.s32 @!p0 $0x1C01  }
0x6b: {  	[timem:s3], [sflag:s2] =	dma.local @!p0 [hbm:s0], s1  }
0x6c: {  	s0 =	simm.s32 @!p0 $0x1  }
0x6d: {  	_ =	swait.ge @!p0 [sflag:s0], s1  }
0x6e: {  	s1 =	ssub.s32 @!p0 $0x0, s1;
	[sflag:s0] =	ssyncset.done @!p0 $0x0  }
0x6f: {  	[sflag:s0] =	ssyncadd.s32 @!p0 s1  }
0x70: {  	[bflag:$0x3] =	sbarrier.arrive $0xFFFF  }
0x71: {  	_ =	shalt  }

// kernel: kernel.8.cloned.1.call-start
scs
__scs_entry_jumppad:
0x0: {  	(pc) =	sbr.rel $0x88, $3  }
0x1: {  	(tag) =	ssettag $0x0;
	lr =	simm.s32 $0x1  }
0x2: {  	[smem:$0x3F95] =	sst lr;
	_ =	strace $0xD0000000  }
0x3: {  	_ = 	snop  }
0x4: {  	_ = 	snop  }
0x5: {  	_ = 	snop  }
0x6: {  	_ = 	snop  }
0x7: {  	_ = 	snop  }
__scs_overlays_trampoline_lowered:
0x8: {  	[smem:$0x3FA4] =	sst s0  }
0x9: {  	[smem:$0x3FA5] =	sst s1  }
0xa: {  	[smem:$0x3FA6] =	sst s2  }
0xb: {  	[smem:$0x3FA7] =	sst s3  }
0xc: {  	[smem:$0x3FA8] =	sst s4  }
0xd: {  	[smem:$0x3FA9] =	sst s5  }
0xe: {  	[smem:$0x3FAA] =	sst s6  }
0xf: {  	[smem:$0x3FAB] =	sst s7  }
0x10: {  	[smem:$0x3FAC] =	sst s8  }
0x11: {  	[smem:$0x3FAD] =	sst s9;
	s0 =	simm.s32 @!p0 $0x0  }
0x12: {  	s1 =	sld [smem:$0x3F93];
	s0 =	simm.s32 @p0 $0x1  }
0x13: {  	[smem:$0x3FAE] =	sst s0;
	s0 =	simm.s32 @!p1 $0x0  }
0x14: {  	s2 =	sld [smem:$0x3F92];
	s0 =	simm.s32 @p1 $0x1  }
0x15: {  	[smem:$0x3FAF] =	sst s0;
	s0 =	simm.s32 @!p2 $0x0  }
0x16: {  	s3 =	sld [smem:$0x3FDB];
	s0 =	simm.s32 @p2 $0x1  }
0x17: {  	s4 =	simm.s32 $0x1BF5;
	[smem:$0x3FB1] =	sst s0  }
0x18: {  	s0 =	sld [smem:$0x3F94];
	_ =	swait.ge [sflag:s4], $0x0  }
0x19: {  	s7 =	sld [smem:$0x3F95]  }
0x1a: {  	s8 =	sadd.s32 $0xFFFFE003, lr  }
0x1b: {  	s9 =	sadd.s32 $0xFFFFFEF7, lr;
	s5 =	simm.s32 $0xFFFFFFFF;
	p2 =	slt.u32 s8, $0xFFFFF086  }
0x1c: {  	p1 =	slt.u32 s9, $0xF7A;
	s5 =	simm.s32 @!p2 $0x0  }
0x1d: {  	s5 =	simm.s32 @p1 $0x1;
	p0 =	seq.s32 s7, s2  }
0x1e: {  	s7 =	smul.u32 @!p0 $0xF7A, s2;
	p2 =	seq.s32 @!p0 s5, $0x0  }
0x1f: {  	s9 =	smul.u32 $0xF7A, s1;
	s8 =	simm.s32 @!p0 $0x1BF5;
	p2 =	por !p2, p0  }
0x20: {  	[sflag:s8] =	ssyncset.s32 @!p0 $0xFFFFF086;
	s6 =	sadd.s32 @!p0 s3, s7;
	s7 =	simm.s32 @!p0 $0x108  }
0x21: {  	s3 =	sadd.s32 s3, s9;
	s6 =	sadd.s32 @!p0 $0x88, s6;
	s7 =	simm.s32 @p2 $0x1082  }
0x22: {  	[simem:s7], [sflag:s8] =	dma.local @!p0 [hbm:s6], $0xF7A  }
0x23: {  	s9 =	sor.u32 $0xD0000000, s2;
	s6 =	simm.s32 $0x108;
	_ =	swait.ge @!p0 [sflag:s8], $0x0  }
0x24: {  	s3 =	sadd.s32 $0x88, s3;
	s6 =	simm.s32 @!p1 $0x1082;
	[sflag:s4] =	ssyncset.s32 $0xFFFFF086  }
0x25: {  	[simem:s6], [sflag:s4] =	dma.local [hbm:s3], $0xF7A  }
0x26: {  	[smem:$0x3F95] =	sst s1;
	(tag) =	ssettag s2;
	_ =	strace s9  }
0x27: {  	s1 =	sld [smem:$0x3FA5]  }
0x28: {  	s2 =	sld [smem:$0x3FA6]  }
0x29: {  	s4 =	sld [smem:$0x3FA8]  }
0x2a: {  	p0 =	seq.s32 s5, $0x0;
	s5 =	sld [smem:$0x3FA9]  }
0x2b: {  	s6 =	sld [smem:$0x3FAA]  }
0x2c: {  	s7 =	sld [smem:$0x3FAB]  }
0x2d: {  	s3 =	simm.s32 $0x108;
	s8 =	sld [smem:$0x3FAC]  }
0x2e: {  	s3 =	simm.s32 @!p0 $0x1082;
	s9 =	sld [smem:$0x3FAD]  }
0x2f: {  	lr =	sadd.s32 s0, s3;
	s0 =	sld [smem:$0x3FA4]  }
0x30: {  	s3 =	sld [smem:$0x3FA7]  }
0x31: {  	[smem:$0x3FB0] =	sst s10  }
0x32: {  	s10 =	sld [smem:$0x3FAE];
	_ =	sdelay $0x3  }
0x33: {  	p0 =	seq.s32 s10, $0x1;
	s10 =	sld [smem:$0x3FB0];
	_ =	sdelay $0x3  }
0x34: {  	[smem:$0x3FB0] =	sst s10  }
0x35: {  	s10 =	sld [smem:$0x3FAF];
	_ =	sdelay $0x3  }
0x36: {  	p1 =	seq.s32 s10, $0x1;
	s10 =	sld [smem:$0x3FB0];
	_ =	sdelay $0x3  }
0x37: {  	[smem:$0x3FB0] =	sst s10  }
0x38: {  	s10 =	sld [smem:$0x3FB1]  }
0x39: {  	_ = 	snop;
	(pc) =	sbr.ind lr, $3  }
0x3a: {  	_ = 	snop  }
0x3b: {  	_ = 	snop  }
0x3c: {  	p2 =	seq.s32 s10, $0x1;
	s10 =	sld [smem:$0x3FB0]  }
0x3d: {  	_ =	shalt  }
0x3e: {  	_ =	shalt  }
0x3f: {  	_ =	shalt  }
0x40: {  	_ =	shalt  }
0x41: {  	_ =	shalt  }
0x42: {  	_ =	shalt  }
0x43: {  	_ =	shalt  }
0x44: {  	_ =	shalt  }
0x45: {  	_ =	shalt  }
0x46: {  	_ =	shalt  }
0x47: {  	_ =	shalt  }
0x48: {  	_ =	shalt  }
0x49: {  	_ =	shalt  }
0x4a: {  	_ =	shalt  }
0x4b: {  	_ =	shalt  }
0x4c: {  	_ =	shalt  }
0x4d: {  	_ =	shalt  }
0x4e: {  	_ =	shalt  }
0x4f: {  	_ =	shalt  }
0x50: {  	_ =	shalt  }
0x51: {  	_ =	shalt  }
0x52: {  	_ =	shalt  }
0x53: {  	_ =	shalt  }
0x54: {  	_ =	shalt  }
0x55: {  	_ =	shalt  }
0x56: {  	_ =	shalt  }
0x57: {  	_ =	shalt  }
0x58: {  	_ =	shalt  }
0x59: {  	_ =	shalt  }
0x5a: {  	_ =	shalt  }
0x5b: {  	_ =	shalt  }
0x5c: {  	_ =	shalt  }
0x5d: {  	_ =	shalt  }
0x5e: {  	_ =	shalt  }
0x5f: {  	_ =	shalt  }
0x60: {  	_ =	shalt  }
0x61: {  	_ =	shalt  }
0x62: {  	_ =	shalt  }
0x63: {  	_ =	shalt  }
0x64: {  	_ =	shalt  }
0x65: {  	_ =	shalt  }
0x66: {  	_ =	shalt  }
0x67: {  	_ =	shalt  }
0x68: {  	_ =	shalt  }
0x69: {  	_ =	shalt  }
0x6a: {  	_ =	shalt  }
0x6b: {  	_ =	shalt  }
0x6c: {  	_ =	shalt  }
0x6d: {  	_ =	shalt  }
0x6e: {  	_ =	shalt  }
0x6f: {  	_ =	shalt  }
0x70: {  	_ =	shalt  }
0x71: {  	_ =	shalt  }
0x72: {  	_ =	shalt  }
0x73: {  	_ =	shalt  }
0x74: {  	_ =	shalt  }
0x75: {  	_ =	shalt  }
0x76: {  	_ =	shalt  }
0x77: {  	_ =	shalt  }
0x78: {  	_ =	shalt  }
0x79: {  	_ =	shalt  }
0x7a: {  	_ =	shalt  }
0x7b: {  	_ =	shalt  }
0x7c: {  	_ =	shalt  }
0x7d: {  	_ =	shalt  }
0x7e: {  	_ =	shalt  }
0x7f: {  	_ =	shalt  }
0x80: {  	_ =	shalt  }
0x81: {  	_ =	shalt  }
0x82: {  	_ =	shalt  }
0x83: {  	_ =	shalt  }
0x84: {  	_ =	shalt  }
0x85: {  	_ =	shalt  }
0x86: {  	_ =	shalt  }
0x87: {  	_ =	shalt  }
.Lfunc_end0:
.L_simem_size_0:
called_computation_lowered:
.L_overlay_start_0:
0x88: {  	s2 =	sld [smem:$0x3FD9]  }
0x89: {  	s3 =	sld [smem:$0x3FFE];
	_ =	sdelay $0x1  }
0x8a: {  	s1 =	srdreg.scid  }
0x8b: {  	s0 =	sand.u32 $0x1, s1  }
0x8c: {  	s14 =	sshll.u32 s0, $0xA;
	s2 =	sadd.s32 s3, s2  }
0x8d: {  	s2 =	sadd.s32 s2, s14  }
0x8e: {  	[smem:$0x3FBC] =	sst s2  }
0x8f: {  	_ = 	snop  }
0x90: {  	s2 =	sld [smem:$0x3FD0];
	_ =	sdelay $0x2  }
0x91: {  	s15 =	simm.s32 $0xB;
	s4 =	simm.s32 $0x10  }
0x92: {  	[smem:s4], [sflag:s15] =	dma.local [hbm:s2], $0x1  }
0x93: {  	_ =	swait.eq [sflag:s15], $0x1  }
0x94: {  	[sflag:s15] =	ssyncset.done $0x0  }
0x95: {  	[sflag:s15] =	ssyncadd.s32 $0xFFFFFFFF  }
0x96: {  	s16 =	sld [smem:$0x11];
	(tm) =	ssettm $0x1  }
0x97: {  	s17 =	sld [smem:$0x3FFB];
	_ =	sdelay $0x3  }
0x98: {  	_ =	strace s17  }
0x99: {  	s3 =	sld [smem:$0x3FFC];
	_ =	sdelay $0x3  }
0x9a: {  	_ =	strace s3  }
0x9b: {  	s3 =	sld [smem:$0x3FFD];
	_ =	sdelay $0x3  }
0x9c: {  	_ =	strace s3  }
0x9d: {  	_ =	strace $0x8FFFFFFF  }
0x9e: {  	s18 =	sld [smem:$0x3FDB];
	_ =	sdelay $0x1  }
0x9f: {  	s19 =	simm.s32 $_scs_section_size  }
0xa0: {  	s5 =	simm.s32 $_size__tile_overlayer_lowered;
	s6 =	simm.s32 $_tile_overlayer_lowered  }
0xa1: {  	s22 =	simm.s32 $0x1BFF;
	s21 =	sshll.u32 s6, $0x1;
	s3 =	sadd.s32 s19, s18  }
0xa2: {  	s7 =	simm.s32 $0x0;
	s20 =	sshll.u32 s5, $0x1;
	s5 =	sadd.s32 s21, s3  }
0xa3: {  	[timem:s7], [sflag:s22] =	dma.local [hbm:s5], s20  }
0xa4: {  	_ =	swait.ge [sflag:s22], s20  }
0xa5: {  	s4 =	ssub.s32 $0x0, s20;
	[sflag:s22] =	ssyncset.done $0x0  }
0xa6: {  	[sflag:s22] =	ssyncadd.s32 s4;
	_ =	sdelay $0x1  }
0xa7: {  	s23 =	simm.s32 $0x1B8B  }
0xa8: {  	_ =	swait.ge [sflag:s23], $0x1  }
0xa9: {  	[sflag:s23] =	ssyncset.done $0x0  }
0xaa: {  	s25 =	simm.s32 $0x1B8E;
	s24 =	sld [smem:$0x3FFE];
	[sflag:s23] =	ssyncadd.s32 $0xFFFFFFFF  }
0xab: {  	s26 =	simm.s32 $execute0_lowered;
	[smem:$0x3FD2] =	sst s25  }
0xac: {  	s5 =	sshll.u32 s26, $0x1;
	_ =	strace $0x80000046;
	[dreg:$0x1] =	wrdreg $0xFFFFFFFF  }
0xad: {  	s28 =	simm.s32 $_size_execute0_lowered;
	s3 =	sadd.s32 s3, s5;
	[dreg:$0x0] =	wrdreg $0x0  }
0xae: {  	s5 =	sshll.u32 s28, $0x1;
	[dreg:$0x2] =	wrdreg s3  }
0xaf: {  	[dreg:$0x3] =	wrdreg s5  }
0xb0: {  	[dreg:$0x4] =	wrdreg $0xC0  }
0xb1: {  	_ =	task [dreg:s7], $0x5FFFF  }
0xb2: {  	[dreg:$0x1] =	wrdreg $0xFFFFFFFF  }
0xb3: {  	[dreg:$0x0] =	wrdreg $0x60  }
0xb4: {  	[dreg:$0x2] =	wrdreg s24  }
0xb5: {  	[dreg:$0x3] =	wrdreg s16  }
0xb6: {  	[dreg:$0x4] =	wrdreg $0xA  }
0xb7: {  	_ =	task.clear_ibuf [dreg:s7], $0x5FFFF;
	_ =	strace $0x90000046  }
0xb8: {  	s29 =	simm.s32 $0xA;
	_ =	strace $0x80000048  }
0xb9: {  	_ =	swait.ge [sflag:s29], $0x1  }
0xba: {  	[sflag:s29] =	ssyncadd.s32 $0xFFFFFFFF  }
0xbb: {  	_ =	strace $0x90000048  }
0xbc: {  	_ =	sfence  }
0xbd: {  	s30 =	sld [smem:$0x0];
	_ =	sdelay $0x2  }
0xbe: {  	s31 =	sshll.u32 s1, $0xD;
	s1 =	sshrl.u32 s1, $0x2  }
0xbf: {  	s3 =	sand.u32 $0x4000, s31;
	s1 =	sadd.s32 s1, s30  }
0xc0: {  	s0 =	sor.u32 s3, s0;
	s1 =	sshll.u32 s1, $0x11  }
0xc1: {  	s0 =	sor.u32 s1, s0  }
0xc2: {  	s0 =	sadd.s32 $0x8F2B, s0  }
0xc3: {  	[sflag:s0] =	ssyncadd.remote.s32 $0x1  }
0xc4: {  	_ =	sfence.sel $0xFFFF  }
0xc5: {  	[dreg:$0x0] =	wrdreg $0xFFFFFFFF;
	(pc) =	sbr.abs _section_cstart, $3  }
0xc6: {  	[dreg:$0x1] =	wrdreg $0xFFFFFFFF  }
0xc7: {  	_ =	task.clear_ibuf [dreg:s7], $0x2FFFF;
	_ =	strace $0x9FFFFFFF  }
0xc8: {  	(tm) =	ssettm $0x7FFFFFFF  }
0xc9: {  	_ =	shalt  }
tec
execute0_lowered:
.L_overlay_start_1:
0x0: {  	(tag) =	ssettag $0x1  }
0x1: {  	s6 =	rddreg [dreg:$0x0];
	s1 =	srdreg.scid  }
0x2: {  	s0 =	stileid.u32;
	s7 =	rddreg [dreg:$0x1]  }
0x3: {  	s2 =	simm.s32 $0x0;
	s12 =	simm.s32 $0x50;
	s13 =	simm.s32 $0x4F00  }
0x4: {  	s14 =	simm.s32 $0x7700;
	s15 =	simm.s32 $0xC700;
	s16 =	simm.s32 $0xEF00  }
0x5: {  	s17 =	simm.s32 $0x1;
	s18 =	simm.s32 $0x2;
	s19 =	simm.s32 $0x9F00  }
0x6: {  	s20 =	simm.s32 $0x3;
	s21 =	simm.s32 $0x4;
	s22 =	simm.s32 $0x11700  }
0x7: {  	s5 =	sand.u32 $0x1, s1;
	s3 =	sshll.u32 s0, $0x1;
	s1 =	rddreg [dreg:$0x2]  }
0x8: {  	s23 =	simm.s32 $0x0;
	[smem:$0x7FF] =	sst s2;
	s4 =	sor.u32 s5, s3  }
0x9: {  	_ =	strace $0x80000047;
	s10 =	ssub.s32 $0x2, s5;
	s3 =	smul.u32 $0x2710, s4  }
0xa: {  	s5 =	sadd.s32 $0x38600, s6;
	s8 =	smul.u32 $0x138800, s4;
	s11 =	sshrl.u32 s10, $0x1  }
0xb: {  	s4 =	sadd.s32 $0x11400, s6;
	s10 =	ssub.s32 s10, s11;
	s9 =	sshrl.u32 s3, $0x3  }
0xc: {  	s11 =	simm.s32 $0x2780;
	s8 =	sshrl.u32 s8, $0x3;
	s6 =	sadd.s32 s9, s6  }
0xd: {  	s8 =	sadd.s32 s5, s8;
	s7 =	sadd.s32 s7, s9;
	s9 =	smax.u32 s10, $0x1  }
0xe: {  	s10 =	simm.s32 $0x5;
	s6 =	sadd.s32 $0x7600, s6;
	s8 =	sadd.s32 $0x26C00, s8  }
.LBB2_1:
0xf: {  	[tilespmem:s2], [sflag:$0x5] =	stream.linear.gather [hbm4b:s6+s2], $0x2710, $0x38;
	[tilespmem:$0x13F00] =	vst v63  }
0x10: {  	_ =	swait.ge [sflag:s10], $0x2710  }
0x11: {  	[sflag:s10] =	ssyncset.done $0x0  }
0x12: {  	[sflag:s10] =	ssyncadd.s32 $0xFFFFD8F0  }
0x13: {  	[tilespmem:s11], [sflag:$0x5] =	stream.linear.gather [hbm4b:s7+s2], $0x2710, $0x38;
	[tilespmem:$0x13F00] =	vst v63  }
0x14: {  	_ =	swait.ge [sflag:s10], $0x2710  }
0x15: {  	[sflag:s10] =	ssyncset.done $0x0  }
0x16: {  	[sflag:s10] =	ssyncadd.s32 $0xFFFFD8F0  }
0x17: {  	[tilespmem:s13], [sflag:$0x1] =	stream.indirect.gather [hbm4b:s4+s12], $0x80, s2, s12, $0xb8;
	[tilespmem:$0x13F00] =	vst v63  }
0x18: {  	s24 =	simm.s32 $0x0  }
0x19: {  	[tilespmem:s14], [sflag:$0x2] =	stream.indirect.gather [hbm4b:s4+s12], $0x80, s11, s12, $0xb8;
	[tilespmem:$0x13F00] =	vst v63  }
.LBB2_2:
0x1a: {  	s26 =	smul.u32 $0xA0, s24;
	_ =	sdelay $0x1  }
0x1b: {  	s25 =	sadd.s32 $0x50, s26  }
0x1c: {  	[tilespmem:s15], [sflag:$0x3] =	stream.indirect.gather [hbm4b:s4+s12], $0x80, s25, s12, $0xb8;
	[tilespmem:$0x13F00] =	vst v63  }
0x1d: {  	s28 =	sadd.s32 $0x27D0, s26  }
0x1e: {  	[tilespmem:s16], [sflag:$0x4] =	stream.indirect.gather [hbm4b:s4+s12], $0x80, s28, s12, $0xb8;
	[tilespmem:$0x13F00] =	vst v63  }
0x1f: {  	_ =	swait.ge [sflag:s17], $0x2800  }
0x20: {  	[sflag:s17] =	ssyncset.done $0x0  }
0x21: {  	[sflag:s17] =	ssyncadd.s32 $0xFFFFD800  }
0x22: {  	_ =	swait.ge [sflag:s18], $0x2800  }
0x23: {  	[sflag:s18] =	ssyncset.done $0x0  }
0x24: {  	s28 =	simm.s32 $0x0;
	[sflag:s18] =	ssyncadd.s32 $0xFFFFD800  }
0x25: {  	v0 =	vld [tilespmem:s28+$0x4F70]  }
0x26: {  	v1 =	vld [tilespmem:s28+$0x7770]  }
0x27: {  	v2 =	vld [tilespmem:s28+$0x4F00]  }
0x28: {  	v3 =	vld [tilespmem:s28+$0x7700]  }
0x29: {  	v4 =	vld [tilespmem:s28+$0x4F10]  }
0x2a: {  	v5 =	vld [tilespmem:s28+$0x7710]  }
0x2b: {  	v6 =	vld [tilespmem:s28+$0x4F20]  }
0x2c: {  	v7 =	vld [tilespmem:s28+$0x4F30]  }
0x2d: {  	v0 =	vmul.f32 v1, v0;
	v1 =	vld [tilespmem:s28+$0x7720]  }
0x2e: {  	v8 =	vld [tilespmem:s28+$0x7730]  }
0x2f: {  	v9 =	vld [tilespmem:s28+$0x7740];
	v2 =	vmul.f32 v3, v2  }
0x30: {  	[tilespmem:s28+$0x9F70] =	vst v0;
	v0 =	vmul.f32 v5, v4;
	v5 =	vld [tilespmem:s28+$0x4F40]  }
0x31: {  	v3 =	vld [tilespmem:s28+$0x7750];
	[tilespmem:s28+$0x9F00] =	vst v2  }
0x32: {  	v2 =	vld [tilespmem:s28+$0x4F50];
	[tilespmem:s28+$0x9F10] =	vst v0;
	v0 =	vmul.f32 v1, v6  }
0x33: {  	v4 =	vld [tilespmem:s28+$0x7760];
	v6 =	vmul.f32 v8, v7  }
0x34: {  	s29 =	simm.s32 $0x80;
	[tilespmem:s28+$0x9F20] =	vst v0;
	v0 =	vld [tilespmem:s28+$0x4F60]  }
0x35: {  	s30 =	simm.s32 $0x400;
	v5 =	vmul.f32 v9, v5;
	v1 =	vld [tilespmem:s29+$0x4F70];
	[tilespmem:s28+$0x9F30] =	vst v6  }
.LBB2_3:
0x36: {  	p0 =	sne.s32 s30, $0x9E00;
	v6 =	vld [tilespmem:s29+$0x7770]  }
0x37: {  	v7 =	vld [tilespmem:s29+$0x4F00];
	[tilespmem:s28+$0x9F40] =	vst v5;
	v2 =	vmul.f32 v3, v2  }
0x38: {  	v3 =	vld [tilespmem:s29+$0x7700]  }
0x39: {  	v5 =	vld [tilespmem:s29+$0x4F10];
	[tilespmem:s28+$0x9F50] =	vst v2;
	v0 =	vmul.f32 v4, v0  }
0x3a: {  	v2 =	vld [tilespmem:s29+$0x7710]  }
0x3b: {  	v4 =	vld [tilespmem:s29+$0x4F20];
	v1 =	vmul.f32 v6, v1;
	[tilespmem:s28+$0x9F60] =	vst v0;
	s28 =	smov.u32 s29  }
0x3c: {  	v0 =	vld [tilespmem:s28+$0x7720]  }
0x3d: {  	v3 =	vmul.f32 v3, v7;
	v6 =	vld [tilespmem:s28+$0x4F30];
	[tilespmem:s28+$0x9F70] =	vst v1  }
0x3e: {  	v1 =	vld [tilespmem:s28+$0x7730]  }
0x3f: {  	[tilespmem:s28+$0x9F00] =	vst v3;
	v2 =	vmul.f32 v2, v5;
	v5 =	vld [tilespmem:s28+$0x4F40]  }
0x40: {  	v7 =	vld [tilespmem:s28+$0x7740]  }
.Ltmp0:
0x41: {  	[tilespmem:s28+$0x9F10] =	vst v2;
	v0 =	vmul.f32 v0, v4;
	v2 =	vld [tilespmem:s28+$0x4F50];
	(pc) =	sbr.rel @p0 .LBB2_3-.Ltmp0, $4  }
0x42: {  	v3 =	vld [tilespmem:s28+$0x7750]  }
0x43: {  	[tilespmem:s28+$0x9F20] =	vst v0;
	v6 =	vmul.f32 v1, v6;
	v0 =	vld [tilespmem:s28+$0x4F60]  }
0x44: {  	s29 =	sshra.s32 s30, $0x2;
	v4 =	vld [tilespmem:s28+$0x7760]  }
0x45: {  	s30 =	sadd.s32 $0x200, s30;
	v1 =	vld [tilespmem:s29+$0x4F70];
	[tilespmem:s28+$0x9F30] =	vst v6;
	v5 =	vmul.f32 v7, v5  }
0x46: {  	v6 =	vld [tilespmem:s29+$0x7770]  }
0x47: {  	v7 =	vld [tilespmem:s29+$0x4F00];
	[tilespmem:s28+$0x9F40] =	vst v5;
	v2 =	vmul.f32 v3, v2  }
0x48: {  	v3 =	vld [tilespmem:s29+$0x7700]  }
0x49: {  	v5 =	vld [tilespmem:s29+$0x4F10];
	[tilespmem:s28+$0x9F50] =	vst v2;
	v0 =	vmul.f32 v4, v0  }
0x4a: {  	v2 =	vld [tilespmem:s29+$0x7710]  }
0x4b: {  	v4 =	vld [tilespmem:s29+$0x4F20];
	[tilespmem:s28+$0x9F60] =	vst v0  }
0x4c: {  	v0 =	vmul.f32 v6, v1;
	v1 =	vld [tilespmem:s29+$0x7720]  }
0x4d: {  	v6 =	vld [tilespmem:s29+$0x4F30]  }
0x4e: {  	v3 =	vmul.f32 v3, v7;
	[tilespmem:s29+$0x9F70] =	vst v0;
	v0 =	vld [tilespmem:s29+$0x7730]  }
0x4f: {  	v7 =	vld [tilespmem:s29+$0x7760]  }
0x50: {  	[tilespmem:s29+$0x9F00] =	vst v3;
	v2 =	vmul.f32 v2, v5;
	v3 =	vld [tilespmem:s29+$0x4F40]  }
0x51: {  	v5 =	vld [tilespmem:s29+$0x7740]  }
0x52: {  	[tilespmem:s29+$0x9F10] =	vst v2;
	v1 =	vmul.f32 v1, v4;
	v2 =	vld [tilespmem:s29+$0x4F50]  }
0x53: {  	v4 =	vld [tilespmem:s29+$0x7750]  }
0x54: {  	[tilespmem:s29+$0x9F20] =	vst v1;
	v1 =	vld [tilespmem:s29+$0x4F60];
	_ =	sdelay $0x1  }
0x55: {  	v0 =	vmul.f32 v0, v6  }
0x56: {  	v3 =	vmul.f32 v5, v3  }
0x57: {  	[tilespmem:s29+$0x9F30] =	vst v0;
	v0 =	vmul.f32 v4, v2  }
0x58: {  	s28 =	sadd.s32 s3, s26;
	[tilespmem:s29+$0x9F40] =	vst v3;
	v1 =	vmul.f32 v7, v1  }
0x59: {  	s28 =	sshll.u32 s28, $0x4;
	[tilespmem:s29+$0x9F50] =	vst v0  }
0x5a: {  	s28 =	sadd.s32 s5, s28;
	[tilespmem:s29+$0x9F60] =	vst v1;
	s29 =	simm.s32 $0x0  }
0x5b: {  	[hbm4b:s28+s29] =	stream.linear.scatter [tilespmem:s19], [sflag:$0x5], $0x2800, $0x38;
	[tilespmem:$0x13F00] =	vst v63  }
0x5c: {  	_ =	swait.ge [sflag:s10], $0x2800  }
0x5d: {  	[sflag:s10] =	ssyncset.done $0x0  }
0x5e: {  	s28 =	sadd.s32 $0xA0, s26;
	[sflag:s10] =	ssyncadd.s32 $0xFFFFD800  }
0x5f: {  	[tilespmem:s13], [sflag:$0x1] =	stream.indirect.gather [hbm4b:s4+s12], $0x80, s28, s12, $0xb8;
	[tilespmem:$0x13F00] =	vst v63  }
0x60: {  	s31 =	sadd.s32 $0x2820, s26  }
0x61: {  	[tilespmem:s14], [sflag:$0x2] =	stream.indirect.gather [hbm4b:s4+s12], $0x80, s31, s12, $0xb8;
	[tilespmem:$0x13F00] =	vst v63  }
0x62: {  	_ =	swait.ge [sflag:s20], $0x2800  }
0x63: {  	[sflag:s20] =	ssyncset.done $0x0  }
0x64: {  	[sflag:s20] =	ssyncadd.s32 $0xFFFFD800  }
0x65: {  	_ =	swait.ge [sflag:s21], $0x2800  }
0x66: {  	[sflag:s21] =	ssyncset.done $0x0  }
0x67: {  	s26 =	simm.s32 $0x0;
	[sflag:s21] =	ssyncadd.s32 $0xFFFFD800  }
0x68: {  	v0 =	vld [tilespmem:s26+$0xC770]  }
0x69: {  	v1 =	vld [tilespmem:s26+$0xEF70]  }
0x6a: {  	v2 =	vld [tilespmem:s26+$0xC700]  }
0x6b: {  	v3 =	vld [tilespmem:s26+$0xEF00]  }
0x6c: {  	v4 =	vld [tilespmem:s26+$0xC710]  }
0x6d: {  	v5 =	vld [tilespmem:s26+$0xEF10]  }
0x6e: {  	v6 =	vld [tilespmem:s26+$0xC720]  }
0x6f: {  	v7 =	vld [tilespmem:s26+$0xC730]  }
0x70: {  	v0 =	vmul.f32 v1, v0;
	v1 =	vld [tilespmem:s26+$0xEF20]  }
0x71: {  	v8 =	vld [tilespmem:s26+$0xEF30]  }
0x72: {  	v9 =	vld [tilespmem:s26+$0xEF40];
	v2 =	vmul.f32 v3, v2  }
0x73: {  	[tilespmem:s26+$0x11770] =	vst v0;
	v0 =	vmul.f32 v5, v4;
	v5 =	vld [tilespmem:s26+$0xC740]  }
0x74: {  	v3 =	vld [tilespmem:s26+$0xEF50];
	[tilespmem:s26+$0x11700] =	vst v2  }
0x75: {  	v2 =	vld [tilespmem:s26+$0xC750];
	[tilespmem:s26+$0x11710] =	vst v0;
	v0 =	vmul.f32 v1, v6  }
0x76: {  	v4 =	vld [tilespmem:s26+$0xEF60];
	v6 =	vmul.f32 v8, v7  }
0x77: {  	s28 =	simm.s32 $0x80;
	[tilespmem:s26+$0x11720] =	vst v0;
	v0 =	vld [tilespmem:s26+$0xC760]  }
0x78: {  	s29 =	simm.s32 $0x400;
	v5 =	vmul.f32 v9, v5;
	v1 =	vld [tilespmem:s28+$0xC770];
	[tilespmem:s26+$0x11730] =	vst v6  }
.LBB2_5:
0x79: {  	p0 =	sne.s32 s29, $0x9E00;
	v6 =	vld [tilespmem:s28+$0xEF70]  }
0x7a: {  	v7 =	vld [tilespmem:s28+$0xC700];
	[tilespmem:s26+$0x11740] =	vst v5;
	v2 =	vmul.f32 v3, v2  }
0x7b: {  	v3 =	vld [tilespmem:s28+$0xEF00]  }
0x7c: {  	v5 =	vld [tilespmem:s28+$0xC710];
	[tilespmem:s26+$0x11750] =	vst v2;
	v0 =	vmul.f32 v4, v0  }
0x7d: {  	v2 =	vld [tilespmem:s28+$0xEF10]  }
0x7e: {  	v4 =	vld [tilespmem:s28+$0xC720];
	v1 =	vmul.f32 v6, v1;
	[tilespmem:s26+$0x11760] =	vst v0;
	s26 =	smov.u32 s28  }
0x7f: {  	v0 =	vld [tilespmem:s26+$0xEF20]  }
0x80: {  	v3 =	vmul.f32 v3, v7;
	v6 =	vld [tilespmem:s26+$0xC730];
	[tilespmem:s26+$0x11770] =	vst v1  }
0x81: {  	v1 =	vld [tilespmem:s26+$0xEF30]  }
0x82: {  	[tilespmem:s26+$0x11700] =	vst v3;
	v2 =	vmul.f32 v2, v5;
	v5 =	vld [tilespmem:s26+$0xC740]  }
0x83: {  	v7 =	vld [tilespmem:s26+$0xEF40]  }
.Ltmp1:
0x84: {  	[tilespmem:s26+$0x11710] =	vst v2;
	v0 =	vmul.f32 v0, v4;
	v2 =	vld [tilespmem:s26+$0xC750];
	(pc) =	sbr.rel @p0 .LBB2_5-.Ltmp1, $4  }
0x85: {  	v3 =	vld [tilespmem:s26+$0xEF50]  }
0x86: {  	[tilespmem:s26+$0x11720] =	vst v0;
	v6 =	vmul.f32 v1, v6;
	v0 =	vld [tilespmem:s26+$0xC760]  }
0x87: {  	s28 =	sshra.s32 s29, $0x2;
	v4 =	vld [tilespmem:s26+$0xEF60]  }
0x88: {  	s29 =	sadd.s32 $0x200, s29;
	v1 =	vld [tilespmem:s28+$0xC770];
	[tilespmem:s26+$0x11730] =	vst v6;
	v5 =	vmul.f32 v7, v5  }
0x89: {  	v6 =	vld [tilespmem:s28+$0xEF70]  }
0x8a: {  	v7 =	vld [tilespmem:s28+$0xC700];
	[tilespmem:s26+$0x11740] =	vst v5;
	v2 =	vmul.f32 v3, v2  }
0x8b: {  	v51 =	vld [tilespmem:s28+$0xEF00]  }
0x8c: {  	v5 =	vld [tilespmem:s28+$0xC710];
	[tilespmem:s26+$0x11750] =	vst v2;
	v0 =	vmul.f32 v4, v0  }
0x8d: {  	v2 =	vld [tilespmem:s28+$0xEF10]  }
0x8e: {  	v52 =	vld [tilespmem:s28+$0xC720];
	[tilespmem:s26+$0x11760] =	vst v0  }
0x8f: {  	v54 =	vld [tilespmem:s28+$0xEF20]  }
0x90: {  	v55 =	vld [tilespmem:s28+$0xC730]  }
0x91: {  	v56 =	vld [tilespmem:s28+$0xEF30]  }
0x92: {  	v57 =	vld [tilespmem:s28+$0xC740]  }
0x93: {  	v58 =	vld [tilespmem:s28+$0xEF40]  }
0x94: {  	v59 =	vld [tilespmem:s28+$0xC750]  }
0x95: {  	v53 =	vmul.f32 v6, v1;
	v60 =	vld [tilespmem:s28+$0xEF50]  }
0x96: {  	v61 =	vld [tilespmem:s28+$0xC760];
	v3 =	vmul.f32 v51, v7  }
0x97: {  	v62 =	vld [tilespmem:s28+$0xEF60];
	[tilespmem:s28+$0x11770] =	vst v53;
	v2 =	vmul.f32 v2, v5  }
0x98: {  	[tilespmem:s28+$0x11700] =	vst v3;
	v1 =	vmul.f32 v54, v52  }
0x99: {  	[tilespmem:s28+$0x11710] =	vst v2;
	v0 =	vmul.f32 v56, v55  }
0x9a: {  	v3 =	vmul.f32 v58, v57;
	[tilespmem:s28+$0x11720] =	vst v1  }
0x9b: {  	v63 =	vmul.f32 v60, v59;
	[tilespmem:s28+$0x11730] =	vst v0  }
0x9c: {  	s25 =	sadd.s32 s3, s25;
	s24 =	sadd.s32 $0x1, s24;
	[tilespmem:s28+$0x11740] =	vst v3;
	v1 =	vmul.f32 v62, v61  }
0x9d: {  	s25 =	sshll.u32 s25, $0x4;
	p0 =	sne.s32 s24, $0x3E;
	[tilespmem:s28+$0x11750] =	vst v63  }
.Ltmp2:
0x9e: {  	s25 =	sadd.s32 s5, s25;
	[tilespmem:s28+$0x11760] =	vst v1;
	(pc) =	sbr.rel @p0 .LBB2_2-.Ltmp2, $4  }
0x9f: {  	[hbm4b:s25+s2] =	stream.linear.scatter [tilespmem:s22], [sflag:$0x5], $0x2800, $0x38;
	[tilespmem:$0x13F00] =	vst v63  }
0xa0: {  	_ =	swait.ge [sflag:s10], $0x2800  }
0xa1: {  	[sflag:s10] =	ssyncset.done $0x0  }
0xa2: {  	[sflag:s10] =	ssyncadd.s32 $0xFFFFD800  }
0xa3: {  	_ =	swait.ge [sflag:s17], $0x2800  }
0xa4: {  	[sflag:s17] =	ssyncset.done $0x0  }
0xa5: {  	[sflag:s17] =	ssyncadd.s32 $0xFFFFD800  }
0xa6: {  	_ =	swait.ge [sflag:s18], $0x2800  }
0xa7: {  	[sflag:s18] =	ssyncset.done $0x0  }
0xa8: {  	s24 =	simm.s32 $0x0;
	[sflag:s18] =	ssyncadd.s32 $0xFFFFD800  }
0xa9: {  	v0 =	vld [tilespmem:s24+$0x4F70]  }
0xaa: {  	v1 =	vld [tilespmem:s24+$0x7770]  }
0xab: {  	v2 =	vld [tilespmem:s24+$0x4F00]  }
0xac: {  	v3 =	vld [tilespmem:s24+$0x7700]  }
0xad: {  	v4 =	vld [tilespmem:s24+$0x4F10]  }
0xae: {  	v5 =	vld [tilespmem:s24+$0x7710]  }
0xaf: {  	v6 =	vld [tilespmem:s24+$0x4F20]  }
0xb0: {  	v7 =	vld [tilespmem:s24+$0x4F30]  }
0xb1: {  	v0 =	vmul.f32 v1, v0;
	v1 =	vld [tilespmem:s24+$0x7720]  }
0xb2: {  	v8 =	vld [tilespmem:s24+$0x7730]  }
0xb3: {  	v9 =	vld [tilespmem:s24+$0x7740];
	v2 =	vmul.f32 v3, v2  }
0xb4: {  	[tilespmem:s24+$0x9F70] =	vst v0;
	v0 =	vmul.f32 v5, v4;
	v5 =	vld [tilespmem:s24+$0x4F40]  }
0xb5: {  	v3 =	vld [tilespmem:s24+$0x7750];
	[tilespmem:s24+$0x9F00] =	vst v2  }
0xb6: {  	v2 =	vld [tilespmem:s24+$0x4F50];
	[tilespmem:s24+$0x9F10] =	vst v0;
	v0 =	vmul.f32 v1, v6  }
0xb7: {  	v4 =	vld [tilespmem:s24+$0x7760];
	v6 =	vmul.f32 v8, v7  }
0xb8: {  	s25 =	simm.s32 $0x80;
	[tilespmem:s24+$0x9F20] =	vst v0;
	v0 =	vld [tilespmem:s24+$0x4F60]  }
0xb9: {  	s26 =	simm.s32 $0x400;
	v5 =	vmul.f32 v9, v5;
	v1 =	vld [tilespmem:s25+$0x4F70];
	[tilespmem:s24+$0x9F30] =	vst v6  }
.LBB2_8:
0xba: {  	p0 =	sne.s32 s26, $0x9E00;
	v6 =	vld [tilespmem:s25+$0x7770]  }
0xbb: {  	v7 =	vld [tilespmem:s25+$0x4F00];
	[tilespmem:s24+$0x9F40] =	vst v5;
	v2 =	vmul.f32 v3, v2  }
0xbc: {  	v3 =	vld [tilespmem:s25+$0x7700]  }
0xbd: {  	v5 =	vld [tilespmem:s25+$0x4F10];
	[tilespmem:s24+$0x9F50] =	vst v2;
	v0 =	vmul.f32 v4, v0  }
0xbe: {  	v2 =	vld [tilespmem:s25+$0x7710]  }
0xbf: {  	v4 =	vld [tilespmem:s25+$0x4F20];
	v1 =	vmul.f32 v6, v1;
	[tilespmem:s24+$0x9F60] =	vst v0;
	s24 =	smov.u32 s25  }
0xc0: {  	v0 =	vld [tilespmem:s24+$0x7720]  }
0xc1: {  	v3 =	vmul.f32 v3, v7;
	v6 =	vld [tilespmem:s24+$0x4F30];
	[tilespmem:s24+$0x9F70] =	vst v1  }
0xc2: {  	v1 =	vld [tilespmem:s24+$0x7730]  }
0xc3: {  	[tilespmem:s24+$0x9F00] =	vst v3;
	v2 =	vmul.f32 v2, v5;
	v5 =	vld [tilespmem:s24+$0x4F40]  }
0xc4: {  	v7 =	vld [tilespmem:s24+$0x7740]  }
.Ltmp3:
0xc5: {  	[tilespmem:s24+$0x9F10] =	vst v2;
	v0 =	vmul.f32 v0, v4;
	v2 =	vld [tilespmem:s24+$0x4F50];
	(pc) =	sbr.rel @p0 .LBB2_8-.Ltmp3, $4  }
0xc6: {  	v3 =	vld [tilespmem:s24+$0x7750]  }
0xc7: {  	[tilespmem:s24+$0x9F20] =	vst v0;
	v6 =	vmul.f32 v1, v6;
	v0 =	vld [tilespmem:s24+$0x4F60]  }
0xc8: {  	s25 =	sshra.s32 s26, $0x2;
	v4 =	vld [tilespmem:s24+$0x7760]  }
0xc9: {  	s26 =	sadd.s32 $0x200, s26;
	v1 =	vld [tilespmem:s25+$0x4F70];
	[tilespmem:s24+$0x9F30] =	vst v6;
	v5 =	vmul.f32 v7, v5  }
0xca: {  	v6 =	vld [tilespmem:s25+$0x7770]  }
0xcb: {  	v7 =	vld [tilespmem:s25+$0x4F00];
	[tilespmem:s24+$0x9F40] =	vst v5;
	v2 =	vmul.f32 v3, v2  }
0xcc: {  	v51 =	vld [tilespmem:s25+$0x7700]  }
0xcd: {  	v5 =	vld [tilespmem:s25+$0x4F10];
	[tilespmem:s24+$0x9F50] =	vst v2;
	v0 =	vmul.f32 v4, v0  }
0xce: {  	v2 =	vld [tilespmem:s25+$0x7710]  }
0xcf: {  	v52 =	vld [tilespmem:s25+$0x4F20];
	[tilespmem:s24+$0x9F60] =	vst v0  }
0xd0: {  	v54 =	vld [tilespmem:s25+$0x7720]  }
0xd1: {  	v55 =	vld [tilespmem:s25+$0x4F30]  }
0xd2: {  	v56 =	vld [tilespmem:s25+$0x7730]  }
0xd3: {  	v57 =	vld [tilespmem:s25+$0x4F40]  }
0xd4: {  	v58 =	vld [tilespmem:s25+$0x7740]  }
0xd5: {  	v59 =	vld [tilespmem:s25+$0x4F50]  }
0xd6: {  	v53 =	vmul.f32 v6, v1;
	v60 =	vld [tilespmem:s25+$0x7750]  }
0xd7: {  	v61 =	vld [tilespmem:s25+$0x4F60];
	v3 =	vmul.f32 v51, v7  }
0xd8: {  	v62 =	vld [tilespmem:s25+$0x7760];
	[tilespmem:s25+$0x9F70] =	vst v53;
	v2 =	vmul.f32 v2, v5  }
0xd9: {  	[tilespmem:s25+$0x9F00] =	vst v3;
	v1 =	vmul.f32 v54, v52  }
0xda: {  	[tilespmem:s25+$0x9F10] =	vst v2;
	v0 =	vmul.f32 v56, v55  }
0xdb: {  	v3 =	vmul.f32 v58, v57;
	[tilespmem:s25+$0x9F20] =	vst v1  }
0xdc: {  	v63 =	vmul.f32 v60, v59;
	[tilespmem:s25+$0x9F30] =	vst v0  }
0xdd: {  	s23 =	sadd.s32 $0x1, s23;
	[tilespmem:s25+$0x9F40] =	vst v3;
	v1 =	vmul.f32 v62, v61  }
0xde: {  	p0 =	sne.s32 s23, s9;
	[tilespmem:s25+$0x9F50] =	vst v63  }
.Ltmp4:
0xdf: {  	[tilespmem:s25+$0x9F60] =	vst v1;
	(pc) =	sbr.rel @p0 .LBB2_1-.Ltmp4, $4  }
0xe0: {  	[hbm4b:s8+s2] =	stream.linear.scatter [tilespmem:s19], [sflag:$0x5], $0x2800, $0x38;
	[tilespmem:$0x13F00] =	vst v63  }
0xe1: {  	_ =	swait.ge [sflag:s10], $0x2800  }
0xe2: {  	[sflag:s10] =	ssyncset.done $0x0  }
0xe3: {  	[sflag:s10] =	ssyncadd.s32 $0xFFFFD800  }
0xe4: {  	_ =	sfence.sel $0x180000  }
0xe5: {  	[bflag:$0x0] =	sbarrier.arrive $0xFFFF  }
0xe6: {  	p0 =	sne.s32 s0, $0x0;
	_ =	strace $0x90000047  }
0xe7: {  	s0 =	sadd.s32 @!p0 $0x100000, s1;
	[bflag:$0x2] =	sbarrier.arrive $0xFFFF  }
0xe8: {  	[sflag:s0] =	ssyncadd.tile.s32 @!p0 $0x1;
	_ =	shalt  }
.Lfunc_end2:
_tile_overlayer_lowered:
.L_overlay_start_2:
0xe9: {  	(tag) =	ssettag $0x2  }
0xea: {  	s0 =	rddreg [dreg:$0x0];
	s2 =	stileid.u32  }
0xeb: {  	s1 =	rddreg [dreg:$0x1];
	p0 =	sne.s32 s2, $0x0  }
0xec: {  	s3 =	rddreg [dreg:$0x2];
	[bflag:$0x3] =	sbarrier.arrive $0xFFFF;
	s2 =	simm.s32 @!p0 $0x1C05  }
0xed: {  	[timem:s3], [sflag:s2] =	dma.local @!p0 [hbm:s0], s1  }
0xee: {  	s0 =	simm.s32 @!p0 $0x5  }
0xef: {  	_ =	swait.ge @!p0 [sflag:s0], s1  }
0xf0: {  	s1 =	ssub.s32 @!p0 $0x0, s1;
	[sflag:s0] =	ssyncset.done @!p0 $0x0  }
0xf1: {  	[sflag:s0] =	ssyncadd.s32 @!p0 s1  }
0xf2: {  	[bflag:$0x3] =	sbarrier.arrive $0xFFFF  }
0xf3: {  	_ =	shalt  }

</sc_bundles>
